<compile_context>
chip_gen: v7x
topology: tpu7x:2x2x1
jax: 0.10.2.dev20260603
libtpu: 0.0.44.dev20260713+nightly
codegen_flags: <defaults>
</compile_context>

<pallas_src>
import functools

import jax
import jax.numpy as jnp
from jax import lax
from jax.experimental import pallas as pl
from jax.experimental.pallas import tpu as pltpu
from jax.experimental.pallas import tpu_sc as plsc

_NW = 32

_NT = (((1,), (1,)), ((), ()))
_BPS = 2


def _sc_gather(word_table, gaz_table, word_ids, gaz_ids):
    bsz, seqlen = word_ids.shape[0] // 400, 400
    glen = gaz_ids.shape[0] // bsz
    wpw = seqlen // 4
    wwin = wpw + 4
    gwin = glen // 2
    d = word_table.shape[1]
    mesh = plsc.VectorSubcoreMesh(core_axis_name="c", subcore_axis_name="s")

    @functools.partial(
        pl.kernel,
        mesh=mesh,
        out_type=(
            jax.ShapeDtypeStruct((bsz * seqlen, d), jnp.float32),
            jax.ShapeDtypeStruct((bsz * glen, d), jnp.float32),
        ),
        scratch_types=[
            pltpu.VMEM((wwin,), jnp.int32),
            pltpu.VMEM((wwin, d), jnp.float32),
            pltpu.VMEM((gwin,), jnp.int32),
            pltpu.VMEM((gwin, d), jnp.float32),
            pltpu.SemaphoreType.DMA,
            pltpu.SemaphoreType.DMA,
            pltpu.SemaphoreType.DMA,
            pltpu.SemaphoreType.DMA,
        ],
    )
    def gather_kernel(wt, gt, wi, gi, wout, gout, wi_v, wrows_v, gi_v, grows_v,
                      s1, s2, s3, s4):
        wid = lax.axis_index("s") * 2 + lax.axis_index("c")
        wrow = lax.div(wid, 4)
        q = lax.rem(wid, 4)
        wcol = (lax.div(q, 2) * 25 + lax.rem(q, 2) * 12) * 8
        grow = lax.div(wid, 2)
        gcol = lax.rem(wid, 2) * gwin
        ci_w = pltpu.async_copy(
            wi.at[pl.ds(wrow * seqlen + wcol, wwin)], wi_v, s1)
        do_gaz = wid < 16

        @pl.when(do_gaz)
        def _():
            pltpu.async_copy(
                gi.at[pl.ds(grow * glen + gcol, gwin)], gi_v, s2).wait()
        ci_w.wait()
        cg_w = pltpu.async_copy(wt.at[wi_v], wrows_v, s3)

        @pl.when(do_gaz)
        def _():
            pltpu.async_copy(gt.at[gi_v], grows_v, s4).wait()
        cg_w.wait()
        co_w = pltpu.async_copy(
            wrows_v, wout.at[pl.ds(wrow * seqlen + wcol, wwin)], s1)

        @pl.when(do_gaz)
        def _():
            pltpu.async_copy(
                grows_v, gout.at[pl.ds(grow * glen + gcol, gwin)], s2).wait()
        co_w.wait()

    return gather_kernel(word_table, gaz_table, word_ids, gaz_ids)


def _elu(v):
    return jnp.where(v > 0, v, jnp.exp(v) - 1.0)


def _att_h(h, f1, f2, mask_bf):
    f32, bf = jnp.float32, jnp.bfloat16
    n, fdim = h.shape
    f1b, f2b = f1.astype(bf), f2.astype(bf)
    e = jnp.maximum(f1b + f2b, (0.1 * f1b) + (0.1 * f2b))
    p = jnp.exp(e) * mask_bf
    hext = jnp.concatenate([h, jnp.ones((n, 1), f32)], 1).astype(bf)
    oe = jnp.dot(p, hext, preferred_element_type=f32)
    r = jnp.reciprocal(jnp.maximum(oe[:, fdim:], 1e-30))
    return oe[:, :fdim] * r


def _att_multi(xin, mask_bf, w, wa1, wa2, ow):
    f32 = jnp.float32
    nheads = w.shape[0]
    fa1 = lax.dot_general(xin, wa1, _NT, preferred_element_type=f32)
    fa2 = lax.dot_general(wa2, xin, _NT, preferred_element_type=f32)
    h2 = None
    for k in range(nheads):
        hk = jnp.dot(xin, w[k], preferred_element_type=f32)
        hk = _elu(_att_h(hk, fa1[:, k:k + 1], fa2[k:k + 1, :], mask_bf))
        part = jnp.dot(hk, ow[k], preferred_element_type=f32)
        h2 = part if h2 is None else h2 + part
    return h2


def _tc_body(word_ref, gaz_ref, t_ref, c_ref, l_ref, w2cw_ref, w2cb_ref,
             convw_ref, convb_ref, bng_ref, bnb_ref, h2tw_ref, h2tb_ref,
             hw_ref, wa_ref, ow_ref, oa1_ref, oa2_ref, fuse_ref,
             out_ref):
    f32 = jnp.float32
    d = word_ref.shape[1]
    seq = word_ref.shape[0] // _BPS
    zero_row = jnp.zeros((1, d), f32)
    bn_scale = 1.0 / jnp.sqrt(jnp.float32(1.0 + 1e-5))
    for j in range(_BPS):
        x = jnp.tanh(jnp.dot(word_ref[j * seq:(j + 1) * seq], w2cw_ref[...],
                             preferred_element_type=f32) + w2cb_ref[...])
        for i in range(convw_ref.shape[0]):
            z0 = lax.dot_general(x, convw_ref[i, 0], _NT, preferred_element_type=f32)
            z1 = lax.dot_general(x, convw_ref[i, 1], _NT, preferred_element_type=f32)
            z2 = lax.dot_general(x, convw_ref[i, 2], _NT, preferred_element_type=f32)
            y = z1 + jnp.concatenate([zero_row, z0[:-1]], 0) \
                   + jnp.concatenate([z2[1:], zero_row], 0)
            y = jax.nn.relu(y + convb_ref[i])
            x = bng_ref[i] * y * bn_scale + bnb_ref[i]
        feat = x
        g0 = gaz_ref.shape[0] // _BPS
        gi_x = jnp.concatenate([feat, gaz_ref[j * g0:(j + 1) * g0]], 0)
        acc = jnp.dot(feat, h2tw_ref[...],
                      preferred_element_type=f32) + h2tb_ref[...]
        acc = acc * fuse_ref[0:1, 0:1]
        for g, adj_ref in enumerate((t_ref, c_ref, l_ref)):
            mask = (adj_ref[j] > 0).astype(jnp.bfloat16)
            h2 = _att_multi(gi_x, mask, hw_ref[g], wa_ref[g, 0], wa_ref[g, 1],
                            ow_ref[g])
            f1o = lax.dot_general(h2, oa1_ref[g], _NT,
                                  preferred_element_type=f32)
            f2o = lax.dot_general(oa2_ref[g], h2, _NT,
                                  preferred_element_type=f32)
            og = _elu(_att_h(h2, f1o, f2o, mask))
            acc = acc + fuse_ref[0:1, g + 1:g + 2] * og[:seq]
        out_ref[j] = acc


def _prep_weights(w2c_W, w2c_b, conv_W, conv_b, bn_gamma, bn_beta, h2t_W,
                  h2t_b, gat_head_W, gat_head_a, gat_out_W, gat_out_a, fuse_w):
    d = w2c_W.shape[0]
    nlayers = conv_W.shape[0]
    ngraph, nheads, _, nhid = gat_head_W.shape
    nclass = gat_out_W.shape[2]
    convw = jnp.transpose(conv_W, (0, 3, 1, 2))
    wa = jnp.einsum('gkdf,gkcf->gckd', gat_head_W,
                    gat_head_a.reshape(ngraph, nheads, 2, nhid))
    oa1 = gat_out_a[:, :nclass].reshape(ngraph, 1, nclass)
    oa2 = gat_out_a[:, nclass:].reshape(ngraph, 1, nclass)
    oww = gat_out_W.reshape(ngraph, nheads, nhid, nclass)
    return (
        w2c_W, w2c_b.reshape(1, d), convw, conv_b.reshape(nlayers, 1, d),
        bn_gamma.reshape(nlayers, 1, d), bn_beta.reshape(nlayers, 1, d),
        h2t_W, h2t_b.reshape(1, nclass), gat_head_W, wa,
        oww, oa1, oa2, fuse_w.reshape(1, 4),
    )


def _tc_call(wrows, grows, t_graph, c_graph, l_graph, weights, b, seq, g):
    d = wrows.shape[1]
    n = seq + g
    nclass = weights[6].shape[1]
    full = lambda a: pl.BlockSpec(a.shape, lambda i, nd=a.ndim: (0,) * nd)
    in_specs = [
        pl.BlockSpec((_BPS * seq, d), lambda i: (i, 0)),
        pl.BlockSpec((_BPS * g, d), lambda i: (i, 0)),
        pl.BlockSpec((_BPS, n, n), lambda i: (i, 0, 0)),
        pl.BlockSpec((_BPS, n, n), lambda i: (i, 0, 0)),
        pl.BlockSpec((_BPS, n, n), lambda i: (i, 0, 0)),
    ] + [full(w) for w in weights]
    return pl.pallas_call(
        _tc_body,
        grid=(b // _BPS,),
        in_specs=in_specs,
        out_specs=pl.BlockSpec((_BPS, seq, nclass), lambda i: (i, 0, 0)),
        out_shape=jax.ShapeDtypeStruct((b, seq, nclass), jnp.float32),
        compiler_params=pltpu.CompilerParams(
            dimension_semantics=("parallel",)),
    )(wrows, grows, t_graph, c_graph, l_graph, *weights)


def kernel(word_inputs, gaz_list, t_graph, c_graph, l_graph, word_table,
           gaz_table, w2c_W, w2c_b, conv_W, conv_b, bn_gamma, bn_beta,
           h2t_W, h2t_b, gat_head_W, gat_head_a, gat_out_W, gat_out_a,
           fuse_w):
    b, seq = word_inputs.shape
    g = gaz_list.shape[1]
    wrows, grows = _sc_gather(word_table, gaz_table,
                              word_inputs.reshape(-1).astype(jnp.int32),
                              gaz_list.reshape(-1).astype(jnp.int32))
    weights = _prep_weights(w2c_W, w2c_b, conv_W, conv_b, bn_gamma, bn_beta,
                            h2t_W, h2t_b, gat_head_W, gat_head_a, gat_out_W,
                            gat_out_a, fuse_w)
    return _tc_call(wrows, grows, t_graph, c_graph, l_graph, weights, b, seq, g)

# --- scband reference (transcript-rebuilt; emitter-appended) ---
"""Pipeline reference for scband-word-sequence-49143015801542 (READ-ONLY COPY).

The authoritative reference and input builder live on the scoring server;
editing this copy changes nothing except your own understanding.
"""

import jax, jax.numpy as jnp
import numpy as np


def _att_layer(x, adj, W, a, concat):
    h = jnp.einsum('bnf,fo->bno', x, W)
    Fo = W.shape[1]
    f1 = jnp.einsum('bno,o->bn', h, a[:Fo])
    f2 = jnp.einsum('bno,o->bn', h, a[Fo:])
    e = jax.nn.leaky_relu(f1[:, :, None] + f2[:, None, :], negative_slope=0.1)
    e = jnp.where(adj > 0, e, -9e15)
    attn = jax.nn.softmax(e, axis=-1)
    out = jnp.einsum('bnm,bmo->bno', attn, h)
    return jax.nn.elu(out) if concat else out


def _gat(x, adj, head_W, head_a, out_W, out_a):
    heads = [_att_layer(x, adj, head_W[i], head_a[i], True) for i in range(head_W.shape[0])]
    x1 = jnp.concatenate(heads, axis=-1)
    return jax.nn.elu(_att_layer(x1, adj, out_W, out_a, False))


def setup_inputs(seed: int = 0):
    key = jax.random.key(seed)
    ks = jax.random.split(key, 20)
    B, L, G, D, nclass, nheads, nhid = 8, 400, 112, 128, 32, 5, 30
    N = L + G
    inp = {}
    inp['word_inputs'] = jax.random.randint(ks[0], (B, L), 0, 100000)
    inp['gaz_list'] = jax.random.randint(ks[1], (B, G), 0, 200000)
    inp['t_graph'] = jax.random.randint(ks[2], (B, N, N), 0, 2, dtype=jnp.int32)
    inp['c_graph'] = jax.random.randint(ks[3], (B, N, N), 0, 2, dtype=jnp.int32)
    inp['l_graph'] = jax.random.randint(ks[4], (B, N, N), 0, 2, dtype=jnp.int32)
    inp['word_table'] = jax.random.normal(ks[5], (100000, D), dtype=jnp.float32) * 0.05
    inp['gaz_table'] = jax.random.normal(ks[6], (200000, D), dtype=jnp.float32) * 0.05
    inp['w2c_W'] = jax.random.normal(ks[7], (D, D), dtype=jnp.float32) * 0.05
    inp['w2c_b'] = jnp.zeros((D,), dtype=jnp.float32)
    inp['conv_W'] = jax.random.normal(ks[8], (4, D, D, 3), dtype=jnp.float32) * 0.05
    inp['conv_b'] = jnp.zeros((4, D), dtype=jnp.float32)
    inp['bn_gamma'] = jnp.ones((4, D), dtype=jnp.float32)
    inp['bn_beta'] = jnp.zeros((4, D), dtype=jnp.float32)
    inp['h2t_W'] = jax.random.normal(ks[9], (D, nclass), dtype=jnp.float32) * 0.05
    inp['h2t_b'] = jnp.zeros((nclass,), dtype=jnp.float32)
    inp['gat_head_W'] = jax.random.normal(ks[10], (3, nheads, D, nhid), dtype=jnp.float32) * 0.05
    inp['gat_head_a'] = jax.random.normal(ks[11], (3, nheads, 2 * nhid), dtype=jnp.float32) * 0.05
    inp['gat_out_W'] = jax.random.normal(ks[12], (3, nheads * nhid, nclass), dtype=jnp.float32) * 0.05
    inp['gat_out_a'] = jax.random.normal(ks[13], (3, 2 * nclass), dtype=jnp.float32) * 0.05
    inp['fuse_w'] = jnp.ones((4,), dtype=jnp.float32)
    return inp


def reference(word_inputs, gaz_list, t_graph, c_graph, l_graph, word_table, gaz_table, w2c_W, w2c_b, conv_W, conv_b, bn_gamma, bn_beta, h2t_W, h2t_b, gat_head_W, gat_head_a, gat_out_W, gat_out_a, fuse_w):
    # WordRep (no char, no extra features, eval-mode dropout = identity)
    word_represent = jnp.take(word_table, word_inputs, axis=0)
    # CNN word feature extractor
    word_in = jnp.tanh(word_represent @ w2c_W + w2c_b)
    x = jnp.transpose(word_in, (0, 2, 1))
    for i in range(conv_W.shape[0]):
        x = jax.nn.relu(jax.lax.conv_general_dilated(x, conv_W[i], (1,), 'SAME', dimension_numbers=('NCH', 'OIH', 'NCH')) + conv_b[i][None, :, None])
        x = bn_gamma[i][None, :, None] * x / jnp.sqrt(1.0 + 1e-5) + bn_beta[i][None, :, None]
    feature_out = jnp.transpose(x, (0, 2, 1))
    # gaz embedding (eval-mode dropout = identity)
    gaz_feature = jnp.take(gaz_table, gaz_list, axis=0)
    max_seq_len = feature_out.shape[1]
    gat_input = jnp.concatenate([feature_out, gaz_feature], axis=1)
    g1 = _gat(gat_input, t_graph, gat_head_W[0], gat_head_a[0], gat_out_W[0], gat_out_a[0])[:, :max_seq_len, :]
    g2 = _gat(gat_input, c_graph, gat_head_W[1], gat_head_a[1], gat_out_W[1], gat_out_a[1])[:, :max_seq_len, :]
    g3 = _gat(gat_input, l_graph, gat_head_W[2], gat_head_a[2], gat_out_W[2], gat_out_a[2])[:, :max_seq_len, :]
    outputs = feature_out @ h2t_W + h2t_b
    crf_feature = fuse_w[0] * outputs + fuse_w[1] * g1 + fuse_w[2] * g2 + fuse_w[3] * g3
    return crf_feature

if __name__ == "__main__":
    import jax
    _d = setup_inputs()
    print(jax.jit(kernel)(*tuple(_d.values())))

</pallas_src>

<mosaic_0001>
#map = affine_map<(d0, d1) -> (0, 0)>
#map1 = affine_map<(d0, d1) -> (0)>
module attributes {stable_mosaic.version = 14 : i64} {
  func.func @gather_kernel(%arg0: i32, %arg1: i32, %arg2: memref<100000x128xf32, #tpu.memory_space<hbm>>, %arg3: memref<200000x128xf32, #tpu.memory_space<hbm>>, %arg4: memref<3200xi32, #tpu.memory_space<hbm>>, %arg5: memref<896xi32, #tpu.memory_space<hbm>>, %arg6: memref<3200x128xf32, #tpu.memory_space<hbm>>, %arg7: memref<896x128xf32, #tpu.memory_space<hbm>>, %arg8: memref<104xi32, #tpu.memory_space<vmem>>, %arg9: memref<104x128xf32, #tpu.memory_space<vmem>>, %arg10: memref<56xi32, #tpu.memory_space<vmem>>, %arg11: memref<56x128xf32, #tpu.memory_space<vmem>>, %arg12: memref<!tpu.dma_semaphore, #tpu.memory_space<semaphore_mem>>, %arg13: memref<!tpu.dma_semaphore, #tpu.memory_space<semaphore_mem>>, %arg14: memref<!tpu.dma_semaphore, #tpu.memory_space<semaphore_mem>>, %arg15: memref<!tpu.dma_semaphore, #tpu.memory_space<semaphore_mem>>) attributes {dimension_semantics = [#tpu.dimension_semantics<core_parallel>, #tpu.dimension_semantics<subcore_parallel>], iteration_bounds = array<i64: 2, 16>, scalar_prefetch = 0 : i64, scratch_operands = 8 : i64, tpu.core_type = #tpu.core_type<sc_vector_subcore>, window_params = [{transform_indices = #map}, {transform_indices = #map}, {transform_indices = #map1}, {transform_indices = #map1}, {transform_indices = #map}, {transform_indices = #map}]} {
    %mul3A = arith.constant 2 : i32
    %mul3A_0 = arith.muli %arg1, %mul3A : i32
    %add3A = arith.addi %mul3A_0, %arg0 : i32
    %div3A = arith.constant 4 : i32
    %div3A_1 = arith.divsi %add3A, %div3A : i32
    %rem3A = arith.constant 4 : i32
    %rem3A_2 = arith.remsi %add3A, %rem3A : i32
    %div3A_3 = arith.constant 2 : i32
    %div3A_4 = arith.divsi %rem3A_2, %div3A_3 : i32
    %mul3A_5 = arith.constant 25 : i32
    %mul3A_6 = arith.muli %div3A_4, %mul3A_5 : i32
    %rem3A_7 = arith.constant 2 : i32
    %rem3A_8 = arith.remsi %rem3A_2, %rem3A_7 : i32
    %mul3A_9 = arith.constant 12 : i32
    %mul3A_10 = arith.muli %rem3A_8, %mul3A_9 : i32
    %add3A_11 = arith.addi %mul3A_6, %mul3A_10 : i32
    %mul3A_12 = arith.constant 8 : i32
    %mul3A_13 = arith.muli %add3A_11, %mul3A_12 : i32
    %div3A_14 = arith.constant 2 : i32
    %div3A_15 = arith.divsi %add3A, %div3A_14 : i32
    %rem3A_16 = arith.constant 2 : i32
    %rem3A_17 = arith.remsi %add3A, %rem3A_16 : i32
    %mul3A_18 = arith.constant 56 : i32
    %mul3A_19 = arith.muli %rem3A_17, %mul3A_18 : i32
    %mul3A_20 = arith.constant 400 : i32
    %mul3A_21 = arith.muli %div3A_1, %mul3A_20 : i32
    %add3A_22 = arith.addi %mul3A_21, %mul3A_13 : i32
    %dma_start3A = tpu.memref_slice %arg4[%add3A_22] : memref<3200xi32, #tpu.memory_space<hbm>> -> memref<104xi32, #tpu.memory_space<hbm>>
    %dma_start3A_23 = tpu.memref_slice %arg4[%add3A_22] : memref<3200xi32, #tpu.memory_space<hbm>> -> memref<104xi32, #tpu.memory_space<hbm>>
    tpu.enqueue_dma source(%dma_start3A_23 : memref<104xi32, #tpu.memory_space<hbm>>) target(%arg8 : memref<104xi32, #tpu.memory_space<vmem>>) target_semaphore(%arg12 : memref<!tpu.dma_semaphore, #tpu.memory_space<semaphore_mem>>)
    %lt3A = arith.constant 16 : i32
    %lt3A_24 = arith.cmpi slt, %add3A, %lt3A : i32
    %convert_element_type3A = arith.extui %lt3A_24 : i1 to i32
    %cond3A = arith.constant 0 : i32
    %cond3A_25 = arith.cmpi ne, %convert_element_type3A, %cond3A : i32
    scf.if %cond3A_25 {
      %mul3A_50 = arith.constant 112 : i32
      %mul3A_51 = arith.muli %div3A_15, %mul3A_50 : i32
      %add3A_52 = arith.addi %mul3A_51, %mul3A_19 : i32
      %dma_start3A_53 = tpu.memref_slice %arg5[%add3A_52] : memref<896xi32, #tpu.memory_space<hbm>> -> memref<56xi32, #tpu.memory_space<hbm>>
      %dma_start3A_54 = tpu.memref_slice %arg5[%add3A_52] : memref<896xi32, #tpu.memory_space<hbm>> -> memref<56xi32, #tpu.memory_space<hbm>>
      tpu.enqueue_dma source(%dma_start3A_54 : memref<56xi32, #tpu.memory_space<hbm>>) target(%arg10 : memref<56xi32, #tpu.memory_space<vmem>>) target_semaphore(%arg13 : memref<!tpu.dma_semaphore, #tpu.memory_space<semaphore_mem>>)
      %dma_wait3A_55 = tpu.memref_slice %arg5[%add3A_52] : memref<896xi32, #tpu.memory_space<hbm>> -> memref<56xi32, #tpu.memory_space<hbm>>
      %dma_wait3A_56 = tpu.memref_slice %arg5[%add3A_52] : memref<896xi32, #tpu.memory_space<hbm>> -> memref<56xi32, #tpu.memory_space<hbm>>
      tpu.wait_dma2 semaphore(%arg13 : memref<!tpu.dma_semaphore, #tpu.memory_space<semaphore_mem>>) src(%dma_wait3A_56 : memref<56xi32, #tpu.memory_space<hbm>>) dst(%arg10 : memref<56xi32, #tpu.memory_space<vmem>>)
    } else {
    }
    %dma_wait3A = tpu.memref_slice %arg4[%add3A_22] : memref<3200xi32, #tpu.memory_space<hbm>> -> memref<104xi32, #tpu.memory_space<hbm>>
    %dma_wait3A_26 = tpu.memref_slice %arg4[%add3A_22] : memref<3200xi32, #tpu.memory_space<hbm>> -> memref<104xi32, #tpu.memory_space<hbm>>
    tpu.wait_dma2 semaphore(%arg12 : memref<!tpu.dma_semaphore, #tpu.memory_space<semaphore_mem>>) src(%dma_wait3A_26 : memref<104xi32, #tpu.memory_space<hbm>>) dst(%arg8 : memref<104xi32, #tpu.memory_space<vmem>>)
    %dma_start3A_27 = arith.constant 0 : i32
    %dma_start3A_28 = arith.constant 0 : i32
    %dma_start3A_29 = tpu.memref_slice %arg2[%dma_start3A_27, %dma_start3A_28] : memref<100000x128xf32, #tpu.memory_space<hbm>> -> memref<100000x128xf32, #tpu.memory_space<hbm>>
    tpu.enqueue_indirect_dma source(%dma_start3A_29 : memref<100000x128xf32, #tpu.memory_space<hbm>>) target(%arg9 : memref<104x128xf32, #tpu.memory_space<vmem>>) offsets(%arg8 : memref<104xi32, #tpu.memory_space<vmem>>) semaphore(%arg14 : memref<!tpu.dma_semaphore, #tpu.memory_space<semaphore_mem>>)
    %convert_element_type3A_30 = arith.extui %lt3A_24 : i1 to i32
    %cond3A_31 = arith.constant 0 : i32
    %cond3A_32 = arith.cmpi ne, %convert_element_type3A_30, %cond3A_31 : i32
    scf.if %cond3A_32 {
      %dma_start3A_50 = arith.constant 0 : i32
      %dma_start3A_51 = arith.constant 0 : i32
      %dma_start3A_52 = tpu.memref_slice %arg3[%dma_start3A_50, %dma_start3A_51] : memref<200000x128xf32, #tpu.memory_space<hbm>> -> memref<200000x128xf32, #tpu.memory_space<hbm>>
      tpu.enqueue_indirect_dma source(%dma_start3A_52 : memref<200000x128xf32, #tpu.memory_space<hbm>>) target(%arg11 : memref<56x128xf32, #tpu.memory_space<vmem>>) offsets(%arg10 : memref<56xi32, #tpu.memory_space<vmem>>) semaphore(%arg15 : memref<!tpu.dma_semaphore, #tpu.memory_space<semaphore_mem>>)
      %dma_wait3A_53 = arith.constant 0 : i32
      %dma_wait3A_54 = arith.constant 0 : i32
      %dma_wait3A_55 = tpu.memref_slice %arg3[%dma_wait3A_53, %dma_wait3A_54] : memref<200000x128xf32, #tpu.memory_space<hbm>> -> memref<200000x128xf32, #tpu.memory_space<hbm>>
      tpu.wait_indirect_dma semaphore(%arg15 : memref<!tpu.dma_semaphore, #tpu.memory_space<semaphore_mem>>) src(%dma_wait3A_55 : memref<200000x128xf32, #tpu.memory_space<hbm>>) dst(%arg11 : memref<56x128xf32, #tpu.memory_space<vmem>>)
    } else {
    }
    %dma_wait3A_33 = arith.constant 0 : i32
    %dma_wait3A_34 = arith.constant 0 : i32
    %dma_wait3A_35 = tpu.memref_slice %arg2[%dma_wait3A_33, %dma_wait3A_34] : memref<100000x128xf32, #tpu.memory_space<hbm>> -> memref<100000x128xf32, #tpu.memory_space<hbm>>
    tpu.wait_indirect_dma semaphore(%arg14 : memref<!tpu.dma_semaphore, #tpu.memory_space<semaphore_mem>>) src(%dma_wait3A_35 : memref<100000x128xf32, #tpu.memory_space<hbm>>) dst(%arg9 : memref<104x128xf32, #tpu.memory_space<vmem>>)
    %mul3A_36 = arith.constant 400 : i32
    %mul3A_37 = arith.muli %div3A_1, %mul3A_36 : i32
    %add3A_38 = arith.addi %mul3A_37, %mul3A_13 : i32
    %dma_start3A_39 = arith.constant 0 : i32
    %dma_start3A_40 = tpu.memref_slice %arg6[%add3A_38, %dma_start3A_39] : memref<3200x128xf32, #tpu.memory_space<hbm>> -> memref<104x128xf32, #tpu.memory_space<hbm>>
    %dma_start3A_41 = arith.constant 0 : i32
    %dma_start3A_42 = tpu.memref_slice %arg6[%add3A_38, %dma_start3A_41] : memref<3200x128xf32, #tpu.memory_space<hbm>> -> memref<104x128xf32, #tpu.memory_space<hbm>>
    tpu.enqueue_dma source(%arg9 : memref<104x128xf32, #tpu.memory_space<vmem>>) target(%dma_start3A_42 : memref<104x128xf32, #tpu.memory_space<hbm>>) target_semaphore(%arg12 : memref<!tpu.dma_semaphore, #tpu.memory_space<semaphore_mem>>)
    %convert_element_type3A_43 = arith.extui %lt3A_24 : i1 to i32
    %cond3A_44 = arith.constant 0 : i32
    %cond3A_45 = arith.cmpi ne, %convert_element_type3A_43, %cond3A_44 : i32
    scf.if %cond3A_45 {
      %mul3A_50 = arith.constant 112 : i32
      %mul3A_51 = arith.muli %div3A_15, %mul3A_50 : i32
      %add3A_52 = arith.addi %mul3A_51, %mul3A_19 : i32
      %dma_start3A_53 = arith.constant 0 : i32
      %dma_start3A_54 = tpu.memref_slice %arg7[%add3A_52, %dma_start3A_53] : memref<896x128xf32, #tpu.memory_space<hbm>> -> memref<56x128xf32, #tpu.memory_space<hbm>>
      %dma_start3A_55 = arith.constant 0 : i32
      %dma_start3A_56 = tpu.memref_slice %arg7[%add3A_52, %dma_start3A_55] : memref<896x128xf32, #tpu.memory_space<hbm>> -> memref<56x128xf32, #tpu.memory_space<hbm>>
      tpu.enqueue_dma source(%arg11 : memref<56x128xf32, #tpu.memory_space<vmem>>) target(%dma_start3A_56 : memref<56x128xf32, #tpu.memory_space<hbm>>) target_semaphore(%arg13 : memref<!tpu.dma_semaphore, #tpu.memory_space<semaphore_mem>>)
      %dma_wait3A_57 = arith.constant 0 : i32
      %dma_wait3A_58 = tpu.memref_slice %arg7[%add3A_52, %dma_wait3A_57] : memref<896x128xf32, #tpu.memory_space<hbm>> -> memref<56x128xf32, #tpu.memory_space<hbm>>
      %dma_wait3A_59 = arith.constant 0 : i32
      %dma_wait3A_60 = tpu.memref_slice %arg7[%add3A_52, %dma_wait3A_59] : memref<896x128xf32, #tpu.memory_space<hbm>> -> memref<56x128xf32, #tpu.memory_space<hbm>>
      tpu.wait_dma2 semaphore(%arg13 : memref<!tpu.dma_semaphore, #tpu.memory_space<semaphore_mem>>) src(%arg11 : memref<56x128xf32, #tpu.memory_space<vmem>>) dst(%dma_wait3A_60 : memref<56x128xf32, #tpu.memory_space<hbm>>)
    } else {
    }
    %dma_wait3A_46 = arith.constant 0 : i32
    %dma_wait3A_47 = tpu.memref_slice %arg6[%add3A_38, %dma_wait3A_46] : memref<3200x128xf32, #tpu.memory_space<hbm>> -> memref<104x128xf32, #tpu.memory_space<hbm>>
    %dma_wait3A_48 = arith.constant 0 : i32
    %dma_wait3A_49 = tpu.memref_slice %arg6[%add3A_38, %dma_wait3A_48] : memref<3200x128xf32, #tpu.memory_space<hbm>> -> memref<104x128xf32, #tpu.memory_space<hbm>>
    tpu.wait_dma2 semaphore(%arg12 : memref<!tpu.dma_semaphore, #tpu.memory_space<semaphore_mem>>) src(%arg9 : memref<104x128xf32, #tpu.memory_space<vmem>>) dst(%dma_wait3A_49 : memref<104x128xf32, #tpu.memory_space<hbm>>)
    return
  }
}

module attributes {stable_mosaic.version = 14 : i64} {
  func.func @_tc_body(%arg0: i32, %arg1: memref<800x128xf32, #tpu.memory_space<vmem>>, %arg2: memref<224x128xf32, #tpu.memory_space<vmem>>, %arg3: memref<2x512x512xi32, #tpu.memory_space<vmem>>, %arg4: memref<2x512x512xi32, #tpu.memory_space<vmem>>, %arg5: memref<2x512x512xi32, #tpu.memory_space<vmem>>, %arg6: memref<128x128xf32, #tpu.memory_space<vmem>>, %arg7: memref<1x128xf32, #tpu.memory_space<vmem>>, %arg8: memref<4x3x128x128xf32, #tpu.memory_space<vmem>>, %arg9: memref<4x1x128xf32, #tpu.memory_space<vmem>>, %arg10: memref<4x1x128xf32, #tpu.memory_space<vmem>>, %arg11: memref<4x1x128xf32, #tpu.memory_space<vmem>>, %arg12: memref<128x32xf32, #tpu.memory_space<vmem>>, %arg13: memref<1x32xf32, #tpu.memory_space<vmem>>, %arg14: memref<3x5x128x30xf32, #tpu.memory_space<vmem>>, %arg15: memref<3x2x5x128xf32, #tpu.memory_space<vmem>>, %arg16: memref<3x5x30x32xf32, #tpu.memory_space<vmem>>, %arg17: memref<3x1x32xf32, #tpu.memory_space<vmem>>, %arg18: memref<3x1x32xf32, #tpu.memory_space<vmem>>, %arg19: memref<1x4xf32, #tpu.memory_space<vmem>>, %arg20: memref<2x400x32xf32, #tpu.memory_space<vmem>>) attributes {dimension_semantics = [#tpu.dimension_semantics<parallel>], iteration_bounds = array<i64: 4>, scalar_prefetch = 0 : i64, scratch_operands = 0 : i64, tpu.core_type = #tpu.core_type<tc>, window_params = [{transform_indices = @transform_0, window_bounds = array<i64: 800, 128>}, {transform_indices = @transform_1, window_bounds = array<i64: 224, 128>}, {transform_indices = @transform_2, window_bounds = array<i64: 2, 512, 512>}, {transform_indices = @transform_3, window_bounds = array<i64: 2, 512, 512>}, {transform_indices = @transform_4, window_bounds = array<i64: 2, 512, 512>}, {pipeline_mode = #tpu.pipeline_mode<synchronous>, transform_indices = @transform_5, window_bounds = array<i64: 128, 128>}, {pipeline_mode = #tpu.pipeline_mode<synchronous>, transform_indices = @transform_6, window_bounds = array<i64: 1, 128>}, {pipeline_mode = #tpu.pipeline_mode<synchronous>, transform_indices = @transform_7, window_bounds = array<i64: 4, 3, 128, 128>}, {pipeline_mode = #tpu.pipeline_mode<synchronous>, transform_indices = @transform_8, window_bounds = array<i64: 4, 1, 128>}, {pipeline_mode = #tpu.pipeline_mode<synchronous>, transform_indices = @transform_9, window_bounds = array<i64: 4, 1, 128>}, {pipeline_mode = #tpu.pipeline_mode<synchronous>, transform_indices = @transform_10, window_bounds = array<i64: 4, 1, 128>}, {pipeline_mode = #tpu.pipeline_mode<synchronous>, transform_indices = @transform_11, window_bounds = array<i64: 128, 32>}, {pipeline_mode = #tpu.pipeline_mode<synchronous>, transform_indices = @transform_12, window_bounds = array<i64: 1, 32>}, {pipeline_mode = #tpu.pipeline_mode<synchronous>, transform_indices = @transform_13, window_bounds = array<i64: 3, 5, 128, 30>}, {pipeline_mode = #tpu.pipeline_mode<synchronous>, transform_indices = @transform_14, window_bounds = array<i64: 3, 2, 5, 128>}, {pipeline_mode = #tpu.pipeline_mode<synchronous>, transform_indices = @transform_15, window_bounds = array<i64: 3, 5, 30, 32>}, {pipeline_mode = #tpu.pipeline_mode<synchronous>, transform_indices = @transform_16, window_bounds = array<i64: 3, 1, 32>}, {pipeline_mode = #tpu.pipeline_mode<synchronous>, transform_indices = @transform_17, window_bounds = array<i64: 3, 1, 32>}, {pipeline_mode = #tpu.pipeline_mode<synchronous>, transform_indices = @transform_18, window_bounds = array<i64: 1, 4>}, {transform_indices = @transform_19, window_bounds = array<i64: 2, 400, 32>}]} {
    %broadcast_in_dim3A = arith.constant 0.000000e+00 : f32
    %broadcast_in_dim3A_0 = vector.broadcast %broadcast_in_dim3A : f32 to vector<1x128xf32>
    %sqrt3A = arith.constant 1.000010e+00 : f32
    %sqrt3A_1 = math.sqrt %sqrt3A : f32
    %div3A = arith.constant 1.000000e+00 : f32
    %div3A_2 = arith.divf %div3A, %sqrt3A_1 : f32
    %get3A = arith.constant 0 : index
    %get3A_3 = arith.constant 0 : index
    %get3A_4 = vector.load %arg1[%get3A, %get3A_3] : memref<800x128xf32, #tpu.memory_space<vmem>>, vector<400x128xf32>
    %get3A_5 = arith.constant 0 : index
    %get3A_6 = arith.constant 0 : index
    %get3A_7 = vector.load %arg6[%get3A_5, %get3A_6] : memref<128x128xf32, #tpu.memory_space<vmem>>, vector<128x128xf32>
    %dot_general3A = arith.constant dense<0.000000e+00> : vector<400x128xf32>
    %dot_general3A_8 = tpu.matmul %get3A_4, %get3A_7, %dot_general3A {dimension_numbers = #tpu.dot_dimension_numbers<[1], [0], [0], [1], [0, 0, 1, 1], [], []>, transpose_lhs_hint = false} : vector<400x128xf32>, vector<128x128xf32>, vector<400x128xf32> -> vector<400x128xf32>
    %get3A_9 = arith.constant 0 : index
    %get3A_10 = arith.constant 0 : index
    %get3A_11 = vector.load %arg7[%get3A_9, %get3A_10] : memref<1x128xf32, #tpu.memory_space<vmem>>, vector<1x128xf32>
    %add3A = vector.broadcast %get3A_11 : vector<1x128xf32> to vector<400x128xf32>
    %add3A_12 = arith.addf %dot_general3A_8, %add3A : vector<400x128xf32>
    %tanh3A = math.tanh %add3A_12 : vector<400x128xf32>
    %get3A_13 = arith.constant 0 : index
    %get3A_14 = arith.constant 0 : index
    %get3A_15 = arith.constant 0 : index
    %get3A_16 = arith.constant 0 : index
    %get3A_17 = vector.load %arg8[%get3A_13, %get3A_14, %get3A_15, %get3A_16] : memref<4x3x128x128xf32, #tpu.memory_space<vmem>>, vector<1x1x128x128xf32>
    %get3A_18 = vector.shape_cast %get3A_17 : vector<1x1x128x128xf32> to vector<128x128xf32>
    %dot_general3A_19 = arith.constant dense<0.000000e+00> : vector<400x128xf32>
    %dot_general3A_20 = tpu.matmul %tanh3A, %get3A_18, %dot_general3A_19 {dimension_numbers = #tpu.dot_dimension_numbers<[1], [1], [0], [0], [0, 0, 1, 0], [], []>, transpose_lhs_hint = false} : vector<400x128xf32>, vector<128x128xf32>, vector<400x128xf32> -> vector<400x128xf32>
    %get3A_21 = arith.constant 0 : index
    %get3A_22 = arith.constant 1 : index
    %get3A_23 = arith.constant 0 : index
    %get3A_24 = arith.constant 0 : index
    %get3A_25 = vector.load %arg8[%get3A_21, %get3A_22, %get3A_23, %get3A_24] : memref<4x3x128x128xf32, #tpu.memory_space<vmem>>, vector<1x1x128x128xf32>
    %get3A_26 = vector.shape_cast %get3A_25 : vector<1x1x128x128xf32> to vector<128x128xf32>
    %dot_general3A_27 = arith.constant dense<0.000000e+00> : vector<400x128xf32>
    %dot_general3A_28 = tpu.matmul %tanh3A, %get3A_26, %dot_general3A_27 {dimension_numbers = #tpu.dot_dimension_numbers<[1], [1], [0], [0], [0, 0, 1, 0], [], []>, transpose_lhs_hint = false} : vector<400x128xf32>, vector<128x128xf32>, vector<400x128xf32> -> vector<400x128xf32>
    %get3A_29 = arith.constant 0 : index
    %get3A_30 = arith.constant 2 : index
    %get3A_31 = arith.constant 0 : index
    %get3A_32 = arith.constant 0 : index
    %get3A_33 = vector.load %arg8[%get3A_29, %get3A_30, %get3A_31, %get3A_32] : memref<4x3x128x128xf32, #tpu.memory_space<vmem>>, vector<1x1x128x128xf32>
    %get3A_34 = vector.shape_cast %get3A_33 : vector<1x1x128x128xf32> to vector<128x128xf32>
    %dot_general3A_35 = arith.constant dense<0.000000e+00> : vector<400x128xf32>
    %dot_general3A_36 = tpu.matmul %tanh3A, %get3A_34, %dot_general3A_35 {dimension_numbers = #tpu.dot_dimension_numbers<[1], [1], [0], [0], [0, 0, 1, 0], [], []>, transpose_lhs_hint = false} : vector<400x128xf32>, vector<128x128xf32>, vector<400x128xf32> -> vector<400x128xf32>
    %slice3A = vector.extract_strided_slice %dot_general3A_20 {offsets = [0, 0], sizes = [399, 128], strides = [1, 1]} : vector<400x128xf32> to vector<399x128xf32>
    %concatenate3A = tpu.concatenate %broadcast_in_dim3A_0, %slice3A in 0 : vector<1x128xf32>, vector<399x128xf32> -> vector<400x128xf32>
    %add3A_37 = arith.addf %dot_general3A_28, %concatenate3A : vector<400x128xf32>
    %slice3A_38 = vector.extract_strided_slice %dot_general3A_36 {offsets = [1, 0], sizes = [399, 128], strides = [1, 1]} : vector<400x128xf32> to vector<399x128xf32>
    %concatenate3A_39 = tpu.concatenate %slice3A_38, %broadcast_in_dim3A_0 in 0 : vector<399x128xf32>, vector<1x128xf32> -> vector<400x128xf32>
    %add3A_40 = arith.addf %add3A_37, %concatenate3A_39 : vector<400x128xf32>
    %get3A_41 = arith.constant 0 : index
    %get3A_42 = arith.constant 0 : index
    %get3A_43 = arith.constant 0 : index
    %get3A_44 = vector.load %arg9[%get3A_41, %get3A_42, %get3A_43] : memref<4x1x128xf32, #tpu.memory_space<vmem>>, vector<1x1x128xf32>
    %get3A_45 = vector.shape_cast %get3A_44 : vector<1x1x128xf32> to vector<1x128xf32>
    %add3A_46 = vector.broadcast %get3A_45 : vector<1x128xf32> to vector<400x128xf32>
    %add3A_47 = arith.addf %add3A_40, %add3A_46 : vector<400x128xf32>
    %max3A = arith.constant 0.000000e+00 : f32
    %max3A_48 = vector.broadcast %max3A : f32 to vector<400x128xf32>
    %max3A_49 = arith.maximumf %add3A_47, %max3A_48 : vector<400x128xf32>
    %get3A_50 = arith.constant 0 : index
    %get3A_51 = arith.constant 0 : index
    %get3A_52 = arith.constant 0 : index
    %get3A_53 = vector.load %arg10[%get3A_50, %get3A_51, %get3A_52] : memref<4x1x128xf32, #tpu.memory_space<vmem>>, vector<1x1x128xf32>
    %get3A_54 = vector.shape_cast %get3A_53 : vector<1x1x128xf32> to vector<1x128xf32>
    %mul3A = vector.broadcast %get3A_54 : vector<1x128xf32> to vector<400x128xf32>
    %mul3A_55 = arith.mulf %mul3A, %max3A_49 : vector<400x128xf32>
    %mul3A_56 = vector.broadcast %div3A_2 : f32 to vector<400x128xf32>
    %mul3A_57 = arith.mulf %mul3A_55, %mul3A_56 : vector<400x128xf32>
    %get3A_58 = arith.constant 0 : index
    %get3A_59 = arith.constant 0 : index
    %get3A_60 = arith.constant 0 : index
    %get3A_61 = vector.load %arg11[%get3A_58, %get3A_59, %get3A_60] : memref<4x1x128xf32, #tpu.memory_space<vmem>>, vector<1x1x128xf32>
    %get3A_62 = vector.shape_cast %get3A_61 : vector<1x1x128xf32> to vector<1x128xf32>
    %add3A_63 = vector.broadcast %get3A_62 : vector<1x128xf32> to vector<400x128xf32>
    %add3A_64 = arith.addf %mul3A_57, %add3A_63 : vector<400x128xf32>
    %get3A_65 = arith.constant 1 : index
    %get3A_66 = arith.constant 0 : index
    %get3A_67 = arith.constant 0 : index
    %get3A_68 = arith.constant 0 : index
    %get3A_69 = vector.load %arg8[%get3A_65, %get3A_66, %get3A_67, %get3A_68] : memref<4x3x128x128xf32, #tpu.memory_space<vmem>>, vector<1x1x128x128xf32>
    %get3A_70 = vector.shape_cast %get3A_69 : vector<1x1x128x128xf32> to vector<128x128xf32>
    %dot_general3A_71 = arith.constant dense<0.000000e+00> : vector<400x128xf32>
    %dot_general3A_72 = tpu.matmul %add3A_64, %get3A_70, %dot_general3A_71 {dimension_numbers = #tpu.dot_dimension_numbers<[1], [1], [0], [0], [0, 0, 1, 0], [], []>, transpose_lhs_hint = false} : vector<400x128xf32>, vector<128x128xf32>, vector<400x128xf32> -> vector<400x128xf32>
    %get3A_73 = arith.constant 1 : index
    %get3A_74 = arith.constant 1 : index
    %get3A_75 = arith.constant 0 : index
    %get3A_76 = arith.constant 0 : index
    %get3A_77 = vector.load %arg8[%get3A_73, %get3A_74, %get3A_75, %get3A_76] : memref<4x3x128x128xf32, #tpu.memory_space<vmem>>, vector<1x1x128x128xf32>
    %get3A_78 = vector.shape_cast %get3A_77 : vector<1x1x128x128xf32> to vector<128x128xf32>
    %dot_general3A_79 = arith.constant dense<0.000000e+00> : vector<400x128xf32>
    %dot_general3A_80 = tpu.matmul %add3A_64, %get3A_78, %dot_general3A_79 {dimension_numbers = #tpu.dot_dimension_numbers<[1], [1], [0], [0], [0, 0, 1, 0], [], []>, transpose_lhs_hint = false} : vector<400x128xf32>, vector<128x128xf32>, vector<400x128xf32> -> vector<400x128xf32>
    %get3A_81 = arith.constant 1 : index
    %get3A_82 = arith.constant 2 : index
    %get3A_83 = arith.constant 0 : index
    %get3A_84 = arith.constant 0 : index
    %get3A_85 = vector.load %arg8[%get3A_81, %get3A_82, %get3A_83, %get3A_84] : memref<4x3x128x128xf32, #tpu.memory_space<vmem>>, vector<1x1x128x128xf32>
    %get3A_86 = vector.shape_cast %get3A_85 : vector<1x1x128x128xf32> to vector<128x128xf32>
    %dot_general3A_87 = arith.constant dense<0.000000e+00> : vector<400x128xf32>
    %dot_general3A_88 = tpu.matmul %add3A_64, %get3A_86, %dot_general3A_87 {dimension_numbers = #tpu.dot_dimension_numbers<[1], [1], [0], [0], [0, 0, 1, 0], [], []>, transpose_lhs_hint = false} : vector<400x128xf32>, vector<128x128xf32>, vector<400x128xf32> -> vector<400x128xf32>
    %slice3A_89 = vector.extract_strided_slice %dot_general3A_72 {offsets = [0, 0], sizes = [399, 128], strides = [1, 1]} : vector<400x128xf32> to vector<399x128xf32>
    %concatenate3A_90 = tpu.concatenate %broadcast_in_dim3A_0, %slice3A_89 in 0 : vector<1x128xf32>, vector<399x128xf32> -> vector<400x128xf32>
    %add3A_91 = arith.addf %dot_general3A_80, %concatenate3A_90 : vector<400x128xf32>
    %slice3A_92 = vector.extract_strided_slice %dot_general3A_88 {offsets = [1, 0], sizes = [399, 128], strides = [1, 1]} : vector<400x128xf32> to vector<399x128xf32>
    %concatenate3A_93 = tpu.concatenate %slice3A_92, %broadcast_in_dim3A_0 in 0 : vector<399x128xf32>, vector<1x128xf32> -> vector<400x128xf32>
    %add3A_94 = arith.addf %add3A_91, %concatenate3A_93 : vector<400x128xf32>
    %get3A_95 = arith.constant 1 : index
    %get3A_96 = arith.constant 0 : index
    %get3A_97 = arith.constant 0 : index
    %get3A_98 = vector.load %arg9[%get3A_95, %get3A_96, %get3A_97] : memref<4x1x128xf32, #tpu.memory_space<vmem>>, vector<1x1x128xf32>
    %get3A_99 = vector.shape_cast %get3A_98 : vector<1x1x128xf32> to vector<1x128xf32>
    %add3A_100 = vector.broadcast %get3A_99 : vector<1x128xf32> to vector<400x128xf32>
    %add3A_101 = arith.addf %add3A_94, %add3A_100 : vector<400x128xf32>
    %max3A_102 = arith.constant 0.000000e+00 : f32
    %max3A_103 = vector.broadcast %max3A_102 : f32 to vector<400x128xf32>
    %max3A_104 = arith.maximumf %add3A_101, %max3A_103 : vector<400x128xf32>
    %get3A_105 = arith.constant 1 : index
    %get3A_106 = arith.constant 0 : index
    %get3A_107 = arith.constant 0 : index
    %get3A_108 = vector.load %arg10[%get3A_105, %get3A_106, %get3A_107] : memref<4x1x128xf32, #tpu.memory_space<vmem>>, vector<1x1x128xf32>
    %get3A_109 = vector.shape_cast %get3A_108 : vector<1x1x128xf32> to vector<1x128xf32>
    %mul3A_110 = vector.broadcast %get3A_109 : vector<1x128xf32> to vector<400x128xf32>
    %mul3A_111 = arith.mulf %mul3A_110, %max3A_104 : vector<400x128xf32>
    %mul3A_112 = vector.broadcast %div3A_2 : f32 to vector<400x128xf32>
    %mul3A_113 = arith.mulf %mul3A_111, %mul3A_112 : vector<400x128xf32>
    %get3A_114 = arith.constant 1 : index
    %get3A_115 = arith.constant 0 : index
    %get3A_116 = arith.constant 0 : index
    %get3A_117 = vector.load %arg11[%get3A_114, %get3A_115, %get3A_116] : memref<4x1x128xf32, #tpu.memory_space<vmem>>, vector<1x1x128xf32>
    %get3A_118 = vector.shape_cast %get3A_117 : vector<1x1x128xf32> to vector<1x128xf32>
    %add3A_119 = vector.broadcast %get3A_118 : vector<1x128xf32> to vector<400x128xf32>
    %add3A_120 = arith.addf %mul3A_113, %add3A_119 : vector<400x128xf32>
    %get3A_121 = arith.constant 2 : index
    %get3A_122 = arith.constant 0 : index
    %get3A_123 = arith.constant 0 : index
    %get3A_124 = arith.constant 0 : index
    %get3A_125 = vector.load %arg8[%get3A_121, %get3A_122, %get3A_123, %get3A_124] : memref<4x3x128x128xf32, #tpu.memory_space<vmem>>, vector<1x1x128x128xf32>
    %get3A_126 = vector.shape_cast %get3A_125 : vector<1x1x128x128xf32> to vector<128x128xf32>
    %dot_general3A_127 = arith.constant dense<0.000000e+00> : vector<400x128xf32>
    %dot_general3A_128 = tpu.matmul %add3A_120, %get3A_126, %dot_general3A_127 {dimension_numbers = #tpu.dot_dimension_numbers<[1], [1], [0], [0], [0, 0, 1, 0], [], []>, transpose_lhs_hint = false} : vector<400x128xf32>, vector<128x128xf32>, vector<400x128xf32> -> vector<400x128xf32>
    %get3A_129 = arith.constant 2 : index
    %get3A_130 = arith.constant 1 : index
    %get3A_131 = arith.constant 0 : index
    %get3A_132 = arith.constant 0 : index
    %get3A_133 = vector.load %arg8[%get3A_129, %get3A_130, %get3A_131, %get3A_132] : memref<4x3x128x128xf32, #tpu.memory_space<vmem>>, vector<1x1x128x128xf32>
    %get3A_134 = vector.shape_cast %get3A_133 : vector<1x1x128x128xf32> to vector<128x128xf32>
    %dot_general3A_135 = arith.constant dense<0.000000e+00> : vector<400x128xf32>
    %dot_general3A_136 = tpu.matmul %add3A_120, %get3A_134, %dot_general3A_135 {dimension_numbers = #tpu.dot_dimension_numbers<[1], [1], [0], [0], [0, 0, 1, 0], [], []>, transpose_lhs_hint = false} : vector<400x128xf32>, vector<128x128xf32>, vector<400x128xf32> -> vector<400x128xf32>
    %get3A_137 = arith.constant 2 : index
    %get3A_138 = arith.constant 2 : index
    %get3A_139 = arith.constant 0 : index
    %get3A_140 = arith.constant 0 : index
    %get3A_141 = vector.load %arg8[%get3A_137, %get3A_138, %get3A_139, %get3A_140] : memref<4x3x128x128xf32, #tpu.memory_space<vmem>>, vector<1x1x128x128xf32>
    %get3A_142 = vector.shape_cast %get3A_141 : vector<1x1x128x128xf32> to vector<128x128xf32>
    %dot_general3A_143 = arith.constant dense<0.000000e+00> : vector<400x128xf32>
    %dot_general3A_144 = tpu.matmul %add3A_120, %get3A_142, %dot_general3A_143 {dimension_numbers = #tpu.dot_dimension_numbers<[1], [1], [0], [0], [0, 0, 1, 0], [], []>, transpose_lhs_hint = false} : vector<400x128xf32>, vector<128x128xf32>, vector<400x128xf32> -> vector<400x128xf32>
    %slice3A_145 = vector.extract_strided_slice %dot_general3A_128 {offsets = [0, 0], sizes = [399, 128], strides = [1, 1]} : vector<400x128xf32> to vector<399x128xf32>
    %concatenate3A_146 = tpu.concatenate %broadcast_in_dim3A_0, %slice3A_145 in 0 : vector<1x128xf32>, vector<399x128xf32> -> vector<400x128xf32>
    %add3A_147 = arith.addf %dot_general3A_136, %concatenate3A_146 : vector<400x128xf32>
    %slice3A_148 = vector.extract_strided_slice %dot_general3A_144 {offsets = [1, 0], sizes = [399, 128], strides = [1, 1]} : vector<400x128xf32> to vector<399x128xf32>
    %concatenate3A_149 = tpu.concatenate %slice3A_148, %broadcast_in_dim3A_0 in 0 : vector<399x128xf32>, vector<1x128xf32> -> vector<400x128xf32>
    %add3A_150 = arith.addf %add3A_147, %concatenate3A_149 : vector<400x128xf32>
    %get3A_151 = arith.constant 2 : index
    %get3A_152 = arith.constant 0 : index
    %get3A_153 = arith.constant 0 : index
    %get3A_154 = vector.load %arg9[%get3A_151, %get3A_152, %get3A_153] : memref<4x1x128xf32, #tpu.memory_space<vmem>>, vector<1x1x128xf32>
    %get3A_155 = vector.shape_cast %get3A_154 : vector<1x1x128xf32> to vector<1x128xf32>
    %add3A_156 = vector.broadcast %get3A_155 : vector<1x128xf32> to vector<400x128xf32>
    %add3A_157 = arith.addf %add3A_150, %add3A_156 : vector<400x128xf32>
    %max3A_158 = arith.constant 0.000000e+00 : f32
    %max3A_159 = vector.broadcast %max3A_158 : f32 to vector<400x128xf32>
    %max3A_160 = arith.maximumf %add3A_157, %max3A_159 : vector<400x128xf32>
    %get3A_161 = arith.constant 2 : index
    %get3A_162 = arith.constant 0 : index
    %get3A_163 = arith.constant 0 : index
    %get3A_164 = vector.load %arg10[%get3A_161, %get3A_162, %get3A_163] : memref<4x1x128xf32, #tpu.memory_space<vmem>>, vector<1x1x128xf32>
    %get3A_165 = vector.shape_cast %get3A_164 : vector<1x1x128xf32> to vector<1x128xf32>
    %mul3A_166 = vector.broadcast %get3A_165 : vector<1x128xf32> to vector<400x128xf32>
    %mul3A_167 = arith.mulf %mul3A_166, %max3A_160 : vector<400x128xf32>
    %mul3A_168 = vector.broadcast %div3A_2 : f32 to vector<400x128xf32>
    %mul3A_169 = arith.mulf %mul3A_167, %mul3A_168 : vector<400x128xf32>
    %get3A_170 = arith.constant 2 : index
    %get3A_171 = arith.constant 0 : index
    %get3A_172 = arith.constant 0 : index
    %get3A_173 = vector.load %arg11[%get3A_170, %get3A_171, %get3A_172] : memref<4x1x128xf32, #tpu.memory_space<vmem>>, vector<1x1x128xf32>
    %get3A_174 = vector.shape_cast %get3A_173 : vector<1x1x128xf32> to vector<1x128xf32>
    %add3A_175 = vector.broadcast %get3A_174 : vector<1x128xf32> to vector<400x128xf32>
    %add3A_176 = arith.addf %mul3A_169, %add3A_175 : vector<400x128xf32>
    %get3A_177 = arith.constant 3 : index
    %get3A_178 = arith.constant 0 : index
    %get3A_179 = arith.constant 0 : index
    %get3A_180 = arith.constant 0 : index
    %get3A_181 = vector.load %arg8[%get3A_177, %get3A_178, %get3A_179, %get3A_180] : memref<4x3x128x128xf32, #tpu.memory_space<vmem>>, vector<1x1x128x128xf32>
    %get3A_182 = vector.shape_cast %get3A_181 : vector<1x1x128x128xf32> to vector<128x128xf32>
    %dot_general3A_183 = arith.constant dense<0.000000e+00> : vector<400x128xf32>
    %dot_general3A_184 = tpu.matmul %add3A_176, %get3A_182, %dot_general3A_183 {dimension_numbers = #tpu.dot_dimension_numbers<[1], [1], [0], [0], [0, 0, 1, 0], [], []>, transpose_lhs_hint = false} : vector<400x128xf32>, vector<128x128xf32>, vector<400x128xf32> -> vector<400x128xf32>
    %get3A_185 = arith.constant 3 : index
    %get3A_186 = arith.constant 1 : index
    %get3A_187 = arith.constant 0 : index
    %get3A_188 = arith.constant 0 : index
    %get3A_189 = vector.load %arg8[%get3A_185, %get3A_186, %get3A_187, %get3A_188] : memref<4x3x128x128xf32, #tpu.memory_space<vmem>>, vector<1x1x128x128xf32>
    %get3A_190 = vector.shape_cast %get3A_189 : vector<1x1x128x128xf32> to vector<128x128xf32>
    %dot_general3A_191 = arith.constant dense<0.000000e+00> : vector<400x128xf32>
    %dot_general3A_192 = tpu.matmul %add3A_176, %get3A_190, %dot_general3A_191 {dimension_numbers = #tpu.dot_dimension_numbers<[1], [1], [0], [0], [0, 0, 1, 0], [], []>, transpose_lhs_hint = false} : vector<400x128xf32>, vector<128x128xf32>, vector<400x128xf32> -> vector<400x128xf32>
    %get3A_193 = arith.constant 3 : index
    %get3A_194 = arith.constant 2 : index
    %get3A_195 = arith.constant 0 : index
    %get3A_196 = arith.constant 0 : index
    %get3A_197 = vector.load %arg8[%get3A_193, %get3A_194, %get3A_195, %get3A_196] : memref<4x3x128x128xf32, #tpu.memory_space<vmem>>, vector<1x1x128x128xf32>
    %get3A_198 = vector.shape_cast %get3A_197 : vector<1x1x128x128xf32> to vector<128x128xf32>
    %dot_general3A_199 = arith.constant dense<0.000000e+00> : vector<400x128xf32>
    %dot_general3A_200 = tpu.matmul %add3A_176, %get3A_198, %dot_general3A_199 {dimension_numbers = #tpu.dot_dimension_numbers<[1], [1], [0], [0], [0, 0, 1, 0], [], []>, transpose_lhs_hint = false} : vector<400x128xf32>, vector<128x128xf32>, vector<400x128xf32> -> vector<400x128xf32>
    %slice3A_201 = vector.extract_strided_slice %dot_general3A_184 {offsets = [0, 0], sizes = [399, 128], strides = [1, 1]} : vector<400x128xf32> to vector<399x128xf32>
    %concatenate3A_202 = tpu.concatenate %broadcast_in_dim3A_0, %slice3A_201 in 0 : vector<1x128xf32>, vector<399x128xf32> -> vector<400x128xf32>
    %add3A_203 = arith.addf %dot_general3A_192, %concatenate3A_202 : vector<400x128xf32>
    %slice3A_204 = vector.extract_strided_slice %dot_general3A_200 {offsets = [1, 0], sizes = [399, 128], strides = [1, 1]} : vector<400x128xf32> to vector<399x128xf32>
    %concatenate3A_205 = tpu.concatenate %slice3A_204, %broadcast_in_dim3A_0 in 0 : vector<399x128xf32>, vector<1x128xf32> -> vector<400x128xf32>
    %add3A_206 = arith.addf %add3A_203, %concatenate3A_205 : vector<400x128xf32>
    %get3A_207 = arith.constant 3 : index
    %get3A_208 = arith.constant 0 : index
    %get3A_209 = arith.constant 0 : index
    %get3A_210 = vector.load %arg9[%get3A_207, %get3A_208, %get3A_209] : memref<4x1x128xf32, #tpu.memory_space<vmem>>, vector<1x1x128xf32>
    %get3A_211 = vector.shape_cast %get3A_210 : vector<1x1x128xf32> to vector<1x128xf32>
    %add3A_212 = vector.broadcast %get3A_211 : vector<1x128xf32> to vector<400x128xf32>
    %add3A_213 = arith.addf %add3A_206, %add3A_212 : vector<400x128xf32>
    %max3A_214 = arith.constant 0.000000e+00 : f32
    %max3A_215 = vector.broadcast %max3A_214 : f32 to vector<400x128xf32>
    %max3A_216 = arith.maximumf %add3A_213, %max3A_215 : vector<400x128xf32>
    %get3A_217 = arith.constant 3 : index
    %get3A_218 = arith.constant 0 : index
    %get3A_219 = arith.constant 0 : index
    %get3A_220 = vector.load %arg10[%get3A_217, %get3A_218, %get3A_219] : memref<4x1x128xf32, #tpu.memory_space<vmem>>, vector<1x1x128xf32>
    %get3A_221 = vector.shape_cast %get3A_220 : vector<1x1x128xf32> to vector<1x128xf32>
    %mul3A_222 = vector.broadcast %get3A_221 : vector<1x128xf32> to vector<400x128xf32>
    %mul3A_223 = arith.mulf %mul3A_222, %max3A_216 : vector<400x128xf32>
    %mul3A_224 = vector.broadcast %div3A_2 : f32 to vector<400x128xf32>
    %mul3A_225 = arith.mulf %mul3A_223, %mul3A_224 : vector<400x128xf32>
    %get3A_226 = arith.constant 3 : index
    %get3A_227 = arith.constant 0 : index
    %get3A_228 = arith.constant 0 : index
    %get3A_229 = vector.load %arg11[%get3A_226, %get3A_227, %get3A_228] : memref<4x1x128xf32, #tpu.memory_space<vmem>>, vector<1x1x128xf32>
    %get3A_230 = vector.shape_cast %get3A_229 : vector<1x1x128xf32> to vector<1x128xf32>
    %add3A_231 = vector.broadcast %get3A_230 : vector<1x128xf32> to vector<400x128xf32>
    %add3A_232 = arith.addf %mul3A_225, %add3A_231 : vector<400x128xf32>
    %get3A_233 = arith.constant 0 : index
    %get3A_234 = arith.constant 0 : index
    %get3A_235 = vector.load %arg2[%get3A_233, %get3A_234] : memref<224x128xf32, #tpu.memory_space<vmem>>, vector<112x128xf32>
    %concatenate3A_236 = tpu.concatenate %add3A_232, %get3A_235 in 0 : vector<400x128xf32>, vector<112x128xf32> -> vector<512x128xf32>
    %get3A_237 = arith.constant 0 : index
    %get3A_238 = arith.constant 0 : index
    %get3A_239 = vector.load %arg12[%get3A_237, %get3A_238] : memref<128x32xf32, #tpu.memory_space<vmem>>, vector<128x32xf32>
    %dot_general3A_240 = arith.constant dense<0.000000e+00> : vector<400x32xf32>
    %dot_general3A_241 = tpu.matmul %add3A_232, %get3A_239, %dot_general3A_240 {dimension_numbers = #tpu.dot_dimension_numbers<[1], [0], [0], [1], [0, 0, 1, 1], [], []>, transpose_lhs_hint = false} : vector<400x128xf32>, vector<128x32xf32>, vector<400x32xf32> -> vector<400x32xf32>
    %get3A_242 = arith.constant 0 : index
    %get3A_243 = arith.constant 0 : index
    %get3A_244 = vector.load %arg13[%get3A_242, %get3A_243] : memref<1x32xf32, #tpu.memory_space<vmem>>, vector<1x32xf32>
    %add3A_245 = vector.broadcast %get3A_244 : vector<1x32xf32> to vector<400x32xf32>
    %add3A_246 = arith.addf %dot_general3A_241, %add3A_245 : vector<400x32xf32>
    %get3A_247 = arith.constant 0 : index
    %get3A_248 = arith.constant 0 : index
    %get3A_249 = vector.load %arg19[%get3A_247, %get3A_248] : memref<1x4xf32, #tpu.memory_space<vmem>>, vector<1x1xf32>
    %mul3A_250 = vector.broadcast %get3A_249 : vector<1x1xf32> to vector<400x32xf32>
    %mul3A_251 = arith.mulf %add3A_246, %mul3A_250 : vector<400x32xf32>
    %get3A_252 = arith.constant 0 : index
    %get3A_253 = arith.constant 0 : index
    %get3A_254 = arith.constant 0 : index
    %get3A_255 = vector.load %arg3[%get3A_252, %get3A_253, %get3A_254] : memref<2x512x512xi32, #tpu.memory_space<vmem>>, vector<1x512x512xi32>
    %get3A_256 = vector.shape_cast %get3A_255 : vector<1x512x512xi32> to vector<512x512xi32>
    %gt3A = arith.constant 0 : i32
    %gt3A_257 = vector.broadcast %gt3A : i32 to vector<512x512xi32>
    %gt3A_258 = arith.cmpi sgt, %get3A_256, %gt3A_257 : vector<512x512xi32>
    %convert_element_type3A = arith.extui %gt3A_258 : vector<512x512xi1> to vector<512x512xi32>
    %convert_element_type3A_259 = arith.sitofp %convert_element_type3A : vector<512x512xi32> to vector<512x512xf32>
    %convert_element_type3A_260 = arith.truncf %convert_element_type3A_259 : vector<512x512xf32> to vector<512x512xbf16>
    %get3A_261 = arith.constant 0 : index
    %get3A_262 = arith.constant 0 : index
    %get3A_263 = arith.constant 0 : index
    %get3A_264 = arith.constant 0 : index
    %get3A_265 = vector.load %arg14[%get3A_261, %get3A_262, %get3A_263, %get3A_264] : memref<3x5x128x30xf32, #tpu.memory_space<vmem>>, vector<1x5x128x30xf32>
    %get3A_266 = vector.shape_cast %get3A_265 : vector<1x5x128x30xf32> to vector<5x128x30xf32>
    %get3A_267 = arith.constant 0 : index
    %get3A_268 = arith.constant 0 : index
    %get3A_269 = arith.constant 0 : index
    %get3A_270 = arith.constant 0 : index
    %get3A_271 = vector.load %arg15[%get3A_267, %get3A_268, %get3A_269, %get3A_270] : memref<3x2x5x128xf32, #tpu.memory_space<vmem>>, vector<1x1x5x128xf32>
    %get3A_272 = vector.shape_cast %get3A_271 : vector<1x1x5x128xf32> to vector<5x128xf32>
    %get3A_273 = arith.constant 0 : index
    %get3A_274 = arith.constant 1 : index
    %get3A_275 = arith.constant 0 : index
    %get3A_276 = arith.constant 0 : index
    %get3A_277 = vector.load %arg15[%get3A_273, %get3A_274, %get3A_275, %get3A_276] : memref<3x2x5x128xf32, #tpu.memory_space<vmem>>, vector<1x1x5x128xf32>
    %get3A_278 = vector.shape_cast %get3A_277 : vector<1x1x5x128xf32> to vector<5x128xf32>
    %get3A_279 = arith.constant 0 : index
    %get3A_280 = arith.constant 0 : index
    %get3A_281 = arith.constant 0 : index
    %get3A_282 = arith.constant 0 : index
    %get3A_283 = vector.load %arg16[%get3A_279, %get3A_280, %get3A_281, %get3A_282] : memref<3x5x30x32xf32, #tpu.memory_space<vmem>>, vector<1x5x30x32xf32>
    %get3A_284 = vector.shape_cast %get3A_283 : vector<1x5x30x32xf32> to vector<5x30x32xf32>
    %dot_general3A_285 = arith.constant dense<0.000000e+00> : vector<512x5xf32>
    %dot_general3A_286 = tpu.matmul %concatenate3A_236, %get3A_272, %dot_general3A_285 {dimension_numbers = #tpu.dot_dimension_numbers<[1], [1], [0], [0], [0, 0, 1, 0], [], []>, transpose_lhs_hint = false} : vector<512x128xf32>, vector<5x128xf32>, vector<512x5xf32> -> vector<512x5xf32>
    %dot_general3A_287 = arith.constant dense<0.000000e+00> : vector<5x512xf32>
    %dot_general3A_288 = tpu.matmul %get3A_278, %concatenate3A_236, %dot_general3A_287 {dimension_numbers = #tpu.dot_dimension_numbers<[1], [1], [0], [0], [0, 0, 1, 0], [], []>, transpose_lhs_hint = false} : vector<5x128xf32>, vector<512x128xf32>, vector<5x512xf32> -> vector<5x512xf32>
    %slice3A_289 = vector.extract_strided_slice %get3A_266 {offsets = [0, 0, 0], sizes = [1, 128, 30], strides = [1, 1, 1]} : vector<5x128x30xf32> to vector<1x128x30xf32>
    %squeeze3A = vector.shape_cast %slice3A_289 : vector<1x128x30xf32> to vector<128x30xf32>
    %dot_general3A_290 = arith.constant dense<0.000000e+00> : vector<512x30xf32>
    %dot_general3A_291 = tpu.matmul %concatenate3A_236, %squeeze3A, %dot_general3A_290 {dimension_numbers = #tpu.dot_dimension_numbers<[1], [0], [0], [1], [0, 0, 1, 1], [], []>, transpose_lhs_hint = false} : vector<512x128xf32>, vector<128x30xf32>, vector<512x30xf32> -> vector<512x30xf32>
    %slice3A_292 = vector.extract_strided_slice %dot_general3A_286 {offsets = [0, 0], sizes = [512, 1], strides = [1, 1]} : vector<512x5xf32> to vector<512x1xf32>
    %slice3A_293 = vector.extract_strided_slice %dot_general3A_288 {offsets = [0, 0], sizes = [1, 512], strides = [1, 1]} : vector<5x512xf32> to vector<1x512xf32>
    %convert_element_type3A_294 = arith.truncf %slice3A_292 : vector<512x1xf32> to vector<512x1xbf16>
    %convert_element_type3A_295 = arith.truncf %slice3A_293 : vector<1x512xf32> to vector<1x512xbf16>
    %add3A_296 = vector.broadcast %convert_element_type3A_294 : vector<512x1xbf16> to vector<512x512xbf16>
    %add3A_297 = vector.broadcast %convert_element_type3A_295 : vector<1x512xbf16> to vector<512x512xbf16>
    %add3A_298 = arith.addf %add3A_296, %add3A_297 : vector<512x512xbf16>
    %mul3A_299 = arith.constant 1.000980e-01 : bf16
    %mul3A_300 = vector.broadcast %mul3A_299 : bf16 to vector<512x1xbf16>
    %mul3A_301 = arith.mulf %mul3A_300, %convert_element_type3A_294 : vector<512x1xbf16>
    %mul3A_302 = arith.constant 1.000980e-01 : bf16
    %mul3A_303 = vector.broadcast %mul3A_302 : bf16 to vector<1x512xbf16>
    %mul3A_304 = arith.mulf %mul3A_303, %convert_element_type3A_295 : vector<1x512xbf16>
    %add3A_305 = vector.broadcast %mul3A_301 : vector<512x1xbf16> to vector<512x512xbf16>
    %add3A_306 = vector.broadcast %mul3A_304 : vector<1x512xbf16> to vector<512x512xbf16>
    %add3A_307 = arith.addf %add3A_305, %add3A_306 : vector<512x512xbf16>
    %max3A_308 = arith.maximumf %add3A_298, %add3A_307 : vector<512x512xbf16>
    %exp3A = math.exp %max3A_308 : vector<512x512xbf16>
    %mul3A_309 = arith.mulf %exp3A, %convert_element_type3A_260 : vector<512x512xbf16>
    %broadcast_in_dim3A_310 = arith.constant 1.000000e+00 : f32
    %broadcast_in_dim3A_311 = vector.broadcast %broadcast_in_dim3A_310 : f32 to vector<512x1xf32>
    %concatenate3A_312 = tpu.concatenate %dot_general3A_291, %broadcast_in_dim3A_311 in 1 : vector<512x30xf32>, vector<512x1xf32> -> vector<512x31xf32>
    %convert_element_type3A_313 = arith.truncf %concatenate3A_312 : vector<512x31xf32> to vector<512x31xbf16>
    %dot_general3A_314 = arith.constant dense<0.000000e+00> : vector<512x31xf32>
    %dot_general3A_315 = tpu.matmul %mul3A_309, %convert_element_type3A_313, %dot_general3A_314 {dimension_numbers = #tpu.dot_dimension_numbers<[1], [0], [0], [1], [0, 0, 1, 1], [], []>, transpose_lhs_hint = false} : vector<512x512xbf16>, vector<512x31xbf16>, vector<512x31xf32> -> vector<512x31xf32>
    %slice3A_316 = vector.extract_strided_slice %dot_general3A_315 {offsets = [0, 30], sizes = [512, 1], strides = [1, 1]} : vector<512x31xf32> to vector<512x1xf32>
    %max3A_317 = arith.constant 1.000000e-30 : f32
    %max3A_318 = vector.broadcast %max3A_317 : f32 to vector<512x1xf32>
    %max3A_319 = arith.maximumf %slice3A_316, %max3A_318 : vector<512x1xf32>
    %integer_pow3A = arith.constant 1.000000e+00 : f32
    %integer_pow3A_320 = vector.broadcast %integer_pow3A : f32 to vector<512x1xf32>
    %integer_pow3A_321 = arith.divf %integer_pow3A_320, %max3A_319 : vector<512x1xf32>
    %slice3A_322 = vector.extract_strided_slice %dot_general3A_315 {offsets = [0, 0], sizes = [512, 30], strides = [1, 1]} : vector<512x31xf32> to vector<512x30xf32>
    %mul3A_323 = vector.broadcast %integer_pow3A_321 : vector<512x1xf32> to vector<512x30xf32>
    %mul3A_324 = arith.mulf %slice3A_322, %mul3A_323 : vector<512x30xf32>
    %gt3A_325 = arith.constant 0.000000e+00 : f32
    %gt3A_326 = vector.broadcast %gt3A_325 : f32 to vector<512x30xf32>
    %gt3A_327 = arith.cmpf ogt, %mul3A_324, %gt3A_326 : vector<512x30xf32>
    %exp3A_328 = math.exp %mul3A_324 : vector<512x30xf32>
    %sub3A = arith.constant 1.000000e+00 : f32
    %sub3A_329 = vector.broadcast %sub3A : f32 to vector<512x30xf32>
    %sub3A_330 = arith.subf %exp3A_328, %sub3A_329 : vector<512x30xf32>
    %select_n3A = arith.select %gt3A_327, %mul3A_324, %sub3A_330 : vector<512x30xi1>, vector<512x30xf32>
    %slice3A_331 = vector.extract_strided_slice %get3A_284 {offsets = [0, 0, 0], sizes = [1, 30, 32], strides = [1, 1, 1]} : vector<5x30x32xf32> to vector<1x30x32xf32>
    %squeeze3A_332 = vector.shape_cast %slice3A_331 : vector<1x30x32xf32> to vector<30x32xf32>
    %dot_general3A_333 = arith.constant dense<0.000000e+00> : vector<512x32xf32>
    %dot_general3A_334 = tpu.matmul %select_n3A, %squeeze3A_332, %dot_general3A_333 {dimension_numbers = #tpu.dot_dimension_numbers<[1], [0], [0], [1], [0, 0, 1, 1], [], []>, transpose_lhs_hint = false} : vector<512x30xf32>, vector<30x32xf32>, vector<512x32xf32> -> vector<512x32xf32>
    %slice3A_335 = vector.extract_strided_slice %get3A_266 {offsets = [1, 0, 0], sizes = [1, 128, 30], strides = [1, 1, 1]} : vector<5x128x30xf32> to vector<1x128x30xf32>
    %squeeze3A_336 = vector.shape_cast %slice3A_335 : vector<1x128x30xf32> to vector<128x30xf32>
    %dot_general3A_337 = arith.constant dense<0.000000e+00> : vector<512x30xf32>
    %dot_general3A_338 = tpu.matmul %concatenate3A_236, %squeeze3A_336, %dot_general3A_337 {dimension_numbers = #tpu.dot_dimension_numbers<[1], [0], [0], [1], [0, 0, 1, 1], [], []>, transpose_lhs_hint = false} : vector<512x128xf32>, vector<128x30xf32>, vector<512x30xf32> -> vector<512x30xf32>
    %slice3A_339 = vector.extract_strided_slice %dot_general3A_286 {offsets = [0, 1], sizes = [512, 1], strides = [1, 1]} : vector<512x5xf32> to vector<512x1xf32>
    %slice3A_340 = vector.extract_strided_slice %dot_general3A_288 {offsets = [1, 0], sizes = [1, 512], strides = [1, 1]} : vector<5x512xf32> to vector<1x512xf32>
    %convert_element_type3A_341 = arith.truncf %slice3A_339 : vector<512x1xf32> to vector<512x1xbf16>
    %convert_element_type3A_342 = arith.truncf %slice3A_340 : vector<1x512xf32> to vector<1x512xbf16>
    %add3A_343 = vector.broadcast %convert_element_type3A_341 : vector<512x1xbf16> to vector<512x512xbf16>
    %add3A_344 = vector.broadcast %convert_element_type3A_342 : vector<1x512xbf16> to vector<512x512xbf16>
    %add3A_345 = arith.addf %add3A_343, %add3A_344 : vector<512x512xbf16>
    %mul3A_346 = arith.constant 1.000980e-01 : bf16
    %mul3A_347 = vector.broadcast %mul3A_346 : bf16 to vector<512x1xbf16>
    %mul3A_348 = arith.mulf %mul3A_347, %convert_element_type3A_341 : vector<512x1xbf16>
    %mul3A_349 = arith.constant 1.000980e-01 : bf16
    %mul3A_350 = vector.broadcast %mul3A_349 : bf16 to vector<1x512xbf16>
    %mul3A_351 = arith.mulf %mul3A_350, %convert_element_type3A_342 : vector<1x512xbf16>
    %add3A_352 = vector.broadcast %mul3A_348 : vector<512x1xbf16> to vector<512x512xbf16>
    %add3A_353 = vector.broadcast %mul3A_351 : vector<1x512xbf16> to vector<512x512xbf16>
    %add3A_354 = arith.addf %add3A_352, %add3A_353 : vector<512x512xbf16>
    %max3A_355 = arith.maximumf %add3A_345, %add3A_354 : vector<512x512xbf16>
    %exp3A_356 = math.exp %max3A_355 : vector<512x512xbf16>
    %mul3A_357 = arith.mulf %exp3A_356, %convert_element_type3A_260 : vector<512x512xbf16>
    %broadcast_in_dim3A_358 = arith.constant 1.000000e+00 : f32
    %broadcast_in_dim3A_359 = vector.broadcast %broadcast_in_dim3A_358 : f32 to vector<512x1xf32>
    %concatenate3A_360 = tpu.concatenate %dot_general3A_338, %broadcast_in_dim3A_359 in 1 : vector<512x30xf32>, vector<512x1xf32> -> vector<512x31xf32>
    %convert_element_type3A_361 = arith.truncf %concatenate3A_360 : vector<512x31xf32> to vector<512x31xbf16>
    %dot_general3A_362 = arith.constant dense<0.000000e+00> : vector<512x31xf32>
    %dot_general3A_363 = tpu.matmul %mul3A_357, %convert_element_type3A_361, %dot_general3A_362 {dimension_numbers = #tpu.dot_dimension_numbers<[1], [0], [0], [1], [0, 0, 1, 1], [], []>, transpose_lhs_hint = false} : vector<512x512xbf16>, vector<512x31xbf16>, vector<512x31xf32> -> vector<512x31xf32>
    %slice3A_364 = vector.extract_strided_slice %dot_general3A_363 {offsets = [0, 30], sizes = [512, 1], strides = [1, 1]} : vector<512x31xf32> to vector<512x1xf32>
    %max3A_365 = arith.constant 1.000000e-30 : f32
    %max3A_366 = vector.broadcast %max3A_365 : f32 to vector<512x1xf32>
    %max3A_367 = arith.maximumf %slice3A_364, %max3A_366 : vector<512x1xf32>
    %integer_pow3A_368 = arith.constant 1.000000e+00 : f32
    %integer_pow3A_369 = vector.broadcast %integer_pow3A_368 : f32 to vector<512x1xf32>
    %integer_pow3A_370 = arith.divf %integer_pow3A_369, %max3A_367 : vector<512x1xf32>
    %slice3A_371 = vector.extract_strided_slice %dot_general3A_363 {offsets = [0, 0], sizes = [512, 30], strides = [1, 1]} : vector<512x31xf32> to vector<512x30xf32>
    %mul3A_372 = vector.broadcast %integer_pow3A_370 : vector<512x1xf32> to vector<512x30xf32>
    %mul3A_373 = arith.mulf %slice3A_371, %mul3A_372 : vector<512x30xf32>
    %gt3A_374 = arith.constant 0.000000e+00 : f32
    %gt3A_375 = vector.broadcast %gt3A_374 : f32 to vector<512x30xf32>
    %gt3A_376 = arith.cmpf ogt, %mul3A_373, %gt3A_375 : vector<512x30xf32>
    %exp3A_377 = math.exp %mul3A_373 : vector<512x30xf32>
    %sub3A_378 = arith.constant 1.000000e+00 : f32
    %sub3A_379 = vector.broadcast %sub3A_378 : f32 to vector<512x30xf32>
    %sub3A_380 = arith.subf %exp3A_377, %sub3A_379 : vector<512x30xf32>
    %select_n3A_381 = arith.select %gt3A_376, %mul3A_373, %sub3A_380 : vector<512x30xi1>, vector<512x30xf32>
    %slice3A_382 = vector.extract_strided_slice %get3A_284 {offsets = [1, 0, 0], sizes = [1, 30, 32], strides = [1, 1, 1]} : vector<5x30x32xf32> to vector<1x30x32xf32>
    %squeeze3A_383 = vector.shape_cast %slice3A_382 : vector<1x30x32xf32> to vector<30x32xf32>
    %dot_general3A_384 = arith.constant dense<0.000000e+00> : vector<512x32xf32>
    %dot_general3A_385 = tpu.matmul %select_n3A_381, %squeeze3A_383, %dot_general3A_384 {dimension_numbers = #tpu.dot_dimension_numbers<[1], [0], [0], [1], [0, 0, 1, 1], [], []>, transpose_lhs_hint = false} : vector<512x30xf32>, vector<30x32xf32>, vector<512x32xf32> -> vector<512x32xf32>
    %add3A_386 = arith.addf %dot_general3A_334, %dot_general3A_385 : vector<512x32xf32>
    %slice3A_387 = vector.extract_strided_slice %get3A_266 {offsets = [2, 0, 0], sizes = [1, 128, 30], strides = [1, 1, 1]} : vector<5x128x30xf32> to vector<1x128x30xf32>
    %squeeze3A_388 = vector.shape_cast %slice3A_387 : vector<1x128x30xf32> to vector<128x30xf32>
    %dot_general3A_389 = arith.constant dense<0.000000e+00> : vector<512x30xf32>
    %dot_general3A_390 = tpu.matmul %concatenate3A_236, %squeeze3A_388, %dot_general3A_389 {dimension_numbers = #tpu.dot_dimension_numbers<[1], [0], [0], [1], [0, 0, 1, 1], [], []>, transpose_lhs_hint = false} : vector<512x128xf32>, vector<128x30xf32>, vector<512x30xf32> -> vector<512x30xf32>
    %slice3A_391 = vector.extract_strided_slice %dot_general3A_286 {offsets = [0, 2], sizes = [512, 1], strides = [1, 1]} : vector<512x5xf32> to vector<512x1xf32>
    %slice3A_392 = vector.extract_strided_slice %dot_general3A_288 {offsets = [2, 0], sizes = [1, 512], strides = [1, 1]} : vector<5x512xf32> to vector<1x512xf32>
    %convert_element_type3A_393 = arith.truncf %slice3A_391 : vector<512x1xf32> to vector<512x1xbf16>
    %convert_element_type3A_394 = arith.truncf %slice3A_392 : vector<1x512xf32> to vector<1x512xbf16>
    %add3A_395 = vector.broadcast %convert_element_type3A_393 : vector<512x1xbf16> to vector<512x512xbf16>
    %add3A_396 = vector.broadcast %convert_element_type3A_394 : vector<1x512xbf16> to vector<512x512xbf16>
    %add3A_397 = arith.addf %add3A_395, %add3A_396 : vector<512x512xbf16>
    %mul3A_398 = arith.constant 1.000980e-01 : bf16
    %mul3A_399 = vector.broadcast %mul3A_398 : bf16 to vector<512x1xbf16>
    %mul3A_400 = arith.mulf %mul3A_399, %convert_element_type3A_393 : vector<512x1xbf16>
    %mul3A_401 = arith.constant 1.000980e-01 : bf16
    %mul3A_402 = vector.broadcast %mul3A_401 : bf16 to vector<1x512xbf16>
    %mul3A_403 = arith.mulf %mul3A_402, %convert_element_type3A_394 : vector<1x512xbf16>
    %add3A_404 = vector.broadcast %mul3A_400 : vector<512x1xbf16> to vector<512x512xbf16>
    %add3A_405 = vector.broadcast %mul3A_403 : vector<1x512xbf16> to vector<512x512xbf16>
    %add3A_406 = arith.addf %add3A_404, %add3A_405 : vector<512x512xbf16>
    %max3A_407 = arith.maximumf %add3A_397, %add3A_406 : vector<512x512xbf16>
    %exp3A_408 = math.exp %max3A_407 : vector<512x512xbf16>
    %mul3A_409 = arith.mulf %exp3A_408, %convert_element_type3A_260 : vector<512x512xbf16>
    %broadcast_in_dim3A_410 = arith.constant 1.000000e+00 : f32
    %broadcast_in_dim3A_411 = vector.broadcast %broadcast_in_dim3A_410 : f32 to vector<512x1xf32>
    %concatenate3A_412 = tpu.concatenate %dot_general3A_390, %broadcast_in_dim3A_411 in 1 : vector<512x30xf32>, vector<512x1xf32> -> vector<512x31xf32>
    %convert_element_type3A_413 = arith.truncf %concatenate3A_412 : vector<512x31xf32> to vector<512x31xbf16>
    %dot_general3A_414 = arith.constant dense<0.000000e+00> : vector<512x31xf32>
    %dot_general3A_415 = tpu.matmul %mul3A_409, %convert_element_type3A_413, %dot_general3A_414 {dimension_numbers = #tpu.dot_dimension_numbers<[1], [0], [0], [1], [0, 0, 1, 1], [], []>, transpose_lhs_hint = false} : vector<512x512xbf16>, vector<512x31xbf16>, vector<512x31xf32> -> vector<512x31xf32>
    %slice3A_416 = vector.extract_strided_slice %dot_general3A_415 {offsets = [0, 30], sizes = [512, 1], strides = [1, 1]} : vector<512x31xf32> to vector<512x1xf32>
    %max3A_417 = arith.constant 1.000000e-30 : f32
    %max3A_418 = vector.broadcast %max3A_417 : f32 to vector<512x1xf32>
    %max3A_419 = arith.maximumf %slice3A_416, %max3A_418 : vector<512x1xf32>
    %integer_pow3A_420 = arith.constant 1.000000e+00 : f32
    %integer_pow3A_421 = vector.broadcast %integer_pow3A_420 : f32 to vector<512x1xf32>
    %integer_pow3A_422 = arith.divf %integer_pow3A_421, %max3A_419 : vector<512x1xf32>
    %slice3A_423 = vector.extract_strided_slice %dot_general3A_415 {offsets = [0, 0], sizes = [512, 30], strides = [1, 1]} : vector<512x31xf32> to vector<512x30xf32>
    %mul3A_424 = vector.broadcast %integer_pow3A_422 : vector<512x1xf32> to vector<512x30xf32>
    %mul3A_425 = arith.mulf %slice3A_423, %mul3A_424 : vector<512x30xf32>
    %gt3A_426 = arith.constant 0.000000e+00 : f32
    %gt3A_427 = vector.broadcast %gt3A_426 : f32 to vector<512x30xf32>
    %gt3A_428 = arith.cmpf ogt, %mul3A_425, %gt3A_427 : vector<512x30xf32>
    %exp3A_429 = math.exp %mul3A_425 : vector<512x30xf32>
    %sub3A_430 = arith.constant 1.000000e+00 : f32
    %sub3A_431 = vector.broadcast %sub3A_430 : f32 to vector<512x30xf32>
    %sub3A_432 = arith.subf %exp3A_429, %sub3A_431 : vector<512x30xf32>
    %select_n3A_433 = arith.select %gt3A_428, %mul3A_425, %sub3A_432 : vector<512x30xi1>, vector<512x30xf32>
    %slice3A_434 = vector.extract_strided_slice %get3A_284 {offsets = [2, 0, 0], sizes = [1, 30, 32], strides = [1, 1, 1]} : vector<5x30x32xf32> to vector<1x30x32xf32>
    %squeeze3A_435 = vector.shape_cast %slice3A_434 : vector<1x30x32xf32> to vector<30x32xf32>
    %dot_general3A_436 = arith.constant dense<0.000000e+00> : vector<512x32xf32>
    %dot_general3A_437 = tpu.matmul %select_n3A_433, %squeeze3A_435, %dot_general3A_436 {dimension_numbers = #tpu.dot_dimension_numbers<[1], [0], [0], [1], [0, 0, 1, 1], [], []>, transpose_lhs_hint = false} : vector<512x30xf32>, vector<30x32xf32>, vector<512x32xf32> -> vector<512x32xf32>
    %add3A_438 = arith.addf %add3A_386, %dot_general3A_437 : vector<512x32xf32>
    %slice3A_439 = vector.extract_strided_slice %get3A_266 {offsets = [3, 0, 0], sizes = [1, 128, 30], strides = [1, 1, 1]} : vector<5x128x30xf32> to vector<1x128x30xf32>
    %squeeze3A_440 = vector.shape_cast %slice3A_439 : vector<1x128x30xf32> to vector<128x30xf32>
    %dot_general3A_441 = arith.constant dense<0.000000e+00> : vector<512x30xf32>
    %dot_general3A_442 = tpu.matmul %concatenate3A_236, %squeeze3A_440, %dot_general3A_441 {dimension_numbers = #tpu.dot_dimension_numbers<[1], [0], [0], [1], [0, 0, 1, 1], [], []>, transpose_lhs_hint = false} : vector<512x128xf32>, vector<128x30xf32>, vector<512x30xf32> -> vector<512x30xf32>
    %slice3A_443 = vector.extract_strided_slice %dot_general3A_286 {offsets = [0, 3], sizes = [512, 1], strides = [1, 1]} : vector<512x5xf32> to vector<512x1xf32>
    %slice3A_444 = vector.extract_strided_slice %dot_general3A_288 {offsets = [3, 0], sizes = [1, 512], strides = [1, 1]} : vector<5x512xf32> to vector<1x512xf32>
    %convert_element_type3A_445 = arith.truncf %slice3A_443 : vector<512x1xf32> to vector<512x1xbf16>
    %convert_element_type3A_446 = arith.truncf %slice3A_444 : vector<1x512xf32> to vector<1x512xbf16>
    %add3A_447 = vector.broadcast %convert_element_type3A_445 : vector<512x1xbf16> to vector<512x512xbf16>
    %add3A_448 = vector.broadcast %convert_element_type3A_446 : vector<1x512xbf16> to vector<512x512xbf16>
    %add3A_449 = arith.addf %add3A_447, %add3A_448 : vector<512x512xbf16>
    %mul3A_450 = arith.constant 1.000980e-01 : bf16
    %mul3A_451 = vector.broadcast %mul3A_450 : bf16 to vector<512x1xbf16>
    %mul3A_452 = arith.mulf %mul3A_451, %convert_element_type3A_445 : vector<512x1xbf16>
    %mul3A_453 = arith.constant 1.000980e-01 : bf16
    %mul3A_454 = vector.broadcast %mul3A_453 : bf16 to vector<1x512xbf16>
    %mul3A_455 = arith.mulf %mul3A_454, %convert_element_type3A_446 : vector<1x512xbf16>
    %add3A_456 = vector.broadcast %mul3A_452 : vector<512x1xbf16> to vector<512x512xbf16>
    %add3A_457 = vector.broadcast %mul3A_455 : vector<1x512xbf16> to vector<512x512xbf16>
    %add3A_458 = arith.addf %add3A_456, %add3A_457 : vector<512x512xbf16>
    %max3A_459 = arith.maximumf %add3A_449, %add3A_458 : vector<512x512xbf16>
    %exp3A_460 = math.exp %max3A_459 : vector<512x512xbf16>
    %mul3A_461 = arith.mulf %exp3A_460, %convert_element_type3A_260 : vector<512x512xbf16>
    %broadcast_in_dim3A_462 = arith.constant 1.000000e+00 : f32
    %broadcast_in_dim3A_463 = vector.broadcast %broadcast_in_dim3A_462 : f32 to vector<512x1xf32>
    %concatenate3A_464 = tpu.concatenate %dot_general3A_442, %broadcast_in_dim3A_463 in 1 : vector<512x30xf32>, vector<512x1xf32> -> vector<512x31xf32>
    %convert_element_type3A_465 = arith.truncf %concatenate3A_464 : vector<512x31xf32> to vector<512x31xbf16>
    %dot_general3A_466 = arith.constant dense<0.000000e+00> : vector<512x31xf32>
    %dot_general3A_467 = tpu.matmul %mul3A_461, %convert_element_type3A_465, %dot_general3A_466 {dimension_numbers = #tpu.dot_dimension_numbers<[1], [0], [0], [1], [0, 0, 1, 1], [], []>, transpose_lhs_hint = false} : vector<512x512xbf16>, vector<512x31xbf16>, vector<512x31xf32> -> vector<512x31xf32>
    %slice3A_468 = vector.extract_strided_slice %dot_general3A_467 {offsets = [0, 30], sizes = [512, 1], strides = [1, 1]} : vector<512x31xf32> to vector<512x1xf32>
    %max3A_469 = arith.constant 1.000000e-30 : f32
    %max3A_470 = vector.broadcast %max3A_469 : f32 to vector<512x1xf32>
    %max3A_471 = arith.maximumf %slice3A_468, %max3A_470 : vector<512x1xf32>
    %integer_pow3A_472 = arith.constant 1.000000e+00 : f32
    %integer_pow3A_473 = vector.broadcast %integer_pow3A_472 : f32 to vector<512x1xf32>
    %integer_pow3A_474 = arith.divf %integer_pow3A_473, %max3A_471 : vector<512x1xf32>
    %slice3A_475 = vector.extract_strided_slice %dot_general3A_467 {offsets = [0, 0], sizes = [512, 30], strides = [1, 1]} : vector<512x31xf32> to vector<512x30xf32>
    %mul3A_476 = vector.broadcast %integer_pow3A_474 : vector<512x1xf32> to vector<512x30xf32>
    %mul3A_477 = arith.mulf %slice3A_475, %mul3A_476 : vector<512x30xf32>
    %gt3A_478 = arith.constant 0.000000e+00 : f32
    %gt3A_479 = vector.broadcast %gt3A_478 : f32 to vector<512x30xf32>
    %gt3A_480 = arith.cmpf ogt, %mul3A_477, %gt3A_479 : vector<512x30xf32>
    %exp3A_481 = math.exp %mul3A_477 : vector<512x30xf32>
    %sub3A_482 = arith.constant 1.000000e+00 : f32
    %sub3A_483 = vector.broadcast %sub3A_482 : f32 to vector<512x30xf32>
    %sub3A_484 = arith.subf %exp3A_481, %sub3A_483 : vector<512x30xf32>
    %select_n3A_485 = arith.select %gt3A_480, %mul3A_477, %sub3A_484 : vector<512x30xi1>, vector<512x30xf32>
    %slice3A_486 = vector.extract_strided_slice %get3A_284 {offsets = [3, 0, 0], sizes = [1, 30, 32], strides = [1, 1, 1]} : vector<5x30x32xf32> to vector<1x30x32xf32>
    %squeeze3A_487 = vector.shape_cast %slice3A_486 : vector<1x30x32xf32> to vector<30x32xf32>
    %dot_general3A_488 = arith.constant dense<0.000000e+00> : vector<512x32xf32>
    %dot_general3A_489 = tpu.matmul %select_n3A_485, %squeeze3A_487, %dot_general3A_488 {dimension_numbers = #tpu.dot_dimension_numbers<[1], [0], [0], [1], [0, 0, 1, 1], [], []>, transpose_lhs_hint = false} : vector<512x30xf32>, vector<30x32xf32>, vector<512x32xf32> -> vector<512x32xf32>
    %add3A_490 = arith.addf %add3A_438, %dot_general3A_489 : vector<512x32xf32>
    %slice3A_491 = vector.extract_strided_slice %get3A_266 {offsets = [4, 0, 0], sizes = [1, 128, 30], strides = [1, 1, 1]} : vector<5x128x30xf32> to vector<1x128x30xf32>
    %squeeze3A_492 = vector.shape_cast %slice3A_491 : vector<1x128x30xf32> to vector<128x30xf32>
    %dot_general3A_493 = arith.constant dense<0.000000e+00> : vector<512x30xf32>
    %dot_general3A_494 = tpu.matmul %concatenate3A_236, %squeeze3A_492, %dot_general3A_493 {dimension_numbers = #tpu.dot_dimension_numbers<[1], [0], [0], [1], [0, 0, 1, 1], [], []>, transpose_lhs_hint = false} : vector<512x128xf32>, vector<128x30xf32>, vector<512x30xf32> -> vector<512x30xf32>
    %slice3A_495 = vector.extract_strided_slice %dot_general3A_286 {offsets = [0, 4], sizes = [512, 1], strides = [1, 1]} : vector<512x5xf32> to vector<512x1xf32>
    %slice3A_496 = vector.extract_strided_slice %dot_general3A_288 {offsets = [4, 0], sizes = [1, 512], strides = [1, 1]} : vector<5x512xf32> to vector<1x512xf32>
    %convert_element_type3A_497 = arith.truncf %slice3A_495 : vector<512x1xf32> to vector<512x1xbf16>
    %convert_element_type3A_498 = arith.truncf %slice3A_496 : vector<1x512xf32> to vector<1x512xbf16>
    %add3A_499 = vector.broadcast %convert_element_type3A_497 : vector<512x1xbf16> to vector<512x512xbf16>
    %add3A_500 = vector.broadcast %convert_element_type3A_498 : vector<1x512xbf16> to vector<512x512xbf16>
    %add3A_501 = arith.addf %add3A_499, %add3A_500 : vector<512x512xbf16>
    %mul3A_502 = arith.constant 1.000980e-01 : bf16
    %mul3A_503 = vector.broadcast %mul3A_502 : bf16 to vector<512x1xbf16>
    %mul3A_504 = arith.mulf %mul3A_503, %convert_element_type3A_497 : vector<512x1xbf16>
    %mul3A_505 = arith.constant 1.000980e-01 : bf16
    %mul3A_506 = vector.broadcast %mul3A_505 : bf16 to vector<1x512xbf16>
    %mul3A_507 = arith.mulf %mul3A_506, %convert_element_type3A_498 : vector<1x512xbf16>
    %add3A_508 = vector.broadcast %mul3A_504 : vector<512x1xbf16> to vector<512x512xbf16>
    %add3A_509 = vector.broadcast %mul3A_507 : vector<1x512xbf16> to vector<512x512xbf16>
    %add3A_510 = arith.addf %add3A_508, %add3A_509 : vector<512x512xbf16>
    %max3A_511 = arith.maximumf %add3A_501, %add3A_510 : vector<512x512xbf16>
    %exp3A_512 = math.exp %max3A_511 : vector<512x512xbf16>
    %mul3A_513 = arith.mulf %exp3A_512, %convert_element_type3A_260 : vector<512x512xbf16>
    %broadcast_in_dim3A_514 = arith.constant 1.000000e+00 : f32
    %broadcast_in_dim3A_515 = vector.broadcast %broadcast_in_dim3A_514 : f32 to vector<512x1xf32>
    %concatenate3A_516 = tpu.concatenate %dot_general3A_494, %broadcast_in_dim3A_515 in 1 : vector<512x30xf32>, vector<512x1xf32> -> vector<512x31xf32>
    %convert_element_type3A_517 = arith.truncf %concatenate3A_516 : vector<512x31xf32> to vector<512x31xbf16>
    %dot_general3A_518 = arith.constant dense<0.000000e+00> : vector<512x31xf32>
    %dot_general3A_519 = tpu.matmul %mul3A_513, %convert_element_type3A_517, %dot_general3A_518 {dimension_numbers = #tpu.dot_dimension_numbers<[1], [0], [0], [1], [0, 0, 1, 1], [], []>, transpose_lhs_hint = false} : vector<512x512xbf16>, vector<512x31xbf16>, vector<512x31xf32> -> vector<512x31xf32>
    %slice3A_520 = vector.extract_strided_slice %dot_general3A_519 {offsets = [0, 30], sizes = [512, 1], strides = [1, 1]} : vector<512x31xf32> to vector<512x1xf32>
    %max3A_521 = arith.constant 1.000000e-30 : f32
    %max3A_522 = vector.broadcast %max3A_521 : f32 to vector<512x1xf32>
    %max3A_523 = arith.maximumf %slice3A_520, %max3A_522 : vector<512x1xf32>
    %integer_pow3A_524 = arith.constant 1.000000e+00 : f32
    %integer_pow3A_525 = vector.broadcast %integer_pow3A_524 : f32 to vector<512x1xf32>
    %integer_pow3A_526 = arith.divf %integer_pow3A_525, %max3A_523 : vector<512x1xf32>
    %slice3A_527 = vector.extract_strided_slice %dot_general3A_519 {offsets = [0, 0], sizes = [512, 30], strides = [1, 1]} : vector<512x31xf32> to vector<512x30xf32>
    %mul3A_528 = vector.broadcast %integer_pow3A_526 : vector<512x1xf32> to vector<512x30xf32>
    %mul3A_529 = arith.mulf %slice3A_527, %mul3A_528 : vector<512x30xf32>
    %gt3A_530 = arith.constant 0.000000e+00 : f32
    %gt3A_531 = vector.broadcast %gt3A_530 : f32 to vector<512x30xf32>
    %gt3A_532 = arith.cmpf ogt, %mul3A_529, %gt3A_531 : vector<512x30xf32>
    %exp3A_533 = math.exp %mul3A_529 : vector<512x30xf32>
    %sub3A_534 = arith.constant 1.000000e+00 : f32
    %sub3A_535 = vector.broadcast %sub3A_534 : f32 to vector<512x30xf32>
    %sub3A_536 = arith.subf %exp3A_533, %sub3A_535 : vector<512x30xf32>
    %select_n3A_537 = arith.select %gt3A_532, %mul3A_529, %sub3A_536 : vector<512x30xi1>, vector<512x30xf32>
    %slice3A_538 = vector.extract_strided_slice %get3A_284 {offsets = [4, 0, 0], sizes = [1, 30, 32], strides = [1, 1, 1]} : vector<5x30x32xf32> to vector<1x30x32xf32>
    %squeeze3A_539 = vector.shape_cast %slice3A_538 : vector<1x30x32xf32> to vector<30x32xf32>
    %dot_general3A_540 = arith.constant dense<0.000000e+00> : vector<512x32xf32>
    %dot_general3A_541 = tpu.matmul %select_n3A_537, %squeeze3A_539, %dot_general3A_540 {dimension_numbers = #tpu.dot_dimension_numbers<[1], [0], [0], [1], [0, 0, 1, 1], [], []>, transpose_lhs_hint = false} : vector<512x30xf32>, vector<30x32xf32>, vector<512x32xf32> -> vector<512x32xf32>
    %add3A_542 = arith.addf %add3A_490, %dot_general3A_541 : vector<512x32xf32>
    %get3A_543 = arith.constant 0 : index
    %get3A_544 = arith.constant 0 : index
    %get3A_545 = arith.constant 0 : index
    %get3A_546 = vector.load %arg17[%get3A_543, %get3A_544, %get3A_545] : memref<3x1x32xf32, #tpu.memory_space<vmem>>, vector<1x1x32xf32>
    %get3A_547 = vector.shape_cast %get3A_546 : vector<1x1x32xf32> to vector<1x32xf32>
    %dot_general3A_548 = arith.constant dense<0.000000e+00> : vector<512x1xf32>
    %dot_general3A_549 = tpu.matmul %add3A_542, %get3A_547, %dot_general3A_548 {dimension_numbers = #tpu.dot_dimension_numbers<[1], [1], [0], [0], [0, 0, 1, 0], [], []>, transpose_lhs_hint = false} : vector<512x32xf32>, vector<1x32xf32>, vector<512x1xf32> -> vector<512x1xf32>
    %get3A_550 = arith.constant 0 : index
    %get3A_551 = arith.constant 0 : index
    %get3A_552 = arith.constant 0 : index
    %get3A_553 = vector.load %arg18[%get3A_550, %get3A_551, %get3A_552] : memref<3x1x32xf32, #tpu.memory_space<vmem>>, vector<1x1x32xf32>
    %get3A_554 = vector.shape_cast %get3A_553 : vector<1x1x32xf32> to vector<1x32xf32>
    %dot_general3A_555 = arith.constant dense<0.000000e+00> : vector<1x512xf32>
    %dot_general3A_556 = tpu.matmul %get3A_554, %add3A_542, %dot_general3A_555 {dimension_numbers = #tpu.dot_dimension_numbers<[1], [1], [0], [0], [0, 0, 1, 0], [], []>, transpose_lhs_hint = false} : vector<1x32xf32>, vector<512x32xf32>, vector<1x512xf32> -> vector<1x512xf32>
    %convert_element_type3A_557 = arith.truncf %dot_general3A_549 : vector<512x1xf32> to vector<512x1xbf16>
    %convert_element_type3A_558 = arith.truncf %dot_general3A_556 : vector<1x512xf32> to vector<1x512xbf16>
    %add3A_559 = vector.broadcast %convert_element_type3A_557 : vector<512x1xbf16> to vector<512x512xbf16>
    %add3A_560 = vector.broadcast %convert_element_type3A_558 : vector<1x512xbf16> to vector<512x512xbf16>
    %add3A_561 = arith.addf %add3A_559, %add3A_560 : vector<512x512xbf16>
    %mul3A_562 = arith.constant 1.000980e-01 : bf16
    %mul3A_563 = vector.broadcast %mul3A_562 : bf16 to vector<512x1xbf16>
    %mul3A_564 = arith.mulf %mul3A_563, %convert_element_type3A_557 : vector<512x1xbf16>
    %mul3A_565 = arith.constant 1.000980e-01 : bf16
    %mul3A_566 = vector.broadcast %mul3A_565 : bf16 to vector<1x512xbf16>
    %mul3A_567 = arith.mulf %mul3A_566, %convert_element_type3A_558 : vector<1x512xbf16>
    %add3A_568 = vector.broadcast %mul3A_564 : vector<512x1xbf16> to vector<512x512xbf16>
    %add3A_569 = vector.broadcast %mul3A_567 : vector<1x512xbf16> to vector<512x512xbf16>
    %add3A_570 = arith.addf %add3A_568, %add3A_569 : vector<512x512xbf16>
    %max3A_571 = arith.maximumf %add3A_561, %add3A_570 : vector<512x512xbf16>
    %exp3A_572 = math.exp %max3A_571 : vector<512x512xbf16>
    %mul3A_573 = arith.mulf %exp3A_572, %convert_element_type3A_260 : vector<512x512xbf16>
    %broadcast_in_dim3A_574 = arith.constant 1.000000e+00 : f32
    %broadcast_in_dim3A_575 = vector.broadcast %broadcast_in_dim3A_574 : f32 to vector<512x1xf32>
    %concatenate3A_576 = tpu.concatenate %add3A_542, %broadcast_in_dim3A_575 in 1 : vector<512x32xf32>, vector<512x1xf32> -> vector<512x33xf32>
    %convert_element_type3A_577 = arith.truncf %concatenate3A_576 : vector<512x33xf32> to vector<512x33xbf16>
    %dot_general3A_578 = arith.constant dense<0.000000e+00> : vector<512x33xf32>
    %dot_general3A_579 = tpu.matmul %mul3A_573, %convert_element_type3A_577, %dot_general3A_578 {dimension_numbers = #tpu.dot_dimension_numbers<[1], [0], [0], [1], [0, 0, 1, 1], [], []>, transpose_lhs_hint = false} : vector<512x512xbf16>, vector<512x33xbf16>, vector<512x33xf32> -> vector<512x33xf32>
    %slice3A_580 = vector.extract_strided_slice %dot_general3A_579 {offsets = [0, 32], sizes = [512, 1], strides = [1, 1]} : vector<512x33xf32> to vector<512x1xf32>
    %max3A_581 = arith.constant 1.000000e-30 : f32
    %max3A_582 = vector.broadcast %max3A_581 : f32 to vector<512x1xf32>
    %max3A_583 = arith.maximumf %slice3A_580, %max3A_582 : vector<512x1xf32>
    %integer_pow3A_584 = arith.constant 1.000000e+00 : f32
    %integer_pow3A_585 = vector.broadcast %integer_pow3A_584 : f32 to vector<512x1xf32>
    %integer_pow3A_586 = arith.divf %integer_pow3A_585, %max3A_583 : vector<512x1xf32>
    %slice3A_587 = vector.extract_strided_slice %dot_general3A_579 {offsets = [0, 0], sizes = [512, 32], strides = [1, 1]} : vector<512x33xf32> to vector<512x32xf32>
    %mul3A_588 = vector.broadcast %integer_pow3A_586 : vector<512x1xf32> to vector<512x32xf32>
    %mul3A_589 = arith.mulf %slice3A_587, %mul3A_588 : vector<512x32xf32>
    %gt3A_590 = arith.constant 0.000000e+00 : f32
    %gt3A_591 = vector.broadcast %gt3A_590 : f32 to vector<512x32xf32>
    %gt3A_592 = arith.cmpf ogt, %mul3A_589, %gt3A_591 : vector<512x32xf32>
    %exp3A_593 = math.exp %mul3A_589 : vector<512x32xf32>
    %sub3A_594 = arith.constant 1.000000e+00 : f32
    %sub3A_595 = vector.broadcast %sub3A_594 : f32 to vector<512x32xf32>
    %sub3A_596 = arith.subf %exp3A_593, %sub3A_595 : vector<512x32xf32>
    %select_n3A_597 = arith.select %gt3A_592, %mul3A_589, %sub3A_596 : vector<512x32xi1>, vector<512x32xf32>
    %get3A_598 = arith.constant 0 : index
    %get3A_599 = arith.constant 1 : index
    %get3A_600 = vector.load %arg19[%get3A_598, %get3A_599] : memref<1x4xf32, #tpu.memory_space<vmem>>, vector<1x1xf32>
    %slice3A_601 = vector.extract_strided_slice %select_n3A_597 {offsets = [0, 0], sizes = [400, 32], strides = [1, 1]} : vector<512x32xf32> to vector<400x32xf32>
    %mul3A_602 = vector.broadcast %get3A_600 : vector<1x1xf32> to vector<400x32xf32>
    %mul3A_603 = arith.mulf %mul3A_602, %slice3A_601 : vector<400x32xf32>
    %add3A_604 = arith.addf %mul3A_251, %mul3A_603 : vector<400x32xf32>
    %get3A_605 = arith.constant 0 : index
    %get3A_606 = arith.constant 0 : index
    %get3A_607 = arith.constant 0 : index
    %get3A_608 = vector.load %arg4[%get3A_605, %get3A_606, %get3A_607] : memref<2x512x512xi32, #tpu.memory_space<vmem>>, vector<1x512x512xi32>
    %get3A_609 = vector.shape_cast %get3A_608 : vector<1x512x512xi32> to vector<512x512xi32>
    %gt3A_610 = arith.constant 0 : i32
    %gt3A_611 = vector.broadcast %gt3A_610 : i32 to vector<512x512xi32>
    %gt3A_612 = arith.cmpi sgt, %get3A_609, %gt3A_611 : vector<512x512xi32>
    %convert_element_type3A_613 = arith.extui %gt3A_612 : vector<512x512xi1> to vector<512x512xi32>
    %convert_element_type3A_614 = arith.sitofp %convert_element_type3A_613 : vector<512x512xi32> to vector<512x512xf32>
    %convert_element_type3A_615 = arith.truncf %convert_element_type3A_614 : vector<512x512xf32> to vector<512x512xbf16>
    %get3A_616 = arith.constant 1 : index
    %get3A_617 = arith.constant 0 : index
    %get3A_618 = arith.constant 0 : index
    %get3A_619 = arith.constant 0 : index
    %get3A_620 = vector.load %arg14[%get3A_616, %get3A_617, %get3A_618, %get3A_619] : memref<3x5x128x30xf32, #tpu.memory_space<vmem>>, vector<1x5x128x30xf32>
    %get3A_621 = vector.shape_cast %get3A_620 : vector<1x5x128x30xf32> to vector<5x128x30xf32>
    %get3A_622 = arith.constant 1 : index
    %get3A_623 = arith.constant 0 : index
    %get3A_624 = arith.constant 0 : index
    %get3A_625 = arith.constant 0 : index
    %get3A_626 = vector.load %arg15[%get3A_622, %get3A_623, %get3A_624, %get3A_625] : memref<3x2x5x128xf32, #tpu.memory_space<vmem>>, vector<1x1x5x128xf32>
    %get3A_627 = vector.shape_cast %get3A_626 : vector<1x1x5x128xf32> to vector<5x128xf32>
    %get3A_628 = arith.constant 1 : index
    %get3A_629 = arith.constant 1 : index
    %get3A_630 = arith.constant 0 : index
    %get3A_631 = arith.constant 0 : index
    %get3A_632 = vector.load %arg15[%get3A_628, %get3A_629, %get3A_630, %get3A_631] : memref<3x2x5x128xf32, #tpu.memory_space<vmem>>, vector<1x1x5x128xf32>
    %get3A_633 = vector.shape_cast %get3A_632 : vector<1x1x5x128xf32> to vector<5x128xf32>
    %get3A_634 = arith.constant 1 : index
    %get3A_635 = arith.constant 0 : index
    %get3A_636 = arith.constant 0 : index
    %get3A_637 = arith.constant 0 : index
    %get3A_638 = vector.load %arg16[%get3A_634, %get3A_635, %get3A_636, %get3A_637] : memref<3x5x30x32xf32, #tpu.memory_space<vmem>>, vector<1x5x30x32xf32>
    %get3A_639 = vector.shape_cast %get3A_638 : vector<1x5x30x32xf32> to vector<5x30x32xf32>
    %dot_general3A_640 = arith.constant dense<0.000000e+00> : vector<512x5xf32>
    %dot_general3A_641 = tpu.matmul %concatenate3A_236, %get3A_627, %dot_general3A_640 {dimension_numbers = #tpu.dot_dimension_numbers<[1], [1], [0], [0], [0, 0, 1, 0], [], []>, transpose_lhs_hint = false} : vector<512x128xf32>, vector<5x128xf32>, vector<512x5xf32> -> vector<512x5xf32>
    %dot_general3A_642 = arith.constant dense<0.000000e+00> : vector<5x512xf32>
    %dot_general3A_643 = tpu.matmul %get3A_633, %concatenate3A_236, %dot_general3A_642 {dimension_numbers = #tpu.dot_dimension_numbers<[1], [1], [0], [0], [0, 0, 1, 0], [], []>, transpose_lhs_hint = false} : vector<5x128xf32>, vector<512x128xf32>, vector<5x512xf32> -> vector<5x512xf32>
    %slice3A_644 = vector.extract_strided_slice %get3A_621 {offsets = [0, 0, 0], sizes = [1, 128, 30], strides = [1, 1, 1]} : vector<5x128x30xf32> to vector<1x128x30xf32>
    %squeeze3A_645 = vector.shape_cast %slice3A_644 : vector<1x128x30xf32> to vector<128x30xf32>
    %dot_general3A_646 = arith.constant dense<0.000000e+00> : vector<512x30xf32>
    %dot_general3A_647 = tpu.matmul %concatenate3A_236, %squeeze3A_645, %dot_general3A_646 {dimension_numbers = #tpu.dot_dimension_numbers<[1], [0], [0], [1], [0, 0, 1, 1], [], []>, transpose_lhs_hint = false} : vector<512x128xf32>, vector<128x30xf32>, vector<512x30xf32> -> vector<512x30xf32>
    %slice3A_648 = vector.extract_strided_slice %dot_general3A_641 {offsets = [0, 0], sizes = [512, 1], strides = [1, 1]} : vector<512x5xf32> to vector<512x1xf32>
    %slice3A_649 = vector.extract_strided_slice %dot_general3A_643 {offsets = [0, 0], sizes = [1, 512], strides = [1, 1]} : vector<5x512xf32> to vector<1x512xf32>
    %convert_element_type3A_650 = arith.truncf %slice3A_648 : vector<512x1xf32> to vector<512x1xbf16>
    %convert_element_type3A_651 = arith.truncf %slice3A_649 : vector<1x512xf32> to vector<1x512xbf16>
    %add3A_652 = vector.broadcast %convert_element_type3A_650 : vector<512x1xbf16> to vector<512x512xbf16>
    %add3A_653 = vector.broadcast %convert_element_type3A_651 : vector<1x512xbf16> to vector<512x512xbf16>
    %add3A_654 = arith.addf %add3A_652, %add3A_653 : vector<512x512xbf16>
    %mul3A_655 = arith.constant 1.000980e-01 : bf16
    %mul3A_656 = vector.broadcast %mul3A_655 : bf16 to vector<512x1xbf16>
    %mul3A_657 = arith.mulf %mul3A_656, %convert_element_type3A_650 : vector<512x1xbf16>
    %mul3A_658 = arith.constant 1.000980e-01 : bf16
    %mul3A_659 = vector.broadcast %mul3A_658 : bf16 to vector<1x512xbf16>
    %mul3A_660 = arith.mulf %mul3A_659, %convert_element_type3A_651 : vector<1x512xbf16>
    %add3A_661 = vector.broadcast %mul3A_657 : vector<512x1xbf16> to vector<512x512xbf16>
    %add3A_662 = vector.broadcast %mul3A_660 : vector<1x512xbf16> to vector<512x512xbf16>
    %add3A_663 = arith.addf %add3A_661, %add3A_662 : vector<512x512xbf16>
    %max3A_664 = arith.maximumf %add3A_654, %add3A_663 : vector<512x512xbf16>
    %exp3A_665 = math.exp %max3A_664 : vector<512x512xbf16>
    %mul3A_666 = arith.mulf %exp3A_665, %convert_element_type3A_615 : vector<512x512xbf16>
    %broadcast_in_dim3A_667 = arith.constant 1.000000e+00 : f32
    %broadcast_in_dim3A_668 = vector.broadcast %broadcast_in_dim3A_667 : f32 to vector<512x1xf32>
    %concatenate3A_669 = tpu.concatenate %dot_general3A_647, %broadcast_in_dim3A_668 in 1 : vector<512x30xf32>, vector<512x1xf32> -> vector<512x31xf32>
    %convert_element_type3A_670 = arith.truncf %concatenate3A_669 : vector<512x31xf32> to vector<512x31xbf16>
    %dot_general3A_671 = arith.constant dense<0.000000e+00> : vector<512x31xf32>
    %dot_general3A_672 = tpu.matmul %mul3A_666, %convert_element_type3A_670, %dot_general3A_671 {dimension_numbers = #tpu.dot_dimension_numbers<[1], [0], [0], [1], [0, 0, 1, 1], [], []>, transpose_lhs_hint = false} : vector<512x512xbf16>, vector<512x31xbf16>, vector<512x31xf32> -> vector<512x31xf32>
    %slice3A_673 = vector.extract_strided_slice %dot_general3A_672 {offsets = [0, 30], sizes = [512, 1], strides = [1, 1]} : vector<512x31xf32> to vector<512x1xf32>
    %max3A_674 = arith.constant 1.000000e-30 : f32
    %max3A_675 = vector.broadcast %max3A_674 : f32 to vector<512x1xf32>
    %max3A_676 = arith.maximumf %slice3A_673, %max3A_675 : vector<512x1xf32>
    %integer_pow3A_677 = arith.constant 1.000000e+00 : f32
    %integer_pow3A_678 = vector.broadcast %integer_pow3A_677 : f32 to vector<512x1xf32>
    %integer_pow3A_679 = arith.divf %integer_pow3A_678, %max3A_676 : vector<512x1xf32>
    %slice3A_680 = vector.extract_strided_slice %dot_general3A_672 {offsets = [0, 0], sizes = [512, 30], strides = [1, 1]} : vector<512x31xf32> to vector<512x30xf32>
    %mul3A_681 = vector.broadcast %integer_pow3A_679 : vector<512x1xf32> to vector<512x30xf32>
    %mul3A_682 = arith.mulf %slice3A_680, %mul3A_681 : vector<512x30xf32>
    %gt3A_683 = arith.constant 0.000000e+00 : f32
    %gt3A_684 = vector.broadcast %gt3A_683 : f32 to vector<512x30xf32>
    %gt3A_685 = arith.cmpf ogt, %mul3A_682, %gt3A_684 : vector<512x30xf32>
    %exp3A_686 = math.exp %mul3A_682 : vector<512x30xf32>
    %sub3A_687 = arith.constant 1.000000e+00 : f32
    %sub3A_688 = vector.broadcast %sub3A_687 : f32 to vector<512x30xf32>
    %sub3A_689 = arith.subf %exp3A_686, %sub3A_688 : vector<512x30xf32>
    %select_n3A_690 = arith.select %gt3A_685, %mul3A_682, %sub3A_689 : vector<512x30xi1>, vector<512x30xf32>
    %slice3A_691 = vector.extract_strided_slice %get3A_639 {offsets = [0, 0, 0], sizes = [1, 30, 32], strides = [1, 1, 1]} : vector<5x30x32xf32> to vector<1x30x32xf32>
    %squeeze3A_692 = vector.shape_cast %slice3A_691 : vector<1x30x32xf32> to vector<30x32xf32>
    %dot_general3A_693 = arith.constant dense<0.000000e+00> : vector<512x32xf32>
    %dot_general3A_694 = tpu.matmul %select_n3A_690, %squeeze3A_692, %dot_general3A_693 {dimension_numbers = #tpu.dot_dimension_numbers<[1], [0], [0], [1], [0, 0, 1, 1], [], []>, transpose_lhs_hint = false} : vector<512x30xf32>, vector<30x32xf32>, vector<512x32xf32> -> vector<512x32xf32>
    %slice3A_695 = vector.extract_strided_slice %get3A_621 {offsets = [1, 0, 0], sizes = [1, 128, 30], strides = [1, 1, 1]} : vector<5x128x30xf32> to vector<1x128x30xf32>
    %squeeze3A_696 = vector.shape_cast %slice3A_695 : vector<1x128x30xf32> to vector<128x30xf32>
    %dot_general3A_697 = arith.constant dense<0.000000e+00> : vector<512x30xf32>
    %dot_general3A_698 = tpu.matmul %concatenate3A_236, %squeeze3A_696, %dot_general3A_697 {dimension_numbers = #tpu.dot_dimension_numbers<[1], [0], [0], [1], [0, 0, 1, 1], [], []>, transpose_lhs_hint = false} : vector<512x128xf32>, vector<128x30xf32>, vector<512x30xf32> -> vector<512x30xf32>
    %slice3A_699 = vector.extract_strided_slice %dot_general3A_641 {offsets = [0, 1], sizes = [512, 1], strides = [1, 1]} : vector<512x5xf32> to vector<512x1xf32>
    %slice3A_700 = vector.extract_strided_slice %dot_general3A_643 {offsets = [1, 0], sizes = [1, 512], strides = [1, 1]} : vector<5x512xf32> to vector<1x512xf32>
    %convert_element_type3A_701 = arith.truncf %slice3A_699 : vector<512x1xf32> to vector<512x1xbf16>
    %convert_element_type3A_702 = arith.truncf %slice3A_700 : vector<1x512xf32> to vector<1x512xbf16>
    %add3A_703 = vector.broadcast %convert_element_type3A_701 : vector<512x1xbf16> to vector<512x512xbf16>
    %add3A_704 = vector.broadcast %convert_element_type3A_702 : vector<1x512xbf16> to vector<512x512xbf16>
    %add3A_705 = arith.addf %add3A_703, %add3A_704 : vector<512x512xbf16>
    %mul3A_706 = arith.constant 1.000980e-01 : bf16
    %mul3A_707 = vector.broadcast %mul3A_706 : bf16 to vector<512x1xbf16>
    %mul3A_708 = arith.mulf %mul3A_707, %convert_element_type3A_701 : vector<512x1xbf16>
    %mul3A_709 = arith.constant 1.000980e-01 : bf16
    %mul3A_710 = vector.broadcast %mul3A_709 : bf16 to vector<1x512xbf16>
    %mul3A_711 = arith.mulf %mul3A_710, %convert_element_type3A_702 : vector<1x512xbf16>
    %add3A_712 = vector.broadcast %mul3A_708 : vector<512x1xbf16> to vector<512x512xbf16>
    %add3A_713 = vector.broadcast %mul3A_711 : vector<1x512xbf16> to vector<512x512xbf16>
    %add3A_714 = arith.addf %add3A_712, %add3A_713 : vector<512x512xbf16>
    %max3A_715 = arith.maximumf %add3A_705, %add3A_714 : vector<512x512xbf16>
    %exp3A_716 = math.exp %max3A_715 : vector<512x512xbf16>
    %mul3A_717 = arith.mulf %exp3A_716, %convert_element_type3A_615 : vector<512x512xbf16>
    %broadcast_in_dim3A_718 = arith.constant 1.000000e+00 : f32
    %broadcast_in_dim3A_719 = vector.broadcast %broadcast_in_dim3A_718 : f32 to vector<512x1xf32>
    %concatenate3A_720 = tpu.concatenate %dot_general3A_698, %broadcast_in_dim3A_719 in 1 : vector<512x30xf32>, vector<512x1xf32> -> vector<512x31xf32>
    %convert_element_type3A_721 = arith.truncf %concatenate3A_720 : vector<512x31xf32> to vector<512x31xbf16>
    %dot_general3A_722 = arith.constant dense<0.000000e+00> : vector<512x31xf32>
    %dot_general3A_723 = tpu.matmul %mul3A_717, %convert_element_type3A_721, %dot_general3A_722 {dimension_numbers = #tpu.dot_dimension_numbers<[1], [0], [0], [1], [0, 0, 1, 1], [], []>, transpose_lhs_hint = false} : vector<512x512xbf16>, vector<512x31xbf16>, vector<512x31xf32> -> vector<512x31xf32>
    %slice3A_724 = vector.extract_strided_slice %dot_general3A_723 {offsets = [0, 30], sizes = [512, 1], strides = [1, 1]} : vector<512x31xf32> to vector<512x1xf32>
    %max3A_725 = arith.constant 1.000000e-30 : f32
    %max3A_726 = vector.broadcast %max3A_725 : f32 to vector<512x1xf32>
    %max3A_727 = arith.maximumf %slice3A_724, %max3A_726 : vector<512x1xf32>
    %integer_pow3A_728 = arith.constant 1.000000e+00 : f32
    %integer_pow3A_729 = vector.broadcast %integer_pow3A_728 : f32 to vector<512x1xf32>
    %integer_pow3A_730 = arith.divf %integer_pow3A_729, %max3A_727 : vector<512x1xf32>
    %slice3A_731 = vector.extract_strided_slice %dot_general3A_723 {offsets = [0, 0], sizes = [512, 30], strides = [1, 1]} : vector<512x31xf32> to vector<512x30xf32>
    %mul3A_732 = vector.broadcast %integer_pow3A_730 : vector<512x1xf32> to vector<512x30xf32>
    %mul3A_733 = arith.mulf %slice3A_731, %mul3A_732 : vector<512x30xf32>
    %gt3A_734 = arith.constant 0.000000e+00 : f32
    %gt3A_735 = vector.broadcast %gt3A_734 : f32 to vector<512x30xf32>
    %gt3A_736 = arith.cmpf ogt, %mul3A_733, %gt3A_735 : vector<512x30xf32>
    %exp3A_737 = math.exp %mul3A_733 : vector<512x30xf32>
    %sub3A_738 = arith.constant 1.000000e+00 : f32
    %sub3A_739 = vector.broadcast %sub3A_738 : f32 to vector<512x30xf32>
    %sub3A_740 = arith.subf %exp3A_737, %sub3A_739 : vector<512x30xf32>
    %select_n3A_741 = arith.select %gt3A_736, %mul3A_733, %sub3A_740 : vector<512x30xi1>, vector<512x30xf32>
    %slice3A_742 = vector.extract_strided_slice %get3A_639 {offsets = [1, 0, 0], sizes = [1, 30, 32], strides = [1, 1, 1]} : vector<5x30x32xf32> to vector<1x30x32xf32>
    %squeeze3A_743 = vector.shape_cast %slice3A_742 : vector<1x30x32xf32> to vector<30x32xf32>
    %dot_general3A_744 = arith.constant dense<0.000000e+00> : vector<512x32xf32>
    %dot_general3A_745 = tpu.matmul %select_n3A_741, %squeeze3A_743, %dot_general3A_744 {dimension_numbers = #tpu.dot_dimension_numbers<[1], [0], [0], [1], [0, 0, 1, 1], [], []>, transpose_lhs_hint = false} : vector<512x30xf32>, vector<30x32xf32>, vector<512x32xf32> -> vector<512x32xf32>
    %add3A_746 = arith.addf %dot_general3A_694, %dot_general3A_745 : vector<512x32xf32>
    %slice3A_747 = vector.extract_strided_slice %get3A_621 {offsets = [2, 0, 0], sizes = [1, 128, 30], strides = [1, 1, 1]} : vector<5x128x30xf32> to vector<1x128x30xf32>
    %squeeze3A_748 = vector.shape_cast %slice3A_747 : vector<1x128x30xf32> to vector<128x30xf32>
    %dot_general3A_749 = arith.constant dense<0.000000e+00> : vector<512x30xf32>
    %dot_general3A_750 = tpu.matmul %concatenate3A_236, %squeeze3A_748, %dot_general3A_749 {dimension_numbers = #tpu.dot_dimension_numbers<[1], [0], [0], [1], [0, 0, 1, 1], [], []>, transpose_lhs_hint = false} : vector<512x128xf32>, vector<128x30xf32>, vector<512x30xf32> -> vector<512x30xf32>
    %slice3A_751 = vector.extract_strided_slice %dot_general3A_641 {offsets = [0, 2], sizes = [512, 1], strides = [1, 1]} : vector<512x5xf32> to vector<512x1xf32>
    %slice3A_752 = vector.extract_strided_slice %dot_general3A_643 {offsets = [2, 0], sizes = [1, 512], strides = [1, 1]} : vector<5x512xf32> to vector<1x512xf32>
    %convert_element_type3A_753 = arith.truncf %slice3A_751 : vector<512x1xf32> to vector<512x1xbf16>
    %convert_element_type3A_754 = arith.truncf %slice3A_752 : vector<1x512xf32> to vector<1x512xbf16>
    %add3A_755 = vector.broadcast %convert_element_type3A_753 : vector<512x1xbf16> to vector<512x512xbf16>
    %add3A_756 = vector.broadcast %convert_element_type3A_754 : vector<1x512xbf16> to vector<512x512xbf16>
    %add3A_757 = arith.addf %add3A_755, %add3A_756 : vector<512x512xbf16>
    %mul3A_758 = arith.constant 1.000980e-01 : bf16
    %mul3A_759 = vector.broadcast %mul3A_758 : bf16 to vector<512x1xbf16>
    %mul3A_760 = arith.mulf %mul3A_759, %convert_element_type3A_753 : vector<512x1xbf16>
    %mul3A_761 = arith.constant 1.000980e-01 : bf16
    %mul3A_762 = vector.broadcast %mul3A_761 : bf16 to vector<1x512xbf16>
    %mul3A_763 = arith.mulf %mul3A_762, %convert_element_type3A_754 : vector<1x512xbf16>
    %add3A_764 = vector.broadcast %mul3A_760 : vector<512x1xbf16> to vector<512x512xbf16>
    %add3A_765 = vector.broadcast %mul3A_763 : vector<1x512xbf16> to vector<512x512xbf16>
    %add3A_766 = arith.addf %add3A_764, %add3A_765 : vector<512x512xbf16>
    %max3A_767 = arith.maximumf %add3A_757, %add3A_766 : vector<512x512xbf16>
    %exp3A_768 = math.exp %max3A_767 : vector<512x512xbf16>
    %mul3A_769 = arith.mulf %exp3A_768, %convert_element_type3A_615 : vector<512x512xbf16>
    %broadcast_in_dim3A_770 = arith.constant 1.000000e+00 : f32
    %broadcast_in_dim3A_771 = vector.broadcast %broadcast_in_dim3A_770 : f32 to vector<512x1xf32>
    %concatenate3A_772 = tpu.concatenate %dot_general3A_750, %broadcast_in_dim3A_771 in 1 : vector<512x30xf32>, vector<512x1xf32> -> vector<512x31xf32>
    %convert_element_type3A_773 = arith.truncf %concatenate3A_772 : vector<512x31xf32> to vector<512x31xbf16>
    %dot_general3A_774 = arith.constant dense<0.000000e+00> : vector<512x31xf32>
    %dot_general3A_775 = tpu.matmul %mul3A_769, %convert_element_type3A_773, %dot_general3A_774 {dimension_numbers = #tpu.dot_dimension_numbers<[1], [0], [0], [1], [0, 0, 1, 1], [], []>, transpose_lhs_hint = false} : vector<512x512xbf16>, vector<512x31xbf16>, vector<512x31xf32> -> vector<512x31xf32>
    %slice3A_776 = vector.extract_strided_slice %dot_general3A_775 {offsets = [0, 30], sizes = [512, 1], strides = [1, 1]} : vector<512x31xf32> to vector<512x1xf32>
    %max3A_777 = arith.constant 1.000000e-30 : f32
    %max3A_778 = vector.broadcast %max3A_777 : f32 to vector<512x1xf32>
    %max3A_779 = arith.maximumf %slice3A_776, %max3A_778 : vector<512x1xf32>
    %integer_pow3A_780 = arith.constant 1.000000e+00 : f32
    %integer_pow3A_781 = vector.broadcast %integer_pow3A_780 : f32 to vector<512x1xf32>
    %integer_pow3A_782 = arith.divf %integer_pow3A_781, %max3A_779 : vector<512x1xf32>
    %slice3A_783 = vector.extract_strided_slice %dot_general3A_775 {offsets = [0, 0], sizes = [512, 30], strides = [1, 1]} : vector<512x31xf32> to vector<512x30xf32>
    %mul3A_784 = vector.broadcast %integer_pow3A_782 : vector<512x1xf32> to vector<512x30xf32>
    %mul3A_785 = arith.mulf %slice3A_783, %mul3A_784 : vector<512x30xf32>
    %gt3A_786 = arith.constant 0.000000e+00 : f32
    %gt3A_787 = vector.broadcast %gt3A_786 : f32 to vector<512x30xf32>
    %gt3A_788 = arith.cmpf ogt, %mul3A_785, %gt3A_787 : vector<512x30xf32>
    %exp3A_789 = math.exp %mul3A_785 : vector<512x30xf32>
    %sub3A_790 = arith.constant 1.000000e+00 : f32
    %sub3A_791 = vector.broadcast %sub3A_790 : f32 to vector<512x30xf32>
    %sub3A_792 = arith.subf %exp3A_789, %sub3A_791 : vector<512x30xf32>
    %select_n3A_793 = arith.select %gt3A_788, %mul3A_785, %sub3A_792 : vector<512x30xi1>, vector<512x30xf32>
    %slice3A_794 = vector.extract_strided_slice %get3A_639 {offsets = [2, 0, 0], sizes = [1, 30, 32], strides = [1, 1, 1]} : vector<5x30x32xf32> to vector<1x30x32xf32>
    %squeeze3A_795 = vector.shape_cast %slice3A_794 : vector<1x30x32xf32> to vector<30x32xf32>
    %dot_general3A_796 = arith.constant dense<0.000000e+00> : vector<512x32xf32>
    %dot_general3A_797 = tpu.matmul %select_n3A_793, %squeeze3A_795, %dot_general3A_796 {dimension_numbers = #tpu.dot_dimension_numbers<[1], [0], [0], [1], [0, 0, 1, 1], [], []>, transpose_lhs_hint = false} : vector<512x30xf32>, vector<30x32xf32>, vector<512x32xf32> -> vector<512x32xf32>
    %add3A_798 = arith.addf %add3A_746, %dot_general3A_797 : vector<512x32xf32>
    %slice3A_799 = vector.extract_strided_slice %get3A_621 {offsets = [3, 0, 0], sizes = [1, 128, 30], strides = [1, 1, 1]} : vector<5x128x30xf32> to vector<1x128x30xf32>
    %squeeze3A_800 = vector.shape_cast %slice3A_799 : vector<1x128x30xf32> to vector<128x30xf32>
    %dot_general3A_801 = arith.constant dense<0.000000e+00> : vector<512x30xf32>
    %dot_general3A_802 = tpu.matmul %concatenate3A_236, %squeeze3A_800, %dot_general3A_801 {dimension_numbers = #tpu.dot_dimension_numbers<[1], [0], [0], [1], [0, 0, 1, 1], [], []>, transpose_lhs_hint = false} : vector<512x128xf32>, vector<128x30xf32>, vector<512x30xf32> -> vector<512x30xf32>
    %slice3A_803 = vector.extract_strided_slice %dot_general3A_641 {offsets = [0, 3], sizes = [512, 1], strides = [1, 1]} : vector<512x5xf32> to vector<512x1xf32>
    %slice3A_804 = vector.extract_strided_slice %dot_general3A_643 {offsets = [3, 0], sizes = [1, 512], strides = [1, 1]} : vector<5x512xf32> to vector<1x512xf32>
    %convert_element_type3A_805 = arith.truncf %slice3A_803 : vector<512x1xf32> to vector<512x1xbf16>
    %convert_element_type3A_806 = arith.truncf %slice3A_804 : vector<1x512xf32> to vector<1x512xbf16>
    %add3A_807 = vector.broadcast %convert_element_type3A_805 : vector<512x1xbf16> to vector<512x512xbf16>
    %add3A_808 = vector.broadcast %convert_element_type3A_806 : vector<1x512xbf16> to vector<512x512xbf16>
    %add3A_809 = arith.addf %add3A_807, %add3A_808 : vector<512x512xbf16>
    %mul3A_810 = arith.constant 1.000980e-01 : bf16
    %mul3A_811 = vector.broadcast %mul3A_810 : bf16 to vector<512x1xbf16>
    %mul3A_812 = arith.mulf %mul3A_811, %convert_element_type3A_805 : vector<512x1xbf16>
    %mul3A_813 = arith.constant 1.000980e-01 : bf16
    %mul3A_814 = vector.broadcast %mul3A_813 : bf16 to vector<1x512xbf16>
    %mul3A_815 = arith.mulf %mul3A_814, %convert_element_type3A_806 : vector<1x512xbf16>
    %add3A_816 = vector.broadcast %mul3A_812 : vector<512x1xbf16> to vector<512x512xbf16>
    %add3A_817 = vector.broadcast %mul3A_815 : vector<1x512xbf16> to vector<512x512xbf16>
    %add3A_818 = arith.addf %add3A_816, %add3A_817 : vector<512x512xbf16>
    %max3A_819 = arith.maximumf %add3A_809, %add3A_818 : vector<512x512xbf16>
    %exp3A_820 = math.exp %max3A_819 : vector<512x512xbf16>
    %mul3A_821 = arith.mulf %exp3A_820, %convert_element_type3A_615 : vector<512x512xbf16>
    %broadcast_in_dim3A_822 = arith.constant 1.000000e+00 : f32
    %broadcast_in_dim3A_823 = vector.broadcast %broadcast_in_dim3A_822 : f32 to vector<512x1xf32>
    %concatenate3A_824 = tpu.concatenate %dot_general3A_802, %broadcast_in_dim3A_823 in 1 : vector<512x30xf32>, vector<512x1xf32> -> vector<512x31xf32>
    %convert_element_type3A_825 = arith.truncf %concatenate3A_824 : vector<512x31xf32> to vector<512x31xbf16>
    %dot_general3A_826 = arith.constant dense<0.000000e+00> : vector<512x31xf32>
    %dot_general3A_827 = tpu.matmul %mul3A_821, %convert_element_type3A_825, %dot_general3A_826 {dimension_numbers = #tpu.dot_dimension_numbers<[1], [0], [0], [1], [0, 0, 1, 1], [], []>, transpose_lhs_hint = false} : vector<512x512xbf16>, vector<512x31xbf16>, vector<512x31xf32> -> vector<512x31xf32>
    %slice3A_828 = vector.extract_strided_slice %dot_general3A_827 {offsets = [0, 30], sizes = [512, 1], strides = [1, 1]} : vector<512x31xf32> to vector<512x1xf32>
    %max3A_829 = arith.constant 1.000000e-30 : f32
    %max3A_830 = vector.broadcast %max3A_829 : f32 to vector<512x1xf32>
    %max3A_831 = arith.maximumf %slice3A_828, %max3A_830 : vector<512x1xf32>
    %integer_pow3A_832 = arith.constant 1.000000e+00 : f32
    %integer_pow3A_833 = vector.broadcast %integer_pow3A_832 : f32 to vector<512x1xf32>
    %integer_pow3A_834 = arith.divf %integer_pow3A_833, %max3A_831 : vector<512x1xf32>
    %slice3A_835 = vector.extract_strided_slice %dot_general3A_827 {offsets = [0, 0], sizes = [512, 30], strides = [1, 1]} : vector<512x31xf32> to vector<512x30xf32>
    %mul3A_836 = vector.broadcast %integer_pow3A_834 : vector<512x1xf32> to vector<512x30xf32>
    %mul3A_837 = arith.mulf %slice3A_835, %mul3A_836 : vector<512x30xf32>
    %gt3A_838 = arith.constant 0.000000e+00 : f32
    %gt3A_839 = vector.broadcast %gt3A_838 : f32 to vector<512x30xf32>
    %gt3A_840 = arith.cmpf ogt, %mul3A_837, %gt3A_839 : vector<512x30xf32>
    %exp3A_841 = math.exp %mul3A_837 : vector<512x30xf32>
    %sub3A_842 = arith.constant 1.000000e+00 : f32
    %sub3A_843 = vector.broadcast %sub3A_842 : f32 to vector<512x30xf32>
    %sub3A_844 = arith.subf %exp3A_841, %sub3A_843 : vector<512x30xf32>
    %select_n3A_845 = arith.select %gt3A_840, %mul3A_837, %sub3A_844 : vector<512x30xi1>, vector<512x30xf32>
    %slice3A_846 = vector.extract_strided_slice %get3A_639 {offsets = [3, 0, 0], sizes = [1, 30, 32], strides = [1, 1, 1]} : vector<5x30x32xf32> to vector<1x30x32xf32>
    %squeeze3A_847 = vector.shape_cast %slice3A_846 : vector<1x30x32xf32> to vector<30x32xf32>
    %dot_general3A_848 = arith.constant dense<0.000000e+00> : vector<512x32xf32>
    %dot_general3A_849 = tpu.matmul %select_n3A_845, %squeeze3A_847, %dot_general3A_848 {dimension_numbers = #tpu.dot_dimension_numbers<[1], [0], [0], [1], [0, 0, 1, 1], [], []>, transpose_lhs_hint = false} : vector<512x30xf32>, vector<30x32xf32>, vector<512x32xf32> -> vector<512x32xf32>
    %add3A_850 = arith.addf %add3A_798, %dot_general3A_849 : vector<512x32xf32>
    %slice3A_851 = vector.extract_strided_slice %get3A_621 {offsets = [4, 0, 0], sizes = [1, 128, 30], strides = [1, 1, 1]} : vector<5x128x30xf32> to vector<1x128x30xf32>
    %squeeze3A_852 = vector.shape_cast %slice3A_851 : vector<1x128x30xf32> to vector<128x30xf32>
    %dot_general3A_853 = arith.constant dense<0.000000e+00> : vector<512x30xf32>
    %dot_general3A_854 = tpu.matmul %concatenate3A_236, %squeeze3A_852, %dot_general3A_853 {dimension_numbers = #tpu.dot_dimension_numbers<[1], [0], [0], [1], [0, 0, 1, 1], [], []>, transpose_lhs_hint = false} : vector<512x128xf32>, vector<128x30xf32>, vector<512x30xf32> -> vector<512x30xf32>
    %slice3A_855 = vector.extract_strided_slice %dot_general3A_641 {offsets = [0, 4], sizes = [512, 1], strides = [1, 1]} : vector<512x5xf32> to vector<512x1xf32>
    %slice3A_856 = vector.extract_strided_slice %dot_general3A_643 {offsets = [4, 0], sizes = [1, 512], strides = [1, 1]} : vector<5x512xf32> to vector<1x512xf32>
    %convert_element_type3A_857 = arith.truncf %slice3A_855 : vector<512x1xf32> to vector<512x1xbf16>
    %convert_element_type3A_858 = arith.truncf %slice3A_856 : vector<1x512xf32> to vector<1x512xbf16>
    %add3A_859 = vector.broadcast %convert_element_type3A_857 : vector<512x1xbf16> to vector<512x512xbf16>
    %add3A_860 = vector.broadcast %convert_element_type3A_858 : vector<1x512xbf16> to vector<512x512xbf16>
    %add3A_861 = arith.addf %add3A_859, %add3A_860 : vector<512x512xbf16>
    %mul3A_862 = arith.constant 1.000980e-01 : bf16
    %mul3A_863 = vector.broadcast %mul3A_862 : bf16 to vector<512x1xbf16>
    %mul3A_864 = arith.mulf %mul3A_863, %convert_element_type3A_857 : vector<512x1xbf16>
    %mul3A_865 = arith.constant 1.000980e-01 : bf16
    %mul3A_866 = vector.broadcast %mul3A_865 : bf16 to vector<1x512xbf16>
    %mul3A_867 = arith.mulf %mul3A_866, %convert_element_type3A_858 : vector<1x512xbf16>
    %add3A_868 = vector.broadcast %mul3A_864 : vector<512x1xbf16> to vector<512x512xbf16>
    %add3A_869 = vector.broadcast %mul3A_867 : vector<1x512xbf16> to vector<512x512xbf16>
    %add3A_870 = arith.addf %add3A_868, %add3A_869 : vector<512x512xbf16>
    %max3A_871 = arith.maximumf %add3A_861, %add3A_870 : vector<512x512xbf16>
    %exp3A_872 = math.exp %max3A_871 : vector<512x512xbf16>
    %mul3A_873 = arith.mulf %exp3A_872, %convert_element_type3A_615 : vector<512x512xbf16>
    %broadcast_in_dim3A_874 = arith.constant 1.000000e+00 : f32
    %broadcast_in_dim3A_875 = vector.broadcast %broadcast_in_dim3A_874 : f32 to vector<512x1xf32>
    %concatenate3A_876 = tpu.concatenate %dot_general3A_854, %broadcast_in_dim3A_875 in 1 : vector<512x30xf32>, vector<512x1xf32> -> vector<512x31xf32>
    %convert_element_type3A_877 = arith.truncf %concatenate3A_876 : vector<512x31xf32> to vector<512x31xbf16>
    %dot_general3A_878 = arith.constant dense<0.000000e+00> : vector<512x31xf32>
    %dot_general3A_879 = tpu.matmul %mul3A_873, %convert_element_type3A_877, %dot_general3A_878 {dimension_numbers = #tpu.dot_dimension_numbers<[1], [0], [0], [1], [0, 0, 1, 1], [], []>, transpose_lhs_hint = false} : vector<512x512xbf16>, vector<512x31xbf16>, vector<512x31xf32> -> vector<512x31xf32>
    %slice3A_880 = vector.extract_strided_slice %dot_general3A_879 {offsets = [0, 30], sizes = [512, 1], strides = [1, 1]} : vector<512x31xf32> to vector<512x1xf32>
    %max3A_881 = arith.constant 1.000000e-30 : f32
    %max3A_882 = vector.broadcast %max3A_881 : f32 to vector<512x1xf32>
    %max3A_883 = arith.maximumf %slice3A_880, %max3A_882 : vector<512x1xf32>
    %integer_pow3A_884 = arith.constant 1.000000e+00 : f32
    %integer_pow3A_885 = vector.broadcast %integer_pow3A_884 : f32 to vector<512x1xf32>
    %integer_pow3A_886 = arith.divf %integer_pow3A_885, %max3A_883 : vector<512x1xf32>
    %slice3A_887 = vector.extract_strided_slice %dot_general3A_879 {offsets = [0, 0], sizes = [512, 30], strides = [1, 1]} : vector<512x31xf32> to vector<512x30xf32>
    %mul3A_888 = vector.broadcast %integer_pow3A_886 : vector<512x1xf32> to vector<512x30xf32>
    %mul3A_889 = arith.mulf %slice3A_887, %mul3A_888 : vector<512x30xf32>
    %gt3A_890 = arith.constant 0.000000e+00 : f32
    %gt3A_891 = vector.broadcast %gt3A_890 : f32 to vector<512x30xf32>
    %gt3A_892 = arith.cmpf ogt, %mul3A_889, %gt3A_891 : vector<512x30xf32>
    %exp3A_893 = math.exp %mul3A_889 : vector<512x30xf32>
    %sub3A_894 = arith.constant 1.000000e+00 : f32
    %sub3A_895 = vector.broadcast %sub3A_894 : f32 to vector<512x30xf32>
    %sub3A_896 = arith.subf %exp3A_893, %sub3A_895 : vector<512x30xf32>
    %select_n3A_897 = arith.select %gt3A_892, %mul3A_889, %sub3A_896 : vector<512x30xi1>, vector<512x30xf32>
    %slice3A_898 = vector.extract_strided_slice %get3A_639 {offsets = [4, 0, 0], sizes = [1, 30, 32], strides = [1, 1, 1]} : vector<5x30x32xf32> to vector<1x30x32xf32>
    %squeeze3A_899 = vector.shape_cast %slice3A_898 : vector<1x30x32xf32> to vector<30x32xf32>
    %dot_general3A_900 = arith.constant dense<0.000000e+00> : vector<512x32xf32>
    %dot_general3A_901 = tpu.matmul %select_n3A_897, %squeeze3A_899, %dot_general3A_900 {dimension_numbers = #tpu.dot_dimension_numbers<[1], [0], [0], [1], [0, 0, 1, 1], [], []>, transpose_lhs_hint = false} : vector<512x30xf32>, vector<30x32xf32>, vector<512x32xf32> -> vector<512x32xf32>
    %add3A_902 = arith.addf %add3A_850, %dot_general3A_901 : vector<512x32xf32>
    %get3A_903 = arith.constant 1 : index
    %get3A_904 = arith.constant 0 : index
    %get3A_905 = arith.constant 0 : index
    %get3A_906 = vector.load %arg17[%get3A_903, %get3A_904, %get3A_905] : memref<3x1x32xf32, #tpu.memory_space<vmem>>, vector<1x1x32xf32>
    %get3A_907 = vector.shape_cast %get3A_906 : vector<1x1x32xf32> to vector<1x32xf32>
    %dot_general3A_908 = arith.constant dense<0.000000e+00> : vector<512x1xf32>
    %dot_general3A_909 = tpu.matmul %add3A_902, %get3A_907, %dot_general3A_908 {dimension_numbers = #tpu.dot_dimension_numbers<[1], [1], [0], [0], [0, 0, 1, 0], [], []>, transpose_lhs_hint = false} : vector<512x32xf32>, vector<1x32xf32>, vector<512x1xf32> -> vector<512x1xf32>
    %get3A_910 = arith.constant 1 : index
    %get3A_911 = arith.constant 0 : index
    %get3A_912 = arith.constant 0 : index
    %get3A_913 = vector.load %arg18[%get3A_910, %get3A_911, %get3A_912] : memref<3x1x32xf32, #tpu.memory_space<vmem>>, vector<1x1x32xf32>
    %get3A_914 = vector.shape_cast %get3A_913 : vector<1x1x32xf32> to vector<1x32xf32>
    %dot_general3A_915 = arith.constant dense<0.000000e+00> : vector<1x512xf32>
    %dot_general3A_916 = tpu.matmul %get3A_914, %add3A_902, %dot_general3A_915 {dimension_numbers = #tpu.dot_dimension_numbers<[1], [1], [0], [0], [0, 0, 1, 0], [], []>, transpose_lhs_hint = false} : vector<1x32xf32>, vector<512x32xf32>, vector<1x512xf32> -> vector<1x512xf32>
    %convert_element_type3A_917 = arith.truncf %dot_general3A_909 : vector<512x1xf32> to vector<512x1xbf16>
    %convert_element_type3A_918 = arith.truncf %dot_general3A_916 : vector<1x512xf32> to vector<1x512xbf16>
    %add3A_919 = vector.broadcast %convert_element_type3A_917 : vector<512x1xbf16> to vector<512x512xbf16>
    %add3A_920 = vector.broadcast %convert_element_type3A_918 : vector<1x512xbf16> to vector<512x512xbf16>
    %add3A_921 = arith.addf %add3A_919, %add3A_920 : vector<512x512xbf16>
    %mul3A_922 = arith.constant 1.000980e-01 : bf16
    %mul3A_923 = vector.broadcast %mul3A_922 : bf16 to vector<512x1xbf16>
    %mul3A_924 = arith.mulf %mul3A_923, %convert_element_type3A_917 : vector<512x1xbf16>
    %mul3A_925 = arith.constant 1.000980e-01 : bf16
    %mul3A_926 = vector.broadcast %mul3A_925 : bf16 to vector<1x512xbf16>
    %mul3A_927 = arith.mulf %mul3A_926, %convert_element_type3A_918 : vector<1x512xbf16>
    %add3A_928 = vector.broadcast %mul3A_924 : vector<512x1xbf16> to vector<512x512xbf16>
    %add3A_929 = vector.broadcast %mul3A_927 : vector<1x512xbf16> to vector<512x512xbf16>
    %add3A_930 = arith.addf %add3A_928, %add3A_929 : vector<512x512xbf16>
    %max3A_931 = arith.maximumf %add3A_921, %add3A_930 : vector<512x512xbf16>
    %exp3A_932 = math.exp %max3A_931 : vector<512x512xbf16>
    %mul3A_933 = arith.mulf %exp3A_932, %convert_element_type3A_615 : vector<512x512xbf16>
    %broadcast_in_dim3A_934 = arith.constant 1.000000e+00 : f32
    %broadcast_in_dim3A_935 = vector.broadcast %broadcast_in_dim3A_934 : f32 to vector<512x1xf32>
    %concatenate3A_936 = tpu.concatenate %add3A_902, %broadcast_in_dim3A_935 in 1 : vector<512x32xf32>, vector<512x1xf32> -> vector<512x33xf32>
    %convert_element_type3A_937 = arith.truncf %concatenate3A_936 : vector<512x33xf32> to vector<512x33xbf16>
    %dot_general3A_938 = arith.constant dense<0.000000e+00> : vector<512x33xf32>
    %dot_general3A_939 = tpu.matmul %mul3A_933, %convert_element_type3A_937, %dot_general3A_938 {dimension_numbers = #tpu.dot_dimension_numbers<[1], [0], [0], [1], [0, 0, 1, 1], [], []>, transpose_lhs_hint = false} : vector<512x512xbf16>, vector<512x33xbf16>, vector<512x33xf32> -> vector<512x33xf32>
    %slice3A_940 = vector.extract_strided_slice %dot_general3A_939 {offsets = [0, 32], sizes = [512, 1], strides = [1, 1]} : vector<512x33xf32> to vector<512x1xf32>
    %max3A_941 = arith.constant 1.000000e-30 : f32
    %max3A_942 = vector.broadcast %max3A_941 : f32 to vector<512x1xf32>
    %max3A_943 = arith.maximumf %slice3A_940, %max3A_942 : vector<512x1xf32>
    %integer_pow3A_944 = arith.constant 1.000000e+00 : f32
    %integer_pow3A_945 = vector.broadcast %integer_pow3A_944 : f32 to vector<512x1xf32>
    %integer_pow3A_946 = arith.divf %integer_pow3A_945, %max3A_943 : vector<512x1xf32>
    %slice3A_947 = vector.extract_strided_slice %dot_general3A_939 {offsets = [0, 0], sizes = [512, 32], strides = [1, 1]} : vector<512x33xf32> to vector<512x32xf32>
    %mul3A_948 = vector.broadcast %integer_pow3A_946 : vector<512x1xf32> to vector<512x32xf32>
    %mul3A_949 = arith.mulf %slice3A_947, %mul3A_948 : vector<512x32xf32>
    %gt3A_950 = arith.constant 0.000000e+00 : f32
    %gt3A_951 = vector.broadcast %gt3A_950 : f32 to vector<512x32xf32>
    %gt3A_952 = arith.cmpf ogt, %mul3A_949, %gt3A_951 : vector<512x32xf32>
    %exp3A_953 = math.exp %mul3A_949 : vector<512x32xf32>
    %sub3A_954 = arith.constant 1.000000e+00 : f32
    %sub3A_955 = vector.broadcast %sub3A_954 : f32 to vector<512x32xf32>
    %sub3A_956 = arith.subf %exp3A_953, %sub3A_955 : vector<512x32xf32>
    %select_n3A_957 = arith.select %gt3A_952, %mul3A_949, %sub3A_956 : vector<512x32xi1>, vector<512x32xf32>
    %get3A_958 = arith.constant 0 : index
    %get3A_959 = arith.constant 2 : index
    %get3A_960 = vector.load %arg19[%get3A_958, %get3A_959] : memref<1x4xf32, #tpu.memory_space<vmem>>, vector<1x1xf32>
    %slice3A_961 = vector.extract_strided_slice %select_n3A_957 {offsets = [0, 0], sizes = [400, 32], strides = [1, 1]} : vector<512x32xf32> to vector<400x32xf32>
    %mul3A_962 = vector.broadcast %get3A_960 : vector<1x1xf32> to vector<400x32xf32>
    %mul3A_963 = arith.mulf %mul3A_962, %slice3A_961 : vector<400x32xf32>
    %add3A_964 = arith.addf %add3A_604, %mul3A_963 : vector<400x32xf32>
    %get3A_965 = arith.constant 0 : index
    %get3A_966 = arith.constant 0 : index
    %get3A_967 = arith.constant 0 : index
    %get3A_968 = vector.load %arg5[%get3A_965, %get3A_966, %get3A_967] : memref<2x512x512xi32, #tpu.memory_space<vmem>>, vector<1x512x512xi32>
    %get3A_969 = vector.shape_cast %get3A_968 : vector<1x512x512xi32> to vector<512x512xi32>
    %gt3A_970 = arith.constant 0 : i32
    %gt3A_971 = vector.broadcast %gt3A_970 : i32 to vector<512x512xi32>
    %gt3A_972 = arith.cmpi sgt, %get3A_969, %gt3A_971 : vector<512x512xi32>
    %convert_element_type3A_973 = arith.extui %gt3A_972 : vector<512x512xi1> to vector<512x512xi32>
    %convert_element_type3A_974 = arith.sitofp %convert_element_type3A_973 : vector<512x512xi32> to vector<512x512xf32>
    %convert_element_type3A_975 = arith.truncf %convert_element_type3A_974 : vector<512x512xf32> to vector<512x512xbf16>
    %get3A_976 = arith.constant 2 : index
    %get3A_977 = arith.constant 0 : index
    %get3A_978 = arith.constant 0 : index
    %get3A_979 = arith.constant 0 : index
    %get3A_980 = vector.load %arg14[%get3A_976, %get3A_977, %get3A_978, %get3A_979] : memref<3x5x128x30xf32, #tpu.memory_space<vmem>>, vector<1x5x128x30xf32>
    %get3A_981 = vector.shape_cast %get3A_980 : vector<1x5x128x30xf32> to vector<5x128x30xf32>
    %get3A_982 = arith.constant 2 : index
    %get3A_983 = arith.constant 0 : index
    %get3A_984 = arith.constant 0 : index
    %get3A_985 = arith.constant 0 : index
    %get3A_986 = vector.load %arg15[%get3A_982, %get3A_983, %get3A_984, %get3A_985] : memref<3x2x5x128xf32, #tpu.memory_space<vmem>>, vector<1x1x5x128xf32>
    %get3A_987 = vector.shape_cast %get3A_986 : vector<1x1x5x128xf32> to vector<5x128xf32>
    %get3A_988 = arith.constant 2 : index
    %get3A_989 = arith.constant 1 : index
    %get3A_990 = arith.constant 0 : index
    %get3A_991 = arith.constant 0 : index
    %get3A_992 = vector.load %arg15[%get3A_988, %get3A_989, %get3A_990, %get3A_991] : memref<3x2x5x128xf32, #tpu.memory_space<vmem>>, vector<1x1x5x128xf32>
    %get3A_993 = vector.shape_cast %get3A_992 : vector<1x1x5x128xf32> to vector<5x128xf32>
    %get3A_994 = arith.constant 2 : index
    %get3A_995 = arith.constant 0 : index
    %get3A_996 = arith.constant 0 : index
    %get3A_997 = arith.constant 0 : index
    %get3A_998 = vector.load %arg16[%get3A_994, %get3A_995, %get3A_996, %get3A_997] : memref<3x5x30x32xf32, #tpu.memory_space<vmem>>, vector<1x5x30x32xf32>
    %get3A_999 = vector.shape_cast %get3A_998 : vector<1x5x30x32xf32> to vector<5x30x32xf32>
    %dot_general3A_1000 = arith.constant dense<0.000000e+00> : vector<512x5xf32>
    %dot_general3A_1001 = tpu.matmul %concatenate3A_236, %get3A_987, %dot_general3A_1000 {dimension_numbers = #tpu.dot_dimension_numbers<[1], [1], [0], [0], [0, 0, 1, 0], [], []>, transpose_lhs_hint = false} : vector<512x128xf32>, vector<5x128xf32>, vector<512x5xf32> -> vector<512x5xf32>
    %dot_general3A_1002 = arith.constant dense<0.000000e+00> : vector<5x512xf32>
    %dot_general3A_1003 = tpu.matmul %get3A_993, %concatenate3A_236, %dot_general3A_1002 {dimension_numbers = #tpu.dot_dimension_numbers<[1], [1], [0], [0], [0, 0, 1, 0], [], []>, transpose_lhs_hint = false} : vector<5x128xf32>, vector<512x128xf32>, vector<5x512xf32> -> vector<5x512xf32>
    %slice3A_1004 = vector.extract_strided_slice %get3A_981 {offsets = [0, 0, 0], sizes = [1, 128, 30], strides = [1, 1, 1]} : vector<5x128x30xf32> to vector<1x128x30xf32>
    %squeeze3A_1005 = vector.shape_cast %slice3A_1004 : vector<1x128x30xf32> to vector<128x30xf32>
    %dot_general3A_1006 = arith.constant dense<0.000000e+00> : vector<512x30xf32>
    %dot_general3A_1007 = tpu.matmul %concatenate3A_236, %squeeze3A_1005, %dot_general3A_1006 {dimension_numbers = #tpu.dot_dimension_numbers<[1], [0], [0], [1], [0, 0, 1, 1], [], []>, transpose_lhs_hint = false} : vector<512x128xf32>, vector<128x30xf32>, vector<512x30xf32> -> vector<512x30xf32>
    %slice3A_1008 = vector.extract_strided_slice %dot_general3A_1001 {offsets = [0, 0], sizes = [512, 1], strides = [1, 1]} : vector<512x5xf32> to vector<512x1xf32>
    %slice3A_1009 = vector.extract_strided_slice %dot_general3A_1003 {offsets = [0, 0], sizes = [1, 512], strides = [1, 1]} : vector<5x512xf32> to vector<1x512xf32>
    %convert_element_type3A_1010 = arith.truncf %slice3A_1008 : vector<512x1xf32> to vector<512x1xbf16>
    %convert_element_type3A_1011 = arith.truncf %slice3A_1009 : vector<1x512xf32> to vector<1x512xbf16>
    %add3A_1012 = vector.broadcast %convert_element_type3A_1010 : vector<512x1xbf16> to vector<512x512xbf16>
    %add3A_1013 = vector.broadcast %convert_element_type3A_1011 : vector<1x512xbf16> to vector<512x512xbf16>
    %add3A_1014 = arith.addf %add3A_1012, %add3A_1013 : vector<512x512xbf16>
    %mul3A_1015 = arith.constant 1.000980e-01 : bf16
    %mul3A_1016 = vector.broadcast %mul3A_1015 : bf16 to vector<512x1xbf16>
    %mul3A_1017 = arith.mulf %mul3A_1016, %convert_element_type3A_1010 : vector<512x1xbf16>
    %mul3A_1018 = arith.constant 1.000980e-01 : bf16
    %mul3A_1019 = vector.broadcast %mul3A_1018 : bf16 to vector<1x512xbf16>
    %mul3A_1020 = arith.mulf %mul3A_1019, %convert_element_type3A_1011 : vector<1x512xbf16>
    %add3A_1021 = vector.broadcast %mul3A_1017 : vector<512x1xbf16> to vector<512x512xbf16>
    %add3A_1022 = vector.broadcast %mul3A_1020 : vector<1x512xbf16> to vector<512x512xbf16>
    %add3A_1023 = arith.addf %add3A_1021, %add3A_1022 : vector<512x512xbf16>
    %max3A_1024 = arith.maximumf %add3A_1014, %add3A_1023 : vector<512x512xbf16>
    %exp3A_1025 = math.exp %max3A_1024 : vector<512x512xbf16>
    %mul3A_1026 = arith.mulf %exp3A_1025, %convert_element_type3A_975 : vector<512x512xbf16>
    %broadcast_in_dim3A_1027 = arith.constant 1.000000e+00 : f32
    %broadcast_in_dim3A_1028 = vector.broadcast %broadcast_in_dim3A_1027 : f32 to vector<512x1xf32>
    %concatenate3A_1029 = tpu.concatenate %dot_general3A_1007, %broadcast_in_dim3A_1028 in 1 : vector<512x30xf32>, vector<512x1xf32> -> vector<512x31xf32>
    %convert_element_type3A_1030 = arith.truncf %concatenate3A_1029 : vector<512x31xf32> to vector<512x31xbf16>
    %dot_general3A_1031 = arith.constant dense<0.000000e+00> : vector<512x31xf32>
    %dot_general3A_1032 = tpu.matmul %mul3A_1026, %convert_element_type3A_1030, %dot_general3A_1031 {dimension_numbers = #tpu.dot_dimension_numbers<[1], [0], [0], [1], [0, 0, 1, 1], [], []>, transpose_lhs_hint = false} : vector<512x512xbf16>, vector<512x31xbf16>, vector<512x31xf32> -> vector<512x31xf32>
    %slice3A_1033 = vector.extract_strided_slice %dot_general3A_1032 {offsets = [0, 30], sizes = [512, 1], strides = [1, 1]} : vector<512x31xf32> to vector<512x1xf32>
    %max3A_1034 = arith.constant 1.000000e-30 : f32
    %max3A_1035 = vector.broadcast %max3A_1034 : f32 to vector<512x1xf32>
    %max3A_1036 = arith.maximumf %slice3A_1033, %max3A_1035 : vector<512x1xf32>
    %integer_pow3A_1037 = arith.constant 1.000000e+00 : f32
    %integer_pow3A_1038 = vector.broadcast %integer_pow3A_1037 : f32 to vector<512x1xf32>
    %integer_pow3A_1039 = arith.divf %integer_pow3A_1038, %max3A_1036 : vector<512x1xf32>
    %slice3A_1040 = vector.extract_strided_slice %dot_general3A_1032 {offsets = [0, 0], sizes = [512, 30], strides = [1, 1]} : vector<512x31xf32> to vector<512x30xf32>
    %mul3A_1041 = vector.broadcast %integer_pow3A_1039 : vector<512x1xf32> to vector<512x30xf32>
    %mul3A_1042 = arith.mulf %slice3A_1040, %mul3A_1041 : vector<512x30xf32>
    %gt3A_1043 = arith.constant 0.000000e+00 : f32
    %gt3A_1044 = vector.broadcast %gt3A_1043 : f32 to vector<512x30xf32>
    %gt3A_1045 = arith.cmpf ogt, %mul3A_1042, %gt3A_1044 : vector<512x30xf32>
    %exp3A_1046 = math.exp %mul3A_1042 : vector<512x30xf32>
    %sub3A_1047 = arith.constant 1.000000e+00 : f32
    %sub3A_1048 = vector.broadcast %sub3A_1047 : f32 to vector<512x30xf32>
    %sub3A_1049 = arith.subf %exp3A_1046, %sub3A_1048 : vector<512x30xf32>
    %select_n3A_1050 = arith.select %gt3A_1045, %mul3A_1042, %sub3A_1049 : vector<512x30xi1>, vector<512x30xf32>
    %slice3A_1051 = vector.extract_strided_slice %get3A_999 {offsets = [0, 0, 0], sizes = [1, 30, 32], strides = [1, 1, 1]} : vector<5x30x32xf32> to vector<1x30x32xf32>
    %squeeze3A_1052 = vector.shape_cast %slice3A_1051 : vector<1x30x32xf32> to vector<30x32xf32>
    %dot_general3A_1053 = arith.constant dense<0.000000e+00> : vector<512x32xf32>
    %dot_general3A_1054 = tpu.matmul %select_n3A_1050, %squeeze3A_1052, %dot_general3A_1053 {dimension_numbers = #tpu.dot_dimension_numbers<[1], [0], [0], [1], [0, 0, 1, 1], [], []>, transpose_lhs_hint = false} : vector<512x30xf32>, vector<30x32xf32>, vector<512x32xf32> -> vector<512x32xf32>
    %slice3A_1055 = vector.extract_strided_slice %get3A_981 {offsets = [1, 0, 0], sizes = [1, 128, 30], strides = [1, 1, 1]} : vector<5x128x30xf32> to vector<1x128x30xf32>
    %squeeze3A_1056 = vector.shape_cast %slice3A_1055 : vector<1x128x30xf32> to vector<128x30xf32>
    %dot_general3A_1057 = arith.constant dense<0.000000e+00> : vector<512x30xf32>
    %dot_general3A_1058 = tpu.matmul %concatenate3A_236, %squeeze3A_1056, %dot_general3A_1057 {dimension_numbers = #tpu.dot_dimension_numbers<[1], [0], [0], [1], [0, 0, 1, 1], [], []>, transpose_lhs_hint = false} : vector<512x128xf32>, vector<128x30xf32>, vector<512x30xf32> -> vector<512x30xf32>
    %slice3A_1059 = vector.extract_strided_slice %dot_general3A_1001 {offsets = [0, 1], sizes = [512, 1], strides = [1, 1]} : vector<512x5xf32> to vector<512x1xf32>
    %slice3A_1060 = vector.extract_strided_slice %dot_general3A_1003 {offsets = [1, 0], sizes = [1, 512], strides = [1, 1]} : vector<5x512xf32> to vector<1x512xf32>
    %convert_element_type3A_1061 = arith.truncf %slice3A_1059 : vector<512x1xf32> to vector<512x1xbf16>
    %convert_element_type3A_1062 = arith.truncf %slice3A_1060 : vector<1x512xf32> to vector<1x512xbf16>
    %add3A_1063 = vector.broadcast %convert_element_type3A_1061 : vector<512x1xbf16> to vector<512x512xbf16>
    %add3A_1064 = vector.broadcast %convert_element_type3A_1062 : vector<1x512xbf16> to vector<512x512xbf16>
    %add3A_1065 = arith.addf %add3A_1063, %add3A_1064 : vector<512x512xbf16>
    %mul3A_1066 = arith.constant 1.000980e-01 : bf16
    %mul3A_1067 = vector.broadcast %mul3A_1066 : bf16 to vector<512x1xbf16>
    %mul3A_1068 = arith.mulf %mul3A_1067, %convert_element_type3A_1061 : vector<512x1xbf16>
    %mul3A_1069 = arith.constant 1.000980e-01 : bf16
    %mul3A_1070 = vector.broadcast %mul3A_1069 : bf16 to vector<1x512xbf16>
    %mul3A_1071 = arith.mulf %mul3A_1070, %convert_element_type3A_1062 : vector<1x512xbf16>
    %add3A_1072 = vector.broadcast %mul3A_1068 : vector<512x1xbf16> to vector<512x512xbf16>
    %add3A_1073 = vector.broadcast %mul3A_1071 : vector<1x512xbf16> to vector<512x512xbf16>
    %add3A_1074 = arith.addf %add3A_1072, %add3A_1073 : vector<512x512xbf16>
    %max3A_1075 = arith.maximumf %add3A_1065, %add3A_1074 : vector<512x512xbf16>
    %exp3A_1076 = math.exp %max3A_1075 : vector<512x512xbf16>
    %mul3A_1077 = arith.mulf %exp3A_1076, %convert_element_type3A_975 : vector<512x512xbf16>
    %broadcast_in_dim3A_1078 = arith.constant 1.000000e+00 : f32
    %broadcast_in_dim3A_1079 = vector.broadcast %broadcast_in_dim3A_1078 : f32 to vector<512x1xf32>
    %concatenate3A_1080 = tpu.concatenate %dot_general3A_1058, %broadcast_in_dim3A_1079 in 1 : vector<512x30xf32>, vector<512x1xf32> -> vector<512x31xf32>
    %convert_element_type3A_1081 = arith.truncf %concatenate3A_1080 : vector<512x31xf32> to vector<512x31xbf16>
    %dot_general3A_1082 = arith.constant dense<0.000000e+00> : vector<512x31xf32>
    %dot_general3A_1083 = tpu.matmul %mul3A_1077, %convert_element_type3A_1081, %dot_general3A_1082 {dimension_numbers = #tpu.dot_dimension_numbers<[1], [0], [0], [1], [0, 0, 1, 1], [], []>, transpose_lhs_hint = false} : vector<512x512xbf16>, vector<512x31xbf16>, vector<512x31xf32> -> vector<512x31xf32>
    %slice3A_1084 = vector.extract_strided_slice %dot_general3A_1083 {offsets = [0, 30], sizes = [512, 1], strides = [1, 1]} : vector<512x31xf32> to vector<512x1xf32>
    %max3A_1085 = arith.constant 1.000000e-30 : f32
    %max3A_1086 = vector.broadcast %max3A_1085 : f32 to vector<512x1xf32>
    %max3A_1087 = arith.maximumf %slice3A_1084, %max3A_1086 : vector<512x1xf32>
    %integer_pow3A_1088 = arith.constant 1.000000e+00 : f32
    %integer_pow3A_1089 = vector.broadcast %integer_pow3A_1088 : f32 to vector<512x1xf32>
    %integer_pow3A_1090 = arith.divf %integer_pow3A_1089, %max3A_1087 : vector<512x1xf32>
    %slice3A_1091 = vector.extract_strided_slice %dot_general3A_1083 {offsets = [0, 0], sizes = [512, 30], strides = [1, 1]} : vector<512x31xf32> to vector<512x30xf32>
    %mul3A_1092 = vector.broadcast %integer_pow3A_1090 : vector<512x1xf32> to vector<512x30xf32>
    %mul3A_1093 = arith.mulf %slice3A_1091, %mul3A_1092 : vector<512x30xf32>
    %gt3A_1094 = arith.constant 0.000000e+00 : f32
    %gt3A_1095 = vector.broadcast %gt3A_1094 : f32 to vector<512x30xf32>
    %gt3A_1096 = arith.cmpf ogt, %mul3A_1093, %gt3A_1095 : vector<512x30xf32>
    %exp3A_1097 = math.exp %mul3A_1093 : vector<512x30xf32>
    %sub3A_1098 = arith.constant 1.000000e+00 : f32
    %sub3A_1099 = vector.broadcast %sub3A_1098 : f32 to vector<512x30xf32>
    %sub3A_1100 = arith.subf %exp3A_1097, %sub3A_1099 : vector<512x30xf32>
    %select_n3A_1101 = arith.select %gt3A_1096, %mul3A_1093, %sub3A_1100 : vector<512x30xi1>, vector<512x30xf32>
    %slice3A_1102 = vector.extract_strided_slice %get3A_999 {offsets = [1, 0, 0], sizes = [1, 30, 32], strides = [1, 1, 1]} : vector<5x30x32xf32> to vector<1x30x32xf32>
    %squeeze3A_1103 = vector.shape_cast %slice3A_1102 : vector<1x30x32xf32> to vector<30x32xf32>
    %dot_general3A_1104 = arith.constant dense<0.000000e+00> : vector<512x32xf32>
    %dot_general3A_1105 = tpu.matmul %select_n3A_1101, %squeeze3A_1103, %dot_general3A_1104 {dimension_numbers = #tpu.dot_dimension_numbers<[1], [0], [0], [1], [0, 0, 1, 1], [], []>, transpose_lhs_hint = false} : vector<512x30xf32>, vector<30x32xf32>, vector<512x32xf32> -> vector<512x32xf32>
    %add3A_1106 = arith.addf %dot_general3A_1054, %dot_general3A_1105 : vector<512x32xf32>
    %slice3A_1107 = vector.extract_strided_slice %get3A_981 {offsets = [2, 0, 0], sizes = [1, 128, 30], strides = [1, 1, 1]} : vector<5x128x30xf32> to vector<1x128x30xf32>
    %squeeze3A_1108 = vector.shape_cast %slice3A_1107 : vector<1x128x30xf32> to vector<128x30xf32>
    %dot_general3A_1109 = arith.constant dense<0.000000e+00> : vector<512x30xf32>
    %dot_general3A_1110 = tpu.matmul %concatenate3A_236, %squeeze3A_1108, %dot_general3A_1109 {dimension_numbers = #tpu.dot_dimension_numbers<[1], [0], [0], [1], [0, 0, 1, 1], [], []>, transpose_lhs_hint = false} : vector<512x128xf32>, vector<128x30xf32>, vector<512x30xf32> -> vector<512x30xf32>
    %slice3A_1111 = vector.extract_strided_slice %dot_general3A_1001 {offsets = [0, 2], sizes = [512, 1], strides = [1, 1]} : vector<512x5xf32> to vector<512x1xf32>
    %slice3A_1112 = vector.extract_strided_slice %dot_general3A_1003 {offsets = [2, 0], sizes = [1, 512], strides = [1, 1]} : vector<5x512xf32> to vector<1x512xf32>
    %convert_element_type3A_1113 = arith.truncf %slice3A_1111 : vector<512x1xf32> to vector<512x1xbf16>
    %convert_element_type3A_1114 = arith.truncf %slice3A_1112 : vector<1x512xf32> to vector<1x512xbf16>
    %add3A_1115 = vector.broadcast %convert_element_type3A_1113 : vector<512x1xbf16> to vector<512x512xbf16>
    %add3A_1116 = vector.broadcast %convert_element_type3A_1114 : vector<1x512xbf16> to vector<512x512xbf16>
    %add3A_1117 = arith.addf %add3A_1115, %add3A_1116 : vector<512x512xbf16>
    %mul3A_1118 = arith.constant 1.000980e-01 : bf16
    %mul3A_1119 = vector.broadcast %mul3A_1118 : bf16 to vector<512x1xbf16>
    %mul3A_1120 = arith.mulf %mul3A_1119, %convert_element_type3A_1113 : vector<512x1xbf16>
    %mul3A_1121 = arith.constant 1.000980e-01 : bf16
    %mul3A_1122 = vector.broadcast %mul3A_1121 : bf16 to vector<1x512xbf16>
    %mul3A_1123 = arith.mulf %mul3A_1122, %convert_element_type3A_1114 : vector<1x512xbf16>
    %add3A_1124 = vector.broadcast %mul3A_1120 : vector<512x1xbf16> to vector<512x512xbf16>
    %add3A_1125 = vector.broadcast %mul3A_1123 : vector<1x512xbf16> to vector<512x512xbf16>
    %add3A_1126 = arith.addf %add3A_1124, %add3A_1125 : vector<512x512xbf16>
    %max3A_1127 = arith.maximumf %add3A_1117, %add3A_1126 : vector<512x512xbf16>
    %exp3A_1128 = math.exp %max3A_1127 : vector<512x512xbf16>
    %mul3A_1129 = arith.mulf %exp3A_1128, %convert_element_type3A_975 : vector<512x512xbf16>
    %broadcast_in_dim3A_1130 = arith.constant 1.000000e+00 : f32
    %broadcast_in_dim3A_1131 = vector.broadcast %broadcast_in_dim3A_1130 : f32 to vector<512x1xf32>
    %concatenate3A_1132 = tpu.concatenate %dot_general3A_1110, %broadcast_in_dim3A_1131 in 1 : vector<512x30xf32>, vector<512x1xf32> -> vector<512x31xf32>
    %convert_element_type3A_1133 = arith.truncf %concatenate3A_1132 : vector<512x31xf32> to vector<512x31xbf16>
    %dot_general3A_1134 = arith.constant dense<0.000000e+00> : vector<512x31xf32>
    %dot_general3A_1135 = tpu.matmul %mul3A_1129, %convert_element_type3A_1133, %dot_general3A_1134 {dimension_numbers = #tpu.dot_dimension_numbers<[1], [0], [0], [1], [0, 0, 1, 1], [], []>, transpose_lhs_hint = false} : vector<512x512xbf16>, vector<512x31xbf16>, vector<512x31xf32> -> vector<512x31xf32>
    %slice3A_1136 = vector.extract_strided_slice %dot_general3A_1135 {offsets = [0, 30], sizes = [512, 1], strides = [1, 1]} : vector<512x31xf32> to vector<512x1xf32>
    %max3A_1137 = arith.constant 1.000000e-30 : f32
    %max3A_1138 = vector.broadcast %max3A_1137 : f32 to vector<512x1xf32>
    %max3A_1139 = arith.maximumf %slice3A_1136, %max3A_1138 : vector<512x1xf32>
    %integer_pow3A_1140 = arith.constant 1.000000e+00 : f32
    %integer_pow3A_1141 = vector.broadcast %integer_pow3A_1140 : f32 to vector<512x1xf32>
    %integer_pow3A_1142 = arith.divf %integer_pow3A_1141, %max3A_1139 : vector<512x1xf32>
    %slice3A_1143 = vector.extract_strided_slice %dot_general3A_1135 {offsets = [0, 0], sizes = [512, 30], strides = [1, 1]} : vector<512x31xf32> to vector<512x30xf32>
    %mul3A_1144 = vector.broadcast %integer_pow3A_1142 : vector<512x1xf32> to vector<512x30xf32>
    %mul3A_1145 = arith.mulf %slice3A_1143, %mul3A_1144 : vector<512x30xf32>
    %gt3A_1146 = arith.constant 0.000000e+00 : f32
    %gt3A_1147 = vector.broadcast %gt3A_1146 : f32 to vector<512x30xf32>
    %gt3A_1148 = arith.cmpf ogt, %mul3A_1145, %gt3A_1147 : vector<512x30xf32>
    %exp3A_1149 = math.exp %mul3A_1145 : vector<512x30xf32>
    %sub3A_1150 = arith.constant 1.000000e+00 : f32
    %sub3A_1151 = vector.broadcast %sub3A_1150 : f32 to vector<512x30xf32>
    %sub3A_1152 = arith.subf %exp3A_1149, %sub3A_1151 : vector<512x30xf32>
    %select_n3A_1153 = arith.select %gt3A_1148, %mul3A_1145, %sub3A_1152 : vector<512x30xi1>, vector<512x30xf32>
    %slice3A_1154 = vector.extract_strided_slice %get3A_999 {offsets = [2, 0, 0], sizes = [1, 30, 32], strides = [1, 1, 1]} : vector<5x30x32xf32> to vector<1x30x32xf32>
    %squeeze3A_1155 = vector.shape_cast %slice3A_1154 : vector<1x30x32xf32> to vector<30x32xf32>
    %dot_general3A_1156 = arith.constant dense<0.000000e+00> : vector<512x32xf32>
    %dot_general3A_1157 = tpu.matmul %select_n3A_1153, %squeeze3A_1155, %dot_general3A_1156 {dimension_numbers = #tpu.dot_dimension_numbers<[1], [0], [0], [1], [0, 0, 1, 1], [], []>, transpose_lhs_hint = false} : vector<512x30xf32>, vector<30x32xf32>, vector<512x32xf32> -> vector<512x32xf32>
    %add3A_1158 = arith.addf %add3A_1106, %dot_general3A_1157 : vector<512x32xf32>
    %slice3A_1159 = vector.extract_strided_slice %get3A_981 {offsets = [3, 0, 0], sizes = [1, 128, 30], strides = [1, 1, 1]} : vector<5x128x30xf32> to vector<1x128x30xf32>
    %squeeze3A_1160 = vector.shape_cast %slice3A_1159 : vector<1x128x30xf32> to vector<128x30xf32>
    %dot_general3A_1161 = arith.constant dense<0.000000e+00> : vector<512x30xf32>
    %dot_general3A_1162 = tpu.matmul %concatenate3A_236, %squeeze3A_1160, %dot_general3A_1161 {dimension_numbers = #tpu.dot_dimension_numbers<[1], [0], [0], [1], [0, 0, 1, 1], [], []>, transpose_lhs_hint = false} : vector<512x128xf32>, vector<128x30xf32>, vector<512x30xf32> -> vector<512x30xf32>
    %slice3A_1163 = vector.extract_strided_slice %dot_general3A_1001 {offsets = [0, 3], sizes = [512, 1], strides = [1, 1]} : vector<512x5xf32> to vector<512x1xf32>
    %slice3A_1164 = vector.extract_strided_slice %dot_general3A_1003 {offsets = [3, 0], sizes = [1, 512], strides = [1, 1]} : vector<5x512xf32> to vector<1x512xf32>
    %convert_element_type3A_1165 = arith.truncf %slice3A_1163 : vector<512x1xf32> to vector<512x1xbf16>
    %convert_element_type3A_1166 = arith.truncf %slice3A_1164 : vector<1x512xf32> to vector<1x512xbf16>
    %add3A_1167 = vector.broadcast %convert_element_type3A_1165 : vector<512x1xbf16> to vector<512x512xbf16>
    %add3A_1168 = vector.broadcast %convert_element_type3A_1166 : vector<1x512xbf16> to vector<512x512xbf16>
    %add3A_1169 = arith.addf %add3A_1167, %add3A_1168 : vector<512x512xbf16>
    %mul3A_1170 = arith.constant 1.000980e-01 : bf16
    %mul3A_1171 = vector.broadcast %mul3A_1170 : bf16 to vector<512x1xbf16>
    %mul3A_1172 = arith.mulf %mul3A_1171, %convert_element_type3A_1165 : vector<512x1xbf16>
    %mul3A_1173 = arith.constant 1.000980e-01 : bf16
    %mul3A_1174 = vector.broadcast %mul3A_1173 : bf16 to vector<1x512xbf16>
    %mul3A_1175 = arith.mulf %mul3A_1174, %convert_element_type3A_1166 : vector<1x512xbf16>
    %add3A_1176 = vector.broadcast %mul3A_1172 : vector<512x1xbf16> to vector<512x512xbf16>
    %add3A_1177 = vector.broadcast %mul3A_1175 : vector<1x512xbf16> to vector<512x512xbf16>
    %add3A_1178 = arith.addf %add3A_1176, %add3A_1177 : vector<512x512xbf16>
    %max3A_1179 = arith.maximumf %add3A_1169, %add3A_1178 : vector<512x512xbf16>
    %exp3A_1180 = math.exp %max3A_1179 : vector<512x512xbf16>
    %mul3A_1181 = arith.mulf %exp3A_1180, %convert_element_type3A_975 : vector<512x512xbf16>
    %broadcast_in_dim3A_1182 = arith.constant 1.000000e+00 : f32
    %broadcast_in_dim3A_1183 = vector.broadcast %broadcast_in_dim3A_1182 : f32 to vector<512x1xf32>
    %concatenate3A_1184 = tpu.concatenate %dot_general3A_1162, %broadcast_in_dim3A_1183 in 1 : vector<512x30xf32>, vector<512x1xf32> -> vector<512x31xf32>
    %convert_element_type3A_1185 = arith.truncf %concatenate3A_1184 : vector<512x31xf32> to vector<512x31xbf16>
    %dot_general3A_1186 = arith.constant dense<0.000000e+00> : vector<512x31xf32>
    %dot_general3A_1187 = tpu.matmul %mul3A_1181, %convert_element_type3A_1185, %dot_general3A_1186 {dimension_numbers = #tpu.dot_dimension_numbers<[1], [0], [0], [1], [0, 0, 1, 1], [], []>, transpose_lhs_hint = false} : vector<512x512xbf16>, vector<512x31xbf16>, vector<512x31xf32> -> vector<512x31xf32>
    %slice3A_1188 = vector.extract_strided_slice %dot_general3A_1187 {offsets = [0, 30], sizes = [512, 1], strides = [1, 1]} : vector<512x31xf32> to vector<512x1xf32>
    %max3A_1189 = arith.constant 1.000000e-30 : f32
    %max3A_1190 = vector.broadcast %max3A_1189 : f32 to vector<512x1xf32>
    %max3A_1191 = arith.maximumf %slice3A_1188, %max3A_1190 : vector<512x1xf32>
    %integer_pow3A_1192 = arith.constant 1.000000e+00 : f32
    %integer_pow3A_1193 = vector.broadcast %integer_pow3A_1192 : f32 to vector<512x1xf32>
    %integer_pow3A_1194 = arith.divf %integer_pow3A_1193, %max3A_1191 : vector<512x1xf32>
    %slice3A_1195 = vector.extract_strided_slice %dot_general3A_1187 {offsets = [0, 0], sizes = [512, 30], strides = [1, 1]} : vector<512x31xf32> to vector<512x30xf32>
    %mul3A_1196 = vector.broadcast %integer_pow3A_1194 : vector<512x1xf32> to vector<512x30xf32>
    %mul3A_1197 = arith.mulf %slice3A_1195, %mul3A_1196 : vector<512x30xf32>
    %gt3A_1198 = arith.constant 0.000000e+00 : f32
    %gt3A_1199 = vector.broadcast %gt3A_1198 : f32 to vector<512x30xf32>
    %gt3A_1200 = arith.cmpf ogt, %mul3A_1197, %gt3A_1199 : vector<512x30xf32>
    %exp3A_1201 = math.exp %mul3A_1197 : vector<512x30xf32>
    %sub3A_1202 = arith.constant 1.000000e+00 : f32
    %sub3A_1203 = vector.broadcast %sub3A_1202 : f32 to vector<512x30xf32>
    %sub3A_1204 = arith.subf %exp3A_1201, %sub3A_1203 : vector<512x30xf32>
    %select_n3A_1205 = arith.select %gt3A_1200, %mul3A_1197, %sub3A_1204 : vector<512x30xi1>, vector<512x30xf32>
    %slice3A_1206 = vector.extract_strided_slice %get3A_999 {offsets = [3, 0, 0], sizes = [1, 30, 32], strides = [1, 1, 1]} : vector<5x30x32xf32> to vector<1x30x32xf32>
    %squeeze3A_1207 = vector.shape_cast %slice3A_1206 : vector<1x30x32xf32> to vector<30x32xf32>
    %dot_general3A_1208 = arith.constant dense<0.000000e+00> : vector<512x32xf32>
    %dot_general3A_1209 = tpu.matmul %select_n3A_1205, %squeeze3A_1207, %dot_general3A_1208 {dimension_numbers = #tpu.dot_dimension_numbers<[1], [0], [0], [1], [0, 0, 1, 1], [], []>, transpose_lhs_hint = false} : vector<512x30xf32>, vector<30x32xf32>, vector<512x32xf32> -> vector<512x32xf32>
    %add3A_1210 = arith.addf %add3A_1158, %dot_general3A_1209 : vector<512x32xf32>
    %slice3A_1211 = vector.extract_strided_slice %get3A_981 {offsets = [4, 0, 0], sizes = [1, 128, 30], strides = [1, 1, 1]} : vector<5x128x30xf32> to vector<1x128x30xf32>
    %squeeze3A_1212 = vector.shape_cast %slice3A_1211 : vector<1x128x30xf32> to vector<128x30xf32>
    %dot_general3A_1213 = arith.constant dense<0.000000e+00> : vector<512x30xf32>
    %dot_general3A_1214 = tpu.matmul %concatenate3A_236, %squeeze3A_1212, %dot_general3A_1213 {dimension_numbers = #tpu.dot_dimension_numbers<[1], [0], [0], [1], [0, 0, 1, 1], [], []>, transpose_lhs_hint = false} : vector<512x128xf32>, vector<128x30xf32>, vector<512x30xf32> -> vector<512x30xf32>
    %slice3A_1215 = vector.extract_strided_slice %dot_general3A_1001 {offsets = [0, 4], sizes = [512, 1], strides = [1, 1]} : vector<512x5xf32> to vector<512x1xf32>
    %slice3A_1216 = vector.extract_strided_slice %dot_general3A_1003 {offsets = [4, 0], sizes = [1, 512], strides = [1, 1]} : vector<5x512xf32> to vector<1x512xf32>
    %convert_element_type3A_1217 = arith.truncf %slice3A_1215 : vector<512x1xf32> to vector<512x1xbf16>
    %convert_element_type3A_1218 = arith.truncf %slice3A_1216 : vector<1x512xf32> to vector<1x512xbf16>
    %add3A_1219 = vector.broadcast %convert_element_type3A_1217 : vector<512x1xbf16> to vector<512x512xbf16>
    %add3A_1220 = vector.broadcast %convert_element_type3A_1218 : vector<1x512xbf16> to vector<512x512xbf16>
    %add3A_1221 = arith.addf %add3A_1219, %add3A_1220 : vector<512x512xbf16>
    %mul3A_1222 = arith.constant 1.000980e-01 : bf16
    %mul3A_1223 = vector.broadcast %mul3A_1222 : bf16 to vector<512x1xbf16>
    %mul3A_1224 = arith.mulf %mul3A_1223, %convert_element_type3A_1217 : vector<512x1xbf16>
    %mul3A_1225 = arith.constant 1.000980e-01 : bf16
    %mul3A_1226 = vector.broadcast %mul3A_1225 : bf16 to vector<1x512xbf16>
    %mul3A_1227 = arith.mulf %mul3A_1226, %convert_element_type3A_1218 : vector<1x512xbf16>
    %add3A_1228 = vector.broadcast %mul3A_1224 : vector<512x1xbf16> to vector<512x512xbf16>
    %add3A_1229 = vector.broadcast %mul3A_1227 : vector<1x512xbf16> to vector<512x512xbf16>
    %add3A_1230 = arith.addf %add3A_1228, %add3A_1229 : vector<512x512xbf16>
    %max3A_1231 = arith.maximumf %add3A_1221, %add3A_1230 : vector<512x512xbf16>
    %exp3A_1232 = math.exp %max3A_1231 : vector<512x512xbf16>
    %mul3A_1233 = arith.mulf %exp3A_1232, %convert_element_type3A_975 : vector<512x512xbf16>
    %broadcast_in_dim3A_1234 = arith.constant 1.000000e+00 : f32
    %broadcast_in_dim3A_1235 = vector.broadcast %broadcast_in_dim3A_1234 : f32 to vector<512x1xf32>
    %concatenate3A_1236 = tpu.concatenate %dot_general3A_1214, %broadcast_in_dim3A_1235 in 1 : vector<512x30xf32>, vector<512x1xf32> -> vector<512x31xf32>
    %convert_element_type3A_1237 = arith.truncf %concatenate3A_1236 : vector<512x31xf32> to vector<512x31xbf16>
    %dot_general3A_1238 = arith.constant dense<0.000000e+00> : vector<512x31xf32>
    %dot_general3A_1239 = tpu.matmul %mul3A_1233, %convert_element_type3A_1237, %dot_general3A_1238 {dimension_numbers = #tpu.dot_dimension_numbers<[1], [0], [0], [1], [0, 0, 1, 1], [], []>, transpose_lhs_hint = false} : vector<512x512xbf16>, vector<512x31xbf16>, vector<512x31xf32> -> vector<512x31xf32>
    %slice3A_1240 = vector.extract_strided_slice %dot_general3A_1239 {offsets = [0, 30], sizes = [512, 1], strides = [1, 1]} : vector<512x31xf32> to vector<512x1xf32>
    %max3A_1241 = arith.constant 1.000000e-30 : f32
    %max3A_1242 = vector.broadcast %max3A_1241 : f32 to vector<512x1xf32>
    %max3A_1243 = arith.maximumf %slice3A_1240, %max3A_1242 : vector<512x1xf32>
    %integer_pow3A_1244 = arith.constant 1.000000e+00 : f32
    %integer_pow3A_1245 = vector.broadcast %integer_pow3A_1244 : f32 to vector<512x1xf32>
    %integer_pow3A_1246 = arith.divf %integer_pow3A_1245, %max3A_1243 : vector<512x1xf32>
    %slice3A_1247 = vector.extract_strided_slice %dot_general3A_1239 {offsets = [0, 0], sizes = [512, 30], strides = [1, 1]} : vector<512x31xf32> to vector<512x30xf32>
    %mul3A_1248 = vector.broadcast %integer_pow3A_1246 : vector<512x1xf32> to vector<512x30xf32>
    %mul3A_1249 = arith.mulf %slice3A_1247, %mul3A_1248 : vector<512x30xf32>
    %gt3A_1250 = arith.constant 0.000000e+00 : f32
    %gt3A_1251 = vector.broadcast %gt3A_1250 : f32 to vector<512x30xf32>
    %gt3A_1252 = arith.cmpf ogt, %mul3A_1249, %gt3A_1251 : vector<512x30xf32>
    %exp3A_1253 = math.exp %mul3A_1249 : vector<512x30xf32>
    %sub3A_1254 = arith.constant 1.000000e+00 : f32
    %sub3A_1255 = vector.broadcast %sub3A_1254 : f32 to vector<512x30xf32>
    %sub3A_1256 = arith.subf %exp3A_1253, %sub3A_1255 : vector<512x30xf32>
    %select_n3A_1257 = arith.select %gt3A_1252, %mul3A_1249, %sub3A_1256 : vector<512x30xi1>, vector<512x30xf32>
    %slice3A_1258 = vector.extract_strided_slice %get3A_999 {offsets = [4, 0, 0], sizes = [1, 30, 32], strides = [1, 1, 1]} : vector<5x30x32xf32> to vector<1x30x32xf32>
    %squeeze3A_1259 = vector.shape_cast %slice3A_1258 : vector<1x30x32xf32> to vector<30x32xf32>
    %dot_general3A_1260 = arith.constant dense<0.000000e+00> : vector<512x32xf32>
    %dot_general3A_1261 = tpu.matmul %select_n3A_1257, %squeeze3A_1259, %dot_general3A_1260 {dimension_numbers = #tpu.dot_dimension_numbers<[1], [0], [0], [1], [0, 0, 1, 1], [], []>, transpose_lhs_hint = false} : vector<512x30xf32>, vector<30x32xf32>, vector<512x32xf32> -> vector<512x32xf32>
    %add3A_1262 = arith.addf %add3A_1210, %dot_general3A_1261 : vector<512x32xf32>
    %get3A_1263 = arith.constant 2 : index
    %get3A_1264 = arith.constant 0 : index
    %get3A_1265 = arith.constant 0 : index
    %get3A_1266 = vector.load %arg17[%get3A_1263, %get3A_1264, %get3A_1265] : memref<3x1x32xf32, #tpu.memory_space<vmem>>, vector<1x1x32xf32>
    %get3A_1267 = vector.shape_cast %get3A_1266 : vector<1x1x32xf32> to vector<1x32xf32>
    %dot_general3A_1268 = arith.constant dense<0.000000e+00> : vector<512x1xf32>
    %dot_general3A_1269 = tpu.matmul %add3A_1262, %get3A_1267, %dot_general3A_1268 {dimension_numbers = #tpu.dot_dimension_numbers<[1], [1], [0], [0], [0, 0, 1, 0], [], []>, transpose_lhs_hint = false} : vector<512x32xf32>, vector<1x32xf32>, vector<512x1xf32> -> vector<512x1xf32>
    %get3A_1270 = arith.constant 2 : index
    %get3A_1271 = arith.constant 0 : index
    %get3A_1272 = arith.constant 0 : index
    %get3A_1273 = vector.load %arg18[%get3A_1270, %get3A_1271, %get3A_1272] : memref<3x1x32xf32, #tpu.memory_space<vmem>>, vector<1x1x32xf32>
    %get3A_1274 = vector.shape_cast %get3A_1273 : vector<1x1x32xf32> to vector<1x32xf32>
    %dot_general3A_1275 = arith.constant dense<0.000000e+00> : vector<1x512xf32>
    %dot_general3A_1276 = tpu.matmul %get3A_1274, %add3A_1262, %dot_general3A_1275 {dimension_numbers = #tpu.dot_dimension_numbers<[1], [1], [0], [0], [0, 0, 1, 0], [], []>, transpose_lhs_hint = false} : vector<1x32xf32>, vector<512x32xf32>, vector<1x512xf32> -> vector<1x512xf32>
    %convert_element_type3A_1277 = arith.truncf %dot_general3A_1269 : vector<512x1xf32> to vector<512x1xbf16>
    %convert_element_type3A_1278 = arith.truncf %dot_general3A_1276 : vector<1x512xf32> to vector<1x512xbf16>
    %add3A_1279 = vector.broadcast %convert_element_type3A_1277 : vector<512x1xbf16> to vector<512x512xbf16>
    %add3A_1280 = vector.broadcast %convert_element_type3A_1278 : vector<1x512xbf16> to vector<512x512xbf16>
    %add3A_1281 = arith.addf %add3A_1279, %add3A_1280 : vector<512x512xbf16>
    %mul3A_1282 = arith.constant 1.000980e-01 : bf16
    %mul3A_1283 = vector.broadcast %mul3A_1282 : bf16 to vector<512x1xbf16>
    %mul3A_1284 = arith.mulf %mul3A_1283, %convert_element_type3A_1277 : vector<512x1xbf16>
    %mul3A_1285 = arith.constant 1.000980e-01 : bf16
    %mul3A_1286 = vector.broadcast %mul3A_1285 : bf16 to vector<1x512xbf16>
    %mul3A_1287 = arith.mulf %mul3A_1286, %convert_element_type3A_1278 : vector<1x512xbf16>
    %add3A_1288 = vector.broadcast %mul3A_1284 : vector<512x1xbf16> to vector<512x512xbf16>
    %add3A_1289 = vector.broadcast %mul3A_1287 : vector<1x512xbf16> to vector<512x512xbf16>
    %add3A_1290 = arith.addf %add3A_1288, %add3A_1289 : vector<512x512xbf16>
    %max3A_1291 = arith.maximumf %add3A_1281, %add3A_1290 : vector<512x512xbf16>
    %exp3A_1292 = math.exp %max3A_1291 : vector<512x512xbf16>
    %mul3A_1293 = arith.mulf %exp3A_1292, %convert_element_type3A_975 : vector<512x512xbf16>
    %broadcast_in_dim3A_1294 = arith.constant 1.000000e+00 : f32
    %broadcast_in_dim3A_1295 = vector.broadcast %broadcast_in_dim3A_1294 : f32 to vector<512x1xf32>
    %concatenate3A_1296 = tpu.concatenate %add3A_1262, %broadcast_in_dim3A_1295 in 1 : vector<512x32xf32>, vector<512x1xf32> -> vector<512x33xf32>
    %convert_element_type3A_1297 = arith.truncf %concatenate3A_1296 : vector<512x33xf32> to vector<512x33xbf16>
    %dot_general3A_1298 = arith.constant dense<0.000000e+00> : vector<512x33xf32>
    %dot_general3A_1299 = tpu.matmul %mul3A_1293, %convert_element_type3A_1297, %dot_general3A_1298 {dimension_numbers = #tpu.dot_dimension_numbers<[1], [0], [0], [1], [0, 0, 1, 1], [], []>, transpose_lhs_hint = false} : vector<512x512xbf16>, vector<512x33xbf16>, vector<512x33xf32> -> vector<512x33xf32>
    %slice3A_1300 = vector.extract_strided_slice %dot_general3A_1299 {offsets = [0, 32], sizes = [512, 1], strides = [1, 1]} : vector<512x33xf32> to vector<512x1xf32>
    %max3A_1301 = arith.constant 1.000000e-30 : f32
    %max3A_1302 = vector.broadcast %max3A_1301 : f32 to vector<512x1xf32>
    %max3A_1303 = arith.maximumf %slice3A_1300, %max3A_1302 : vector<512x1xf32>
    %integer_pow3A_1304 = arith.constant 1.000000e+00 : f32
    %integer_pow3A_1305 = vector.broadcast %integer_pow3A_1304 : f32 to vector<512x1xf32>
    %integer_pow3A_1306 = arith.divf %integer_pow3A_1305, %max3A_1303 : vector<512x1xf32>
    %slice3A_1307 = vector.extract_strided_slice %dot_general3A_1299 {offsets = [0, 0], sizes = [512, 32], strides = [1, 1]} : vector<512x33xf32> to vector<512x32xf32>
    %mul3A_1308 = vector.broadcast %integer_pow3A_1306 : vector<512x1xf32> to vector<512x32xf32>
    %mul3A_1309 = arith.mulf %slice3A_1307, %mul3A_1308 : vector<512x32xf32>
    %gt3A_1310 = arith.constant 0.000000e+00 : f32
    %gt3A_1311 = vector.broadcast %gt3A_1310 : f32 to vector<512x32xf32>
    %gt3A_1312 = arith.cmpf ogt, %mul3A_1309, %gt3A_1311 : vector<512x32xf32>
    %exp3A_1313 = math.exp %mul3A_1309 : vector<512x32xf32>
    %sub3A_1314 = arith.constant 1.000000e+00 : f32
    %sub3A_1315 = vector.broadcast %sub3A_1314 : f32 to vector<512x32xf32>
    %sub3A_1316 = arith.subf %exp3A_1313, %sub3A_1315 : vector<512x32xf32>
    %select_n3A_1317 = arith.select %gt3A_1312, %mul3A_1309, %sub3A_1316 : vector<512x32xi1>, vector<512x32xf32>
    %get3A_1318 = arith.constant 0 : index
    %get3A_1319 = arith.constant 3 : index
    %get3A_1320 = vector.load %arg19[%get3A_1318, %get3A_1319] : memref<1x4xf32, #tpu.memory_space<vmem>>, vector<1x1xf32>
    %slice3A_1321 = vector.extract_strided_slice %select_n3A_1317 {offsets = [0, 0], sizes = [400, 32], strides = [1, 1]} : vector<512x32xf32> to vector<400x32xf32>
    %mul3A_1322 = vector.broadcast %get3A_1320 : vector<1x1xf32> to vector<400x32xf32>
    %mul3A_1323 = arith.mulf %mul3A_1322, %slice3A_1321 : vector<400x32xf32>
    %add3A_1324 = arith.addf %add3A_964, %mul3A_1323 : vector<400x32xf32>
    %swap3A = arith.constant 0 : index
    %swap3A_1325 = arith.constant 0 : index
    %swap3A_1326 = arith.constant 0 : index
    %swap3A_1327 = vector.load %arg20[%swap3A, %swap3A_1325, %swap3A_1326] : memref<2x400x32xf32, #tpu.memory_space<vmem>>, vector<1x400x32xf32>
    %swap3A_1328 = vector.shape_cast %swap3A_1327 : vector<1x400x32xf32> to vector<400x32xf32>
    %swap3A_1329 = vector.shape_cast %add3A_1324 : vector<400x32xf32> to vector<1x400x32xf32>
    tpu.vector_store %arg20[%swap3A, %swap3A_1325, %swap3A_1326], %swap3A_1329 {strides = array<i32>} : memref<2x400x32xf32, #tpu.memory_space<vmem>>, vector<1x400x32xf32>,
    %get3A_1330 = arith.constant 400 : index
    %get3A_1331 = arith.constant 0 : index
    %get3A_1332 = vector.load %arg1[%get3A_1330, %get3A_1331] : memref<800x128xf32, #tpu.memory_space<vmem>>, vector<400x128xf32>
    %get3A_1333 = arith.constant 0 : index
    %get3A_1334 = arith.constant 0 : index
    %get3A_1335 = vector.load %arg6[%get3A_1333, %get3A_1334] : memref<128x128xf32, #tpu.memory_space<vmem>>, vector<128x128xf32>
    %dot_general3A_1336 = arith.constant dense<0.000000e+00> : vector<400x128xf32>
    %dot_general3A_1337 = tpu.matmul %get3A_1332, %get3A_1335, %dot_general3A_1336 {dimension_numbers = #tpu.dot_dimension_numbers<[1], [0], [0], [1], [0, 0, 1, 1], [], []>, transpose_lhs_hint = false} : vector<400x128xf32>, vector<128x128xf32>, vector<400x128xf32> -> vector<400x128xf32>
    %get3A_1338 = arith.constant 0 : index
    %get3A_1339 = arith.constant 0 : index
    %get3A_1340 = vector.load %arg7[%get3A_1338, %get3A_1339] : memref<1x128xf32, #tpu.memory_space<vmem>>, vector<1x128xf32>
    %add3A_1341 = vector.broadcast %get3A_1340 : vector<1x128xf32> to vector<400x128xf32>
    %add3A_1342 = arith.addf %dot_general3A_1337, %add3A_1341 : vector<400x128xf32>
    %tanh3A_1343 = math.tanh %add3A_1342 : vector<400x128xf32>
    %get3A_1344 = arith.constant 0 : index
    %get3A_1345 = arith.constant 0 : index
    %get3A_1346 = arith.constant 0 : index
    %get3A_1347 = arith.constant 0 : index
    %get3A_1348 = vector.load %arg8[%get3A_1344, %get3A_1345, %get3A_1346, %get3A_1347] : memref<4x3x128x128xf32, #tpu.memory_space<vmem>>, vector<1x1x128x128xf32>
    %get3A_1349 = vector.shape_cast %get3A_1348 : vector<1x1x128x128xf32> to vector<128x128xf32>
    %dot_general3A_1350 = arith.constant dense<0.000000e+00> : vector<400x128xf32>
    %dot_general3A_1351 = tpu.matmul %tanh3A_1343, %get3A_1349, %dot_general3A_1350 {dimension_numbers = #tpu.dot_dimension_numbers<[1], [1], [0], [0], [0, 0, 1, 0], [], []>, transpose_lhs_hint = false} : vector<400x128xf32>, vector<128x128xf32>, vector<400x128xf32> -> vector<400x128xf32>
    %get3A_1352 = arith.constant 0 : index
    %get3A_1353 = arith.constant 1 : index
    %get3A_1354 = arith.constant 0 : index
    %get3A_1355 = arith.constant 0 : index
    %get3A_1356 = vector.load %arg8[%get3A_1352, %get3A_1353, %get3A_1354, %get3A_1355] : memref<4x3x128x128xf32, #tpu.memory_space<vmem>>, vector<1x1x128x128xf32>
    %get3A_1357 = vector.shape_cast %get3A_1356 : vector<1x1x128x128xf32> to vector<128x128xf32>
    %dot_general3A_1358 = arith.constant dense<0.000000e+00> : vector<400x128xf32>
    %dot_general3A_1359 = tpu.matmul %tanh3A_1343, %get3A_1357, %dot_general3A_1358 {dimension_numbers = #tpu.dot_dimension_numbers<[1], [1], [0], [0], [0, 0, 1, 0], [], []>, transpose_lhs_hint = false} : vector<400x128xf32>, vector<128x128xf32>, vector<400x128xf32> -> vector<400x128xf32>
    %get3A_1360 = arith.constant 0 : index
    %get3A_1361 = arith.constant 2 : index
    %get3A_1362 = arith.constant 0 : index
    %get3A_1363 = arith.constant 0 : index
    %get3A_1364 = vector.load %arg8[%get3A_1360, %get3A_1361, %get3A_1362, %get3A_1363] : memref<4x3x128x128xf32, #tpu.memory_space<vmem>>, vector<1x1x128x128xf32>
    %get3A_1365 = vector.shape_cast %get3A_1364 : vector<1x1x128x128xf32> to vector<128x128xf32>
    %dot_general3A_1366 = arith.constant dense<0.000000e+00> : vector<400x128xf32>
    %dot_general3A_1367 = tpu.matmul %tanh3A_1343, %get3A_1365, %dot_general3A_1366 {dimension_numbers = #tpu.dot_dimension_numbers<[1], [1], [0], [0], [0, 0, 1, 0], [], []>, transpose_lhs_hint = false} : vector<400x128xf32>, vector<128x128xf32>, vector<400x128xf32> -> vector<400x128xf32>
    %slice3A_1368 = vector.extract_strided_slice %dot_general3A_1351 {offsets = [0, 0], sizes = [399, 128], strides = [1, 1]} : vector<400x128xf32> to vector<399x128xf32>
    %concatenate3A_1369 = tpu.concatenate %broadcast_in_dim3A_0, %slice3A_1368 in 0 : vector<1x128xf32>, vector<399x128xf32> -> vector<400x128xf32>
    %add3A_1370 = arith.addf %dot_general3A_1359, %concatenate3A_1369 : vector<400x128xf32>
    %slice3A_1371 = vector.extract_strided_slice %dot_general3A_1367 {offsets = [1, 0], sizes = [399, 128], strides = [1, 1]} : vector<400x128xf32> to vector<399x128xf32>
    %concatenate3A_1372 = tpu.concatenate %slice3A_1371, %broadcast_in_dim3A_0 in 0 : vector<399x128xf32>, vector<1x128xf32> -> vector<400x128xf32>
    %add3A_1373 = arith.addf %add3A_1370, %concatenate3A_1372 : vector<400x128xf32>
    %get3A_1374 = arith.constant 0 : index
    %get3A_1375 = arith.constant 0 : index
    %get3A_1376 = arith.constant 0 : index
    %get3A_1377 = vector.load %arg9[%get3A_1374, %get3A_1375, %get3A_1376] : memref<4x1x128xf32, #tpu.memory_space<vmem>>, vector<1x1x128xf32>
    %get3A_1378 = vector.shape_cast %get3A_1377 : vector<1x1x128xf32> to vector<1x128xf32>
    %add3A_1379 = vector.broadcast %get3A_1378 : vector<1x128xf32> to vector<400x128xf32>
    %add3A_1380 = arith.addf %add3A_1373, %add3A_1379 : vector<400x128xf32>
    %max3A_1381 = arith.constant 0.000000e+00 : f32
    %max3A_1382 = vector.broadcast %max3A_1381 : f32 to vector<400x128xf32>
    %max3A_1383 = arith.maximumf %add3A_1380, %max3A_1382 : vector<400x128xf32>
    %get3A_1384 = arith.constant 0 : index
    %get3A_1385 = arith.constant 0 : index
    %get3A_1386 = arith.constant 0 : index
    %get3A_1387 = vector.load %arg10[%get3A_1384, %get3A_1385, %get3A_1386] : memref<4x1x128xf32, #tpu.memory_space<vmem>>, vector<1x1x128xf32>
    %get3A_1388 = vector.shape_cast %get3A_1387 : vector<1x1x128xf32> to vector<1x128xf32>
    %mul3A_1389 = vector.broadcast %get3A_1388 : vector<1x128xf32> to vector<400x128xf32>
    %mul3A_1390 = arith.mulf %mul3A_1389, %max3A_1383 : vector<400x128xf32>
    %mul3A_1391 = vector.broadcast %div3A_2 : f32 to vector<400x128xf32>
    %mul3A_1392 = arith.mulf %mul3A_1390, %mul3A_1391 : vector<400x128xf32>
    %get3A_1393 = arith.constant 0 : index
    %get3A_1394 = arith.constant 0 : index
    %get3A_1395 = arith.constant 0 : index
    %get3A_1396 = vector.load %arg11[%get3A_1393, %get3A_1394, %get3A_1395] : memref<4x1x128xf32, #tpu.memory_space<vmem>>, vector<1x1x128xf32>
    %get3A_1397 = vector.shape_cast %get3A_1396 : vector<1x1x128xf32> to vector<1x128xf32>
    %add3A_1398 = vector.broadcast %get3A_1397 : vector<1x128xf32> to vector<400x128xf32>
    %add3A_1399 = arith.addf %mul3A_1392, %add3A_1398 : vector<400x128xf32>
    %get3A_1400 = arith.constant 1 : index
    %get3A_1401 = arith.constant 0 : index
    %get3A_1402 = arith.constant 0 : index
    %get3A_1403 = arith.constant 0 : index
    %get3A_1404 = vector.load %arg8[%get3A_1400, %get3A_1401, %get3A_1402, %get3A_1403] : memref<4x3x128x128xf32, #tpu.memory_space<vmem>>, vector<1x1x128x128xf32>
    %get3A_1405 = vector.shape_cast %get3A_1404 : vector<1x1x128x128xf32> to vector<128x128xf32>
    %dot_general3A_1406 = arith.constant dense<0.000000e+00> : vector<400x128xf32>
    %dot_general3A_1407 = tpu.matmul %add3A_1399, %get3A_1405, %dot_general3A_1406 {dimension_numbers = #tpu.dot_dimension_numbers<[1], [1], [0], [0], [0, 0, 1, 0], [], []>, transpose_lhs_hint = false} : vector<400x128xf32>, vector<128x128xf32>, vector<400x128xf32> -> vector<400x128xf32>
    %get3A_1408 = arith.constant 1 : index
    %get3A_1409 = arith.constant 1 : index
    %get3A_1410 = arith.constant 0 : index
    %get3A_1411 = arith.constant 0 : index
    %get3A_1412 = vector.load %arg8[%get3A_1408, %get3A_1409, %get3A_1410, %get3A_1411] : memref<4x3x128x128xf32, #tpu.memory_space<vmem>>, vector<1x1x128x128xf32>
    %get3A_1413 = vector.shape_cast %get3A_1412 : vector<1x1x128x128xf32> to vector<128x128xf32>
    %dot_general3A_1414 = arith.constant dense<0.000000e+00> : vector<400x128xf32>
    %dot_general3A_1415 = tpu.matmul %add3A_1399, %get3A_1413, %dot_general3A_1414 {dimension_numbers = #tpu.dot_dimension_numbers<[1], [1], [0], [0], [0, 0, 1, 0], [], []>, transpose_lhs_hint = false} : vector<400x128xf32>, vector<128x128xf32>, vector<400x128xf32> -> vector<400x128xf32>
    %get3A_1416 = arith.constant 1 : index
    %get3A_1417 = arith.constant 2 : index
    %get3A_1418 = arith.constant 0 : index
    %get3A_1419 = arith.constant 0 : index
    %get3A_1420 = vector.load %arg8[%get3A_1416, %get3A_1417, %get3A_1418, %get3A_1419] : memref<4x3x128x128xf32, #tpu.memory_space<vmem>>, vector<1x1x128x128xf32>
    %get3A_1421 = vector.shape_cast %get3A_1420 : vector<1x1x128x128xf32> to vector<128x128xf32>
    %dot_general3A_1422 = arith.constant dense<0.000000e+00> : vector<400x128xf32>
    %dot_general3A_1423 = tpu.matmul %add3A_1399, %get3A_1421, %dot_general3A_1422 {dimension_numbers = #tpu.dot_dimension_numbers<[1], [1], [0], [0], [0, 0, 1, 0], [], []>, transpose_lhs_hint = false} : vector<400x128xf32>, vector<128x128xf32>, vector<400x128xf32> -> vector<400x128xf32>
    %slice3A_1424 = vector.extract_strided_slice %dot_general3A_1407 {offsets = [0, 0], sizes = [399, 128], strides = [1, 1]} : vector<400x128xf32> to vector<399x128xf32>
    %concatenate3A_1425 = tpu.concatenate %broadcast_in_dim3A_0, %slice3A_1424 in 0 : vector<1x128xf32>, vector<399x128xf32> -> vector<400x128xf32>
    %add3A_1426 = arith.addf %dot_general3A_1415, %concatenate3A_1425 : vector<400x128xf32>
    %slice3A_1427 = vector.extract_strided_slice %dot_general3A_1423 {offsets = [1, 0], sizes = [399, 128], strides = [1, 1]} : vector<400x128xf32> to vector<399x128xf32>
    %concatenate3A_1428 = tpu.concatenate %slice3A_1427, %broadcast_in_dim3A_0 in 0 : vector<399x128xf32>, vector<1x128xf32> -> vector<400x128xf32>
    %add3A_1429 = arith.addf %add3A_1426, %concatenate3A_1428 : vector<400x128xf32>
    %get3A_1430 = arith.constant 1 : index
    %get3A_1431 = arith.constant 0 : index
    %get3A_1432 = arith.constant 0 : index
    %get3A_1433 = vector.load %arg9[%get3A_1430, %get3A_1431, %get3A_1432] : memref<4x1x128xf32, #tpu.memory_space<vmem>>, vector<1x1x128xf32>
    %get3A_1434 = vector.shape_cast %get3A_1433 : vector<1x1x128xf32> to vector<1x128xf32>
    %add3A_1435 = vector.broadcast %get3A_1434 : vector<1x128xf32> to vector<400x128xf32>
    %add3A_1436 = arith.addf %add3A_1429, %add3A_1435 : vector<400x128xf32>
    %max3A_1437 = arith.constant 0.000000e+00 : f32
    %max3A_1438 = vector.broadcast %max3A_1437 : f32 to vector<400x128xf32>
    %max3A_1439 = arith.maximumf %add3A_1436, %max3A_1438 : vector<400x128xf32>
    %get3A_1440 = arith.constant 1 : index
    %get3A_1441 = arith.constant 0 : index
    %get3A_1442 = arith.constant 0 : index
    %get3A_1443 = vector.load %arg10[%get3A_1440, %get3A_1441, %get3A_1442] : memref<4x1x128xf32, #tpu.memory_space<vmem>>, vector<1x1x128xf32>
    %get3A_1444 = vector.shape_cast %get3A_1443 : vector<1x1x128xf32> to vector<1x128xf32>
    %mul3A_1445 = vector.broadcast %get3A_1444 : vector<1x128xf32> to vector<400x128xf32>
    %mul3A_1446 = arith.mulf %mul3A_1445, %max3A_1439 : vector<400x128xf32>
    %mul3A_1447 = vector.broadcast %div3A_2 : f32 to vector<400x128xf32>
    %mul3A_1448 = arith.mulf %mul3A_1446, %mul3A_1447 : vector<400x128xf32>
    %get3A_1449 = arith.constant 1 : index
    %get3A_1450 = arith.constant 0 : index
    %get3A_1451 = arith.constant 0 : index
    %get3A_1452 = vector.load %arg11[%get3A_1449, %get3A_1450, %get3A_1451] : memref<4x1x128xf32, #tpu.memory_space<vmem>>, vector<1x1x128xf32>
    %get3A_1453 = vector.shape_cast %get3A_1452 : vector<1x1x128xf32> to vector<1x128xf32>
    %add3A_1454 = vector.broadcast %get3A_1453 : vector<1x128xf32> to vector<400x128xf32>
    %add3A_1455 = arith.addf %mul3A_1448, %add3A_1454 : vector<400x128xf32>
    %get3A_1456 = arith.constant 2 : index
    %get3A_1457 = arith.constant 0 : index
    %get3A_1458 = arith.constant 0 : index
    %get3A_1459 = arith.constant 0 : index
    %get3A_1460 = vector.load %arg8[%get3A_1456, %get3A_1457, %get3A_1458, %get3A_1459] : memref<4x3x128x128xf32, #tpu.memory_space<vmem>>, vector<1x1x128x128xf32>
    %get3A_1461 = vector.shape_cast %get3A_1460 : vector<1x1x128x128xf32> to vector<128x128xf32>
    %dot_general3A_1462 = arith.constant dense<0.000000e+00> : vector<400x128xf32>
    %dot_general3A_1463 = tpu.matmul %add3A_1455, %get3A_1461, %dot_general3A_1462 {dimension_numbers = #tpu.dot_dimension_numbers<[1], [1], [0], [0], [0, 0, 1, 0], [], []>, transpose_lhs_hint = false} : vector<400x128xf32>, vector<128x128xf32>, vector<400x128xf32> -> vector<400x128xf32>
    %get3A_1464 = arith.constant 2 : index
    %get3A_1465 = arith.constant 1 : index
    %get3A_1466 = arith.constant 0 : index
    %get3A_1467 = arith.constant 0 : index
    %get3A_1468 = vector.load %arg8[%get3A_1464, %get3A_1465, %get3A_1466, %get3A_1467] : memref<4x3x128x128xf32, #tpu.memory_space<vmem>>, vector<1x1x128x128xf32>
    %get3A_1469 = vector.shape_cast %get3A_1468 : vector<1x1x128x128xf32> to vector<128x128xf32>
    %dot_general3A_1470 = arith.constant dense<0.000000e+00> : vector<400x128xf32>
    %dot_general3A_1471 = tpu.matmul %add3A_1455, %get3A_1469, %dot_general3A_1470 {dimension_numbers = #tpu.dot_dimension_numbers<[1], [1], [0], [0], [0, 0, 1, 0], [], []>, transpose_lhs_hint = false} : vector<400x128xf32>, vector<128x128xf32>, vector<400x128xf32> -> vector<400x128xf32>
    %get3A_1472 = arith.constant 2 : index
    %get3A_1473 = arith.constant 2 : index
    %get3A_1474 = arith.constant 0 : index
    %get3A_1475 = arith.constant 0 : index
    %get3A_1476 = vector.load %arg8[%get3A_1472, %get3A_1473, %get3A_1474, %get3A_1475] : memref<4x3x128x128xf32, #tpu.memory_space<vmem>>, vector<1x1x128x128xf32>
    %get3A_1477 = vector.shape_cast %get3A_1476 : vector<1x1x128x128xf32> to vector<128x128xf32>
    %dot_general3A_1478 = arith.constant dense<0.000000e+00> : vector<400x128xf32>
    %dot_general3A_1479 = tpu.matmul %add3A_1455, %get3A_1477, %dot_general3A_1478 {dimension_numbers = #tpu.dot_dimension_numbers<[1], [1], [0], [0], [0, 0, 1, 0], [], []>, transpose_lhs_hint = false} : vector<400x128xf32>, vector<128x128xf32>, vector<400x128xf32> -> vector<400x128xf32>
    %slice3A_1480 = vector.extract_strided_slice %dot_general3A_1463 {offsets = [0, 0], sizes = [399, 128], strides = [1, 1]} : vector<400x128xf32> to vector<399x128xf32>
    %concatenate3A_1481 = tpu.concatenate %broadcast_in_dim3A_0, %slice3A_1480 in 0 : vector<1x128xf32>, vector<399x128xf32> -> vector<400x128xf32>
    %add3A_1482 = arith.addf %dot_general3A_1471, %concatenate3A_1481 : vector<400x128xf32>
    %slice3A_1483 = vector.extract_strided_slice %dot_general3A_1479 {offsets = [1, 0], sizes = [399, 128], strides = [1, 1]} : vector<400x128xf32> to vector<399x128xf32>
    %concatenate3A_1484 = tpu.concatenate %slice3A_1483, %broadcast_in_dim3A_0 in 0 : vector<399x128xf32>, vector<1x128xf32> -> vector<400x128xf32>
    %add3A_1485 = arith.addf %add3A_1482, %concatenate3A_1484 : vector<400x128xf32>
    %get3A_1486 = arith.constant 2 : index
    %get3A_1487 = arith.constant 0 : index
    %get3A_1488 = arith.constant 0 : index
    %get3A_1489 = vector.load %arg9[%get3A_1486, %get3A_1487, %get3A_1488] : memref<4x1x128xf32, #tpu.memory_space<vmem>>, vector<1x1x128xf32>
    %get3A_1490 = vector.shape_cast %get3A_1489 : vector<1x1x128xf32> to vector<1x128xf32>
    %add3A_1491 = vector.broadcast %get3A_1490 : vector<1x128xf32> to vector<400x128xf32>
    %add3A_1492 = arith.addf %add3A_1485, %add3A_1491 : vector<400x128xf32>
    %max3A_1493 = arith.constant 0.000000e+00 : f32
    %max3A_1494 = vector.broadcast %max3A_1493 : f32 to vector<400x128xf32>
    %max3A_1495 = arith.maximumf %add3A_1492, %max3A_1494 : vector<400x128xf32>
    %get3A_1496 = arith.constant 2 : index
    %get3A_1497 = arith.constant 0 : index
    %get3A_1498 = arith.constant 0 : index
    %get3A_1499 = vector.load %arg10[%get3A_1496, %get3A_1497, %get3A_1498] : memref<4x1x128xf32, #tpu.memory_space<vmem>>, vector<1x1x128xf32>
    %get3A_1500 = vector.shape_cast %get3A_1499 : vector<1x1x128xf32> to vector<1x128xf32>
    %mul3A_1501 = vector.broadcast %get3A_1500 : vector<1x128xf32> to vector<400x128xf32>
    %mul3A_1502 = arith.mulf %mul3A_1501, %max3A_1495 : vector<400x128xf32>
    %mul3A_1503 = vector.broadcast %div3A_2 : f32 to vector<400x128xf32>
    %mul3A_1504 = arith.mulf %mul3A_1502, %mul3A_1503 : vector<400x128xf32>
    %get3A_1505 = arith.constant 2 : index
    %get3A_1506 = arith.constant 0 : index
    %get3A_1507 = arith.constant 0 : index
    %get3A_1508 = vector.load %arg11[%get3A_1505, %get3A_1506, %get3A_1507] : memref<4x1x128xf32, #tpu.memory_space<vmem>>, vector<1x1x128xf32>
    %get3A_1509 = vector.shape_cast %get3A_1508 : vector<1x1x128xf32> to vector<1x128xf32>
    %add3A_1510 = vector.broadcast %get3A_1509 : vector<1x128xf32> to vector<400x128xf32>
    %add3A_1511 = arith.addf %mul3A_1504, %add3A_1510 : vector<400x128xf32>
    %get3A_1512 = arith.constant 3 : index
    %get3A_1513 = arith.constant 0 : index
    %get3A_1514 = arith.constant 0 : index
    %get3A_1515 = arith.constant 0 : index
    %get3A_1516 = vector.load %arg8[%get3A_1512, %get3A_1513, %get3A_1514, %get3A_1515] : memref<4x3x128x128xf32, #tpu.memory_space<vmem>>, vector<1x1x128x128xf32>
    %get3A_1517 = vector.shape_cast %get3A_1516 : vector<1x1x128x128xf32> to vector<128x128xf32>
    %dot_general3A_1518 = arith.constant dense<0.000000e+00> : vector<400x128xf32>
    %dot_general3A_1519 = tpu.matmul %add3A_1511, %get3A_1517, %dot_general3A_1518 {dimension_numbers = #tpu.dot_dimension_numbers<[1], [1], [0], [0], [0, 0, 1, 0], [], []>, transpose_lhs_hint = false} : vector<400x128xf32>, vector<128x128xf32>, vector<400x128xf32> -> vector<400x128xf32>
    %get3A_1520 = arith.constant 3 : index
    %get3A_1521 = arith.constant 1 : index
    %get3A_1522 = arith.constant 0 : index
    %get3A_1523 = arith.constant 0 : index
    %get3A_1524 = vector.load %arg8[%get3A_1520, %get3A_1521, %get3A_1522, %get3A_1523] : memref<4x3x128x128xf32, #tpu.memory_space<vmem>>, vector<1x1x128x128xf32>
    %get3A_1525 = vector.shape_cast %get3A_1524 : vector<1x1x128x128xf32> to vector<128x128xf32>
    %dot_general3A_1526 = arith.constant dense<0.000000e+00> : vector<400x128xf32>
    %dot_general3A_1527 = tpu.matmul %add3A_1511, %get3A_1525, %dot_general3A_1526 {dimension_numbers = #tpu.dot_dimension_numbers<[1], [1], [0], [0], [0, 0, 1, 0], [], []>, transpose_lhs_hint = false} : vector<400x128xf32>, vector<128x128xf32>, vector<400x128xf32> -> vector<400x128xf32>
    %get3A_1528 = arith.constant 3 : index
    %get3A_1529 = arith.constant 2 : index
    %get3A_1530 = arith.constant 0 : index
    %get3A_1531 = arith.constant 0 : index
    %get3A_1532 = vector.load %arg8[%get3A_1528, %get3A_1529, %get3A_1530, %get3A_1531] : memref<4x3x128x128xf32, #tpu.memory_space<vmem>>, vector<1x1x128x128xf32>
    %get3A_1533 = vector.shape_cast %get3A_1532 : vector<1x1x128x128xf32> to vector<128x128xf32>
    %dot_general3A_1534 = arith.constant dense<0.000000e+00> : vector<400x128xf32>
    %dot_general3A_1535 = tpu.matmul %add3A_1511, %get3A_1533, %dot_general3A_1534 {dimension_numbers = #tpu.dot_dimension_numbers<[1], [1], [0], [0], [0, 0, 1, 0], [], []>, transpose_lhs_hint = false} : vector<400x128xf32>, vector<128x128xf32>, vector<400x128xf32> -> vector<400x128xf32>
    %slice3A_1536 = vector.extract_strided_slice %dot_general3A_1519 {offsets = [0, 0], sizes = [399, 128], strides = [1, 1]} : vector<400x128xf32> to vector<399x128xf32>
    %concatenate3A_1537 = tpu.concatenate %broadcast_in_dim3A_0, %slice3A_1536 in 0 : vector<1x128xf32>, vector<399x128xf32> -> vector<400x128xf32>
    %add3A_1538 = arith.addf %dot_general3A_1527, %concatenate3A_1537 : vector<400x128xf32>
    %slice3A_1539 = vector.extract_strided_slice %dot_general3A_1535 {offsets = [1, 0], sizes = [399, 128], strides = [1, 1]} : vector<400x128xf32> to vector<399x128xf32>
    %concatenate3A_1540 = tpu.concatenate %slice3A_1539, %broadcast_in_dim3A_0 in 0 : vector<399x128xf32>, vector<1x128xf32> -> vector<400x128xf32>
    %add3A_1541 = arith.addf %add3A_1538, %concatenate3A_1540 : vector<400x128xf32>
    %get3A_1542 = arith.constant 3 : index
    %get3A_1543 = arith.constant 0 : index
    %get3A_1544 = arith.constant 0 : index
    %get3A_1545 = vector.load %arg9[%get3A_1542, %get3A_1543, %get3A_1544] : memref<4x1x128xf32, #tpu.memory_space<vmem>>, vector<1x1x128xf32>
    %get3A_1546 = vector.shape_cast %get3A_1545 : vector<1x1x128xf32> to vector<1x128xf32>
    %add3A_1547 = vector.broadcast %get3A_1546 : vector<1x128xf32> to vector<400x128xf32>
    %add3A_1548 = arith.addf %add3A_1541, %add3A_1547 : vector<400x128xf32>
    %max3A_1549 = arith.constant 0.000000e+00 : f32
    %max3A_1550 = vector.broadcast %max3A_1549 : f32 to vector<400x128xf32>
    %max3A_1551 = arith.maximumf %add3A_1548, %max3A_1550 : vector<400x128xf32>
    %get3A_1552 = arith.constant 3 : index
    %get3A_1553 = arith.constant 0 : index
    %get3A_1554 = arith.constant 0 : index
    %get3A_1555 = vector.load %arg10[%get3A_1552, %get3A_1553, %get3A_1554] : memref<4x1x128xf32, #tpu.memory_space<vmem>>, vector<1x1x128xf32>
    %get3A_1556 = vector.shape_cast %get3A_1555 : vector<1x1x128xf32> to vector<1x128xf32>
    %mul3A_1557 = vector.broadcast %get3A_1556 : vector<1x128xf32> to vector<400x128xf32>
    %mul3A_1558 = arith.mulf %mul3A_1557, %max3A_1551 : vector<400x128xf32>
    %mul3A_1559 = vector.broadcast %div3A_2 : f32 to vector<400x128xf32>
    %mul3A_1560 = arith.mulf %mul3A_1558, %mul3A_1559 : vector<400x128xf32>
    %get3A_1561 = arith.constant 3 : index
    %get3A_1562 = arith.constant 0 : index
    %get3A_1563 = arith.constant 0 : index
    %get3A_1564 = vector.load %arg11[%get3A_1561, %get3A_1562, %get3A_1563] : memref<4x1x128xf32, #tpu.memory_space<vmem>>, vector<1x1x128xf32>
    %get3A_1565 = vector.shape_cast %get3A_1564 : vector<1x1x128xf32> to vector<1x128xf32>
    %add3A_1566 = vector.broadcast %get3A_1565 : vector<1x128xf32> to vector<400x128xf32>
    %add3A_1567 = arith.addf %mul3A_1560, %add3A_1566 : vector<400x128xf32>
    %get3A_1568 = arith.constant 112 : index
    %get3A_1569 = arith.constant 0 : index
    %get3A_1570 = vector.load %arg2[%get3A_1568, %get3A_1569] : memref<224x128xf32, #tpu.memory_space<vmem>>, vector<112x128xf32>
    %concatenate3A_1571 = tpu.concatenate %add3A_1567, %get3A_1570 in 0 : vector<400x128xf32>, vector<112x128xf32> -> vector<512x128xf32>
    %get3A_1572 = arith.constant 0 : index
    %get3A_1573 = arith.constant 0 : index
    %get3A_1574 = vector.load %arg12[%get3A_1572, %get3A_1573] : memref<128x32xf32, #tpu.memory_space<vmem>>, vector<128x32xf32>
    %dot_general3A_1575 = arith.constant dense<0.000000e+00> : vector<400x32xf32>
    %dot_general3A_1576 = tpu.matmul %add3A_1567, %get3A_1574, %dot_general3A_1575 {dimension_numbers = #tpu.dot_dimension_numbers<[1], [0], [0], [1], [0, 0, 1, 1], [], []>, transpose_lhs_hint = false} : vector<400x128xf32>, vector<128x32xf32>, vector<400x32xf32> -> vector<400x32xf32>
    %get3A_1577 = arith.constant 0 : index
    %get3A_1578 = arith.constant 0 : index
    %get3A_1579 = vector.load %arg13[%get3A_1577, %get3A_1578] : memref<1x32xf32, #tpu.memory_space<vmem>>, vector<1x32xf32>
    %add3A_1580 = vector.broadcast %get3A_1579 : vector<1x32xf32> to vector<400x32xf32>
    %add3A_1581 = arith.addf %dot_general3A_1576, %add3A_1580 : vector<400x32xf32>
    %get3A_1582 = arith.constant 0 : index
    %get3A_1583 = arith.constant 0 : index
    %get3A_1584 = vector.load %arg19[%get3A_1582, %get3A_1583] : memref<1x4xf32, #tpu.memory_space<vmem>>, vector<1x1xf32>
    %mul3A_1585 = vector.broadcast %get3A_1584 : vector<1x1xf32> to vector<400x32xf32>
    %mul3A_1586 = arith.mulf %add3A_1581, %mul3A_1585 : vector<400x32xf32>
    %get3A_1587 = arith.constant 1 : index
    %get3A_1588 = arith.constant 0 : index
    %get3A_1589 = arith.constant 0 : index
    %get3A_1590 = vector.load %arg3[%get3A_1587, %get3A_1588, %get3A_1589] : memref<2x512x512xi32, #tpu.memory_space<vmem>>, vector<1x512x512xi32>
    %get3A_1591 = vector.shape_cast %get3A_1590 : vector<1x512x512xi32> to vector<512x512xi32>
    %gt3A_1592 = arith.constant 0 : i32
    %gt3A_1593 = vector.broadcast %gt3A_1592 : i32 to vector<512x512xi32>
    %gt3A_1594 = arith.cmpi sgt, %get3A_1591, %gt3A_1593 : vector<512x512xi32>
    %convert_element_type3A_1595 = arith.extui %gt3A_1594 : vector<512x512xi1> to vector<512x512xi32>
    %convert_element_type3A_1596 = arith.sitofp %convert_element_type3A_1595 : vector<512x512xi32> to vector<512x512xf32>
    %convert_element_type3A_1597 = arith.truncf %convert_element_type3A_1596 : vector<512x512xf32> to vector<512x512xbf16>
    %get3A_1598 = arith.constant 0 : index
    %get3A_1599 = arith.constant 0 : index
    %get3A_1600 = arith.constant 0 : index
    %get3A_1601 = arith.constant 0 : index
    %get3A_1602 = vector.load %arg14[%get3A_1598, %get3A_1599, %get3A_1600, %get3A_1601] : memref<3x5x128x30xf32, #tpu.memory_space<vmem>>, vector<1x5x128x30xf32>
    %get3A_1603 = vector.shape_cast %get3A_1602 : vector<1x5x128x30xf32> to vector<5x128x30xf32>
    %get3A_1604 = arith.constant 0 : index
    %get3A_1605 = arith.constant 0 : index
    %get3A_1606 = arith.constant 0 : index
    %get3A_1607 = arith.constant 0 : index
    %get3A_1608 = vector.load %arg15[%get3A_1604, %get3A_1605, %get3A_1606, %get3A_1607] : memref<3x2x5x128xf32, #tpu.memory_space<vmem>>, vector<1x1x5x128xf32>
    %get3A_1609 = vector.shape_cast %get3A_1608 : vector<1x1x5x128xf32> to vector<5x128xf32>
    %get3A_1610 = arith.constant 0 : index
    %get3A_1611 = arith.constant 1 : index
    %get3A_1612 = arith.constant 0 : index
    %get3A_1613 = arith.constant 0 : index
    %get3A_1614 = vector.load %arg15[%get3A_1610, %get3A_1611, %get3A_1612, %get3A_1613] : memref<3x2x5x128xf32, #tpu.memory_space<vmem>>, vector<1x1x5x128xf32>
    %get3A_1615 = vector.shape_cast %get3A_1614 : vector<1x1x5x128xf32> to vector<5x128xf32>
    %get3A_1616 = arith.constant 0 : index
    %get3A_1617 = arith.constant 0 : index
    %get3A_1618 = arith.constant 0 : index
    %get3A_1619 = arith.constant 0 : index
    %get3A_1620 = vector.load %arg16[%get3A_1616, %get3A_1617, %get3A_1618, %get3A_1619] : memref<3x5x30x32xf32, #tpu.memory_space<vmem>>, vector<1x5x30x32xf32>
    %get3A_1621 = vector.shape_cast %get3A_1620 : vector<1x5x30x32xf32> to vector<5x30x32xf32>
    %dot_general3A_1622 = arith.constant dense<0.000000e+00> : vector<512x5xf32>
    %dot_general3A_1623 = tpu.matmul %concatenate3A_1571, %get3A_1609, %dot_general3A_1622 {dimension_numbers = #tpu.dot_dimension_numbers<[1], [1], [0], [0], [0, 0, 1, 0], [], []>, transpose_lhs_hint = false} : vector<512x128xf32>, vector<5x128xf32>, vector<512x5xf32> -> vector<512x5xf32>
    %dot_general3A_1624 = arith.constant dense<0.000000e+00> : vector<5x512xf32>
    %dot_general3A_1625 = tpu.matmul %get3A_1615, %concatenate3A_1571, %dot_general3A_1624 {dimension_numbers = #tpu.dot_dimension_numbers<[1], [1], [0], [0], [0, 0, 1, 0], [], []>, transpose_lhs_hint = false} : vector<5x128xf32>, vector<512x128xf32>, vector<5x512xf32> -> vector<5x512xf32>
    %slice3A_1626 = vector.extract_strided_slice %get3A_1603 {offsets = [0, 0, 0], sizes = [1, 128, 30], strides = [1, 1, 1]} : vector<5x128x30xf32> to vector<1x128x30xf32>
    %squeeze3A_1627 = vector.shape_cast %slice3A_1626 : vector<1x128x30xf32> to vector<128x30xf32>
    %dot_general3A_1628 = arith.constant dense<0.000000e+00> : vector<512x30xf32>
    %dot_general3A_1629 = tpu.matmul %concatenate3A_1571, %squeeze3A_1627, %dot_general3A_1628 {dimension_numbers = #tpu.dot_dimension_numbers<[1], [0], [0], [1], [0, 0, 1, 1], [], []>, transpose_lhs_hint = false} : vector<512x128xf32>, vector<128x30xf32>, vector<512x30xf32> -> vector<512x30xf32>
    %slice3A_1630 = vector.extract_strided_slice %dot_general3A_1623 {offsets = [0, 0], sizes = [512, 1], strides = [1, 1]} : vector<512x5xf32> to vector<512x1xf32>
    %slice3A_1631 = vector.extract_strided_slice %dot_general3A_1625 {offsets = [0, 0], sizes = [1, 512], strides = [1, 1]} : vector<5x512xf32> to vector<1x512xf32>
    %convert_element_type3A_1632 = arith.truncf %slice3A_1630 : vector<512x1xf32> to vector<512x1xbf16>
    %convert_element_type3A_1633 = arith.truncf %slice3A_1631 : vector<1x512xf32> to vector<1x512xbf16>
    %add3A_1634 = vector.broadcast %convert_element_type3A_1632 : vector<512x1xbf16> to vector<512x512xbf16>
    %add3A_1635 = vector.broadcast %convert_element_type3A_1633 : vector<1x512xbf16> to vector<512x512xbf16>
    %add3A_1636 = arith.addf %add3A_1634, %add3A_1635 : vector<512x512xbf16>
    %mul3A_1637 = arith.constant 1.000980e-01 : bf16
    %mul3A_1638 = vector.broadcast %mul3A_1637 : bf16 to vector<512x1xbf16>
    %mul3A_1639 = arith.mulf %mul3A_1638, %convert_element_type3A_1632 : vector<512x1xbf16>
    %mul3A_1640 = arith.constant 1.000980e-01 : bf16
    %mul3A_1641 = vector.broadcast %mul3A_1640 : bf16 to vector<1x512xbf16>
    %mul3A_1642 = arith.mulf %mul3A_1641, %convert_element_type3A_1633 : vector<1x512xbf16>
    %add3A_1643 = vector.broadcast %mul3A_1639 : vector<512x1xbf16> to vector<512x512xbf16>
    %add3A_1644 = vector.broadcast %mul3A_1642 : vector<1x512xbf16> to vector<512x512xbf16>
    %add3A_1645 = arith.addf %add3A_1643, %add3A_1644 : vector<512x512xbf16>
    %max3A_1646 = arith.maximumf %add3A_1636, %add3A_1645 : vector<512x512xbf16>
    %exp3A_1647 = math.exp %max3A_1646 : vector<512x512xbf16>
    %mul3A_1648 = arith.mulf %exp3A_1647, %convert_element_type3A_1597 : vector<512x512xbf16>
    %broadcast_in_dim3A_1649 = arith.constant 1.000000e+00 : f32
    %broadcast_in_dim3A_1650 = vector.broadcast %broadcast_in_dim3A_1649 : f32 to vector<512x1xf32>
    %concatenate3A_1651 = tpu.concatenate %dot_general3A_1629, %broadcast_in_dim3A_1650 in 1 : vector<512x30xf32>, vector<512x1xf32> -> vector<512x31xf32>
    %convert_element_type3A_1652 = arith.truncf %concatenate3A_1651 : vector<512x31xf32> to vector<512x31xbf16>
    %dot_general3A_1653 = arith.constant dense<0.000000e+00> : vector<512x31xf32>
    %dot_general3A_1654 = tpu.matmul %mul3A_1648, %convert_element_type3A_1652, %dot_general3A_1653 {dimension_numbers = #tpu.dot_dimension_numbers<[1], [0], [0], [1], [0, 0, 1, 1], [], []>, transpose_lhs_hint = false} : vector<512x512xbf16>, vector<512x31xbf16>, vector<512x31xf32> -> vector<512x31xf32>
    %slice3A_1655 = vector.extract_strided_slice %dot_general3A_1654 {offsets = [0, 30], sizes = [512, 1], strides = [1, 1]} : vector<512x31xf32> to vector<512x1xf32>
    %max3A_1656 = arith.constant 1.000000e-30 : f32
    %max3A_1657 = vector.broadcast %max3A_1656 : f32 to vector<512x1xf32>
    %max3A_1658 = arith.maximumf %slice3A_1655, %max3A_1657 : vector<512x1xf32>
    %integer_pow3A_1659 = arith.constant 1.000000e+00 : f32
    %integer_pow3A_1660 = vector.broadcast %integer_pow3A_1659 : f32 to vector<512x1xf32>
    %integer_pow3A_1661 = arith.divf %integer_pow3A_1660, %max3A_1658 : vector<512x1xf32>
    %slice3A_1662 = vector.extract_strided_slice %dot_general3A_1654 {offsets = [0, 0], sizes = [512, 30], strides = [1, 1]} : vector<512x31xf32> to vector<512x30xf32>
    %mul3A_1663 = vector.broadcast %integer_pow3A_1661 : vector<512x1xf32> to vector<512x30xf32>
    %mul3A_1664 = arith.mulf %slice3A_1662, %mul3A_1663 : vector<512x30xf32>
    %gt3A_1665 = arith.constant 0.000000e+00 : f32
    %gt3A_1666 = vector.broadcast %gt3A_1665 : f32 to vector<512x30xf32>
    %gt3A_1667 = arith.cmpf ogt, %mul3A_1664, %gt3A_1666 : vector<512x30xf32>
    %exp3A_1668 = math.exp %mul3A_1664 : vector<512x30xf32>
    %sub3A_1669 = arith.constant 1.000000e+00 : f32
    %sub3A_1670 = vector.broadcast %sub3A_1669 : f32 to vector<512x30xf32>
    %sub3A_1671 = arith.subf %exp3A_1668, %sub3A_1670 : vector<512x30xf32>
    %select_n3A_1672 = arith.select %gt3A_1667, %mul3A_1664, %sub3A_1671 : vector<512x30xi1>, vector<512x30xf32>
    %slice3A_1673 = vector.extract_strided_slice %get3A_1621 {offsets = [0, 0, 0], sizes = [1, 30, 32], strides = [1, 1, 1]} : vector<5x30x32xf32> to vector<1x30x32xf32>
    %squeeze3A_1674 = vector.shape_cast %slice3A_1673 : vector<1x30x32xf32> to vector<30x32xf32>
    %dot_general3A_1675 = arith.constant dense<0.000000e+00> : vector<512x32xf32>
    %dot_general3A_1676 = tpu.matmul %select_n3A_1672, %squeeze3A_1674, %dot_general3A_1675 {dimension_numbers = #tpu.dot_dimension_numbers<[1], [0], [0], [1], [0, 0, 1, 1], [], []>, transpose_lhs_hint = false} : vector<512x30xf32>, vector<30x32xf32>, vector<512x32xf32> -> vector<512x32xf32>
    %slice3A_1677 = vector.extract_strided_slice %get3A_1603 {offsets = [1, 0, 0], sizes = [1, 128, 30], strides = [1, 1, 1]} : vector<5x128x30xf32> to vector<1x128x30xf32>
    %squeeze3A_1678 = vector.shape_cast %slice3A_1677 : vector<1x128x30xf32> to vector<128x30xf32>
    %dot_general3A_1679 = arith.constant dense<0.000000e+00> : vector<512x30xf32>
    %dot_general3A_1680 = tpu.matmul %concatenate3A_1571, %squeeze3A_1678, %dot_general3A_1679 {dimension_numbers = #tpu.dot_dimension_numbers<[1], [0], [0], [1], [0, 0, 1, 1], [], []>, transpose_lhs_hint = false} : vector<512x128xf32>, vector<128x30xf32>, vector<512x30xf32> -> vector<512x30xf32>
    %slice3A_1681 = vector.extract_strided_slice %dot_general3A_1623 {offsets = [0, 1], sizes = [512, 1], strides = [1, 1]} : vector<512x5xf32> to vector<512x1xf32>
    %slice3A_1682 = vector.extract_strided_slice %dot_general3A_1625 {offsets = [1, 0], sizes = [1, 512], strides = [1, 1]} : vector<5x512xf32> to vector<1x512xf32>
    %convert_element_type3A_1683 = arith.truncf %slice3A_1681 : vector<512x1xf32> to vector<512x1xbf16>
    %convert_element_type3A_1684 = arith.truncf %slice3A_1682 : vector<1x512xf32> to vector<1x512xbf16>
    %add3A_1685 = vector.broadcast %convert_element_type3A_1683 : vector<512x1xbf16> to vector<512x512xbf16>
    %add3A_1686 = vector.broadcast %convert_element_type3A_1684 : vector<1x512xbf16> to vector<512x512xbf16>
    %add3A_1687 = arith.addf %add3A_1685, %add3A_1686 : vector<512x512xbf16>
    %mul3A_1688 = arith.constant 1.000980e-01 : bf16
    %mul3A_1689 = vector.broadcast %mul3A_1688 : bf16 to vector<512x1xbf16>
    %mul3A_1690 = arith.mulf %mul3A_1689, %convert_element_type3A_1683 : vector<512x1xbf16>
    %mul3A_1691 = arith.constant 1.000980e-01 : bf16
    %mul3A_1692 = vector.broadcast %mul3A_1691 : bf16 to vector<1x512xbf16>
    %mul3A_1693 = arith.mulf %mul3A_1692, %convert_element_type3A_1684 : vector<1x512xbf16>
    %add3A_1694 = vector.broadcast %mul3A_1690 : vector<512x1xbf16> to vector<512x512xbf16>
    %add3A_1695 = vector.broadcast %mul3A_1693 : vector<1x512xbf16> to vector<512x512xbf16>
    %add3A_1696 = arith.addf %add3A_1694, %add3A_1695 : vector<512x512xbf16>
    %max3A_1697 = arith.maximumf %add3A_1687, %add3A_1696 : vector<512x512xbf16>
    %exp3A_1698 = math.exp %max3A_1697 : vector<512x512xbf16>
    %mul3A_1699 = arith.mulf %exp3A_1698, %convert_element_type3A_1597 : vector<512x512xbf16>
    %broadcast_in_dim3A_1700 = arith.constant 1.000000e+00 : f32
    %broadcast_in_dim3A_1701 = vector.broadcast %broadcast_in_dim3A_1700 : f32 to vector<512x1xf32>
    %concatenate3A_1702 = tpu.concatenate %dot_general3A_1680, %broadcast_in_dim3A_1701 in 1 : vector<512x30xf32>, vector<512x1xf32> -> vector<512x31xf32>
    %convert_element_type3A_1703 = arith.truncf %concatenate3A_1702 : vector<512x31xf32> to vector<512x31xbf16>
    %dot_general3A_1704 = arith.constant dense<0.000000e+00> : vector<512x31xf32>
    %dot_general3A_1705 = tpu.matmul %mul3A_1699, %convert_element_type3A_1703, %dot_general3A_1704 {dimension_numbers = #tpu.dot_dimension_numbers<[1], [0], [0], [1], [0, 0, 1, 1], [], []>, transpose_lhs_hint = false} : vector<512x512xbf16>, vector<512x31xbf16>, vector<512x31xf32> -> vector<512x31xf32>
    %slice3A_1706 = vector.extract_strided_slice %dot_general3A_1705 {offsets = [0, 30], sizes = [512, 1], strides = [1, 1]} : vector<512x31xf32> to vector<512x1xf32>
    %max3A_1707 = arith.constant 1.000000e-30 : f32
    %max3A_1708 = vector.broadcast %max3A_1707 : f32 to vector<512x1xf32>
    %max3A_1709 = arith.maximumf %slice3A_1706, %max3A_1708 : vector<512x1xf32>
    %integer_pow3A_1710 = arith.constant 1.000000e+00 : f32
    %integer_pow3A_1711 = vector.broadcast %integer_pow3A_1710 : f32 to vector<512x1xf32>
    %integer_pow3A_1712 = arith.divf %integer_pow3A_1711, %max3A_1709 : vector<512x1xf32>
    %slice3A_1713 = vector.extract_strided_slice %dot_general3A_1705 {offsets = [0, 0], sizes = [512, 30], strides = [1, 1]} : vector<512x31xf32> to vector<512x30xf32>
    %mul3A_1714 = vector.broadcast %integer_pow3A_1712 : vector<512x1xf32> to vector<512x30xf32>
    %mul3A_1715 = arith.mulf %slice3A_1713, %mul3A_1714 : vector<512x30xf32>
    %gt3A_1716 = arith.constant 0.000000e+00 : f32
    %gt3A_1717 = vector.broadcast %gt3A_1716 : f32 to vector<512x30xf32>
    %gt3A_1718 = arith.cmpf ogt, %mul3A_1715, %gt3A_1717 : vector<512x30xf32>
    %exp3A_1719 = math.exp %mul3A_1715 : vector<512x30xf32>
    %sub3A_1720 = arith.constant 1.000000e+00 : f32
    %sub3A_1721 = vector.broadcast %sub3A_1720 : f32 to vector<512x30xf32>
    %sub3A_1722 = arith.subf %exp3A_1719, %sub3A_1721 : vector<512x30xf32>
    %select_n3A_1723 = arith.select %gt3A_1718, %mul3A_1715, %sub3A_1722 : vector<512x30xi1>, vector<512x30xf32>
    %slice3A_1724 = vector.extract_strided_slice %get3A_1621 {offsets = [1, 0, 0], sizes = [1, 30, 32], strides = [1, 1, 1]} : vector<5x30x32xf32> to vector<1x30x32xf32>
    %squeeze3A_1725 = vector.shape_cast %slice3A_1724 : vector<1x30x32xf32> to vector<30x32xf32>
    %dot_general3A_1726 = arith.constant dense<0.000000e+00> : vector<512x32xf32>
    %dot_general3A_1727 = tpu.matmul %select_n3A_1723, %squeeze3A_1725, %dot_general3A_1726 {dimension_numbers = #tpu.dot_dimension_numbers<[1], [0], [0], [1], [0, 0, 1, 1], [], []>, transpose_lhs_hint = false} : vector<512x30xf32>, vector<30x32xf32>, vector<512x32xf32> -> vector<512x32xf32>
    %add3A_1728 = arith.addf %dot_general3A_1676, %dot_general3A_1727 : vector<512x32xf32>
    %slice3A_1729 = vector.extract_strided_slice %get3A_1603 {offsets = [2, 0, 0], sizes = [1, 128, 30], strides = [1, 1, 1]} : vector<5x128x30xf32> to vector<1x128x30xf32>
    %squeeze3A_1730 = vector.shape_cast %slice3A_1729 : vector<1x128x30xf32> to vector<128x30xf32>
    %dot_general3A_1731 = arith.constant dense<0.000000e+00> : vector<512x30xf32>
    %dot_general3A_1732 = tpu.matmul %concatenate3A_1571, %squeeze3A_1730, %dot_general3A_1731 {dimension_numbers = #tpu.dot_dimension_numbers<[1], [0], [0], [1], [0, 0, 1, 1], [], []>, transpose_lhs_hint = false} : vector<512x128xf32>, vector<128x30xf32>, vector<512x30xf32> -> vector<512x30xf32>
    %slice3A_1733 = vector.extract_strided_slice %dot_general3A_1623 {offsets = [0, 2], sizes = [512, 1], strides = [1, 1]} : vector<512x5xf32> to vector<512x1xf32>
    %slice3A_1734 = vector.extract_strided_slice %dot_general3A_1625 {offsets = [2, 0], sizes = [1, 512], strides = [1, 1]} : vector<5x512xf32> to vector<1x512xf32>
    %convert_element_type3A_1735 = arith.truncf %slice3A_1733 : vector<512x1xf32> to vector<512x1xbf16>
    %convert_element_type3A_1736 = arith.truncf %slice3A_1734 : vector<1x512xf32> to vector<1x512xbf16>
    %add3A_1737 = vector.broadcast %convert_element_type3A_1735 : vector<512x1xbf16> to vector<512x512xbf16>
    %add3A_1738 = vector.broadcast %convert_element_type3A_1736 : vector<1x512xbf16> to vector<512x512xbf16>
    %add3A_1739 = arith.addf %add3A_1737, %add3A_1738 : vector<512x512xbf16>
    %mul3A_1740 = arith.constant 1.000980e-01 : bf16
    %mul3A_1741 = vector.broadcast %mul3A_1740 : bf16 to vector<512x1xbf16>
    %mul3A_1742 = arith.mulf %mul3A_1741, %convert_element_type3A_1735 : vector<512x1xbf16>
    %mul3A_1743 = arith.constant 1.000980e-01 : bf16
    %mul3A_1744 = vector.broadcast %mul3A_1743 : bf16 to vector<1x512xbf16>
    %mul3A_1745 = arith.mulf %mul3A_1744, %convert_element_type3A_1736 : vector<1x512xbf16>
    %add3A_1746 = vector.broadcast %mul3A_1742 : vector<512x1xbf16> to vector<512x512xbf16>
    %add3A_1747 = vector.broadcast %mul3A_1745 : vector<1x512xbf16> to vector<512x512xbf16>
    %add3A_1748 = arith.addf %add3A_1746, %add3A_1747 : vector<512x512xbf16>
    %max3A_1749 = arith.maximumf %add3A_1739, %add3A_1748 : vector<512x512xbf16>
    %exp3A_1750 = math.exp %max3A_1749 : vector<512x512xbf16>
    %mul3A_1751 = arith.mulf %exp3A_1750, %convert_element_type3A_1597 : vector<512x512xbf16>
    %broadcast_in_dim3A_1752 = arith.constant 1.000000e+00 : f32
    %broadcast_in_dim3A_1753 = vector.broadcast %broadcast_in_dim3A_1752 : f32 to vector<512x1xf32>
    %concatenate3A_1754 = tpu.concatenate %dot_general3A_1732, %broadcast_in_dim3A_1753 in 1 : vector<512x30xf32>, vector<512x1xf32> -> vector<512x31xf32>
    %convert_element_type3A_1755 = arith.truncf %concatenate3A_1754 : vector<512x31xf32> to vector<512x31xbf16>
    %dot_general3A_1756 = arith.constant dense<0.000000e+00> : vector<512x31xf32>
    %dot_general3A_1757 = tpu.matmul %mul3A_1751, %convert_element_type3A_1755, %dot_general3A_1756 {dimension_numbers = #tpu.dot_dimension_numbers<[1], [0], [0], [1], [0, 0, 1, 1], [], []>, transpose_lhs_hint = false} : vector<512x512xbf16>, vector<512x31xbf16>, vector<512x31xf32> -> vector<512x31xf32>
    %slice3A_1758 = vector.extract_strided_slice %dot_general3A_1757 {offsets = [0, 30], sizes = [512, 1], strides = [1, 1]} : vector<512x31xf32> to vector<512x1xf32>
    %max3A_1759 = arith.constant 1.000000e-30 : f32
    %max3A_1760 = vector.broadcast %max3A_1759 : f32 to vector<512x1xf32>
    %max3A_1761 = arith.maximumf %slice3A_1758, %max3A_1760 : vector<512x1xf32>
    %integer_pow3A_1762 = arith.constant 1.000000e+00 : f32
    %integer_pow3A_1763 = vector.broadcast %integer_pow3A_1762 : f32 to vector<512x1xf32>
    %integer_pow3A_1764 = arith.divf %integer_pow3A_1763, %max3A_1761 : vector<512x1xf32>
    %slice3A_1765 = vector.extract_strided_slice %dot_general3A_1757 {offsets = [0, 0], sizes = [512, 30], strides = [1, 1]} : vector<512x31xf32> to vector<512x30xf32>
    %mul3A_1766 = vector.broadcast %integer_pow3A_1764 : vector<512x1xf32> to vector<512x30xf32>
    %mul3A_1767 = arith.mulf %slice3A_1765, %mul3A_1766 : vector<512x30xf32>
    %gt3A_1768 = arith.constant 0.000000e+00 : f32
    %gt3A_1769 = vector.broadcast %gt3A_1768 : f32 to vector<512x30xf32>
    %gt3A_1770 = arith.cmpf ogt, %mul3A_1767, %gt3A_1769 : vector<512x30xf32>
    %exp3A_1771 = math.exp %mul3A_1767 : vector<512x30xf32>
    %sub3A_1772 = arith.constant 1.000000e+00 : f32
    %sub3A_1773 = vector.broadcast %sub3A_1772 : f32 to vector<512x30xf32>
    %sub3A_1774 = arith.subf %exp3A_1771, %sub3A_1773 : vector<512x30xf32>
    %select_n3A_1775 = arith.select %gt3A_1770, %mul3A_1767, %sub3A_1774 : vector<512x30xi1>, vector<512x30xf32>
    %slice3A_1776 = vector.extract_strided_slice %get3A_1621 {offsets = [2, 0, 0], sizes = [1, 30, 32], strides = [1, 1, 1]} : vector<5x30x32xf32> to vector<1x30x32xf32>
    %squeeze3A_1777 = vector.shape_cast %slice3A_1776 : vector<1x30x32xf32> to vector<30x32xf32>
    %dot_general3A_1778 = arith.constant dense<0.000000e+00> : vector<512x32xf32>
    %dot_general3A_1779 = tpu.matmul %select_n3A_1775, %squeeze3A_1777, %dot_general3A_1778 {dimension_numbers = #tpu.dot_dimension_numbers<[1], [0], [0], [1], [0, 0, 1, 1], [], []>, transpose_lhs_hint = false} : vector<512x30xf32>, vector<30x32xf32>, vector<512x32xf32> -> vector<512x32xf32>
    %add3A_1780 = arith.addf %add3A_1728, %dot_general3A_1779 : vector<512x32xf32>
    %slice3A_1781 = vector.extract_strided_slice %get3A_1603 {offsets = [3, 0, 0], sizes = [1, 128, 30], strides = [1, 1, 1]} : vector<5x128x30xf32> to vector<1x128x30xf32>
    %squeeze3A_1782 = vector.shape_cast %slice3A_1781 : vector<1x128x30xf32> to vector<128x30xf32>
    %dot_general3A_1783 = arith.constant dense<0.000000e+00> : vector<512x30xf32>
    %dot_general3A_1784 = tpu.matmul %concatenate3A_1571, %squeeze3A_1782, %dot_general3A_1783 {dimension_numbers = #tpu.dot_dimension_numbers<[1], [0], [0], [1], [0, 0, 1, 1], [], []>, transpose_lhs_hint = false} : vector<512x128xf32>, vector<128x30xf32>, vector<512x30xf32> -> vector<512x30xf32>
    %slice3A_1785 = vector.extract_strided_slice %dot_general3A_1623 {offsets = [0, 3], sizes = [512, 1], strides = [1, 1]} : vector<512x5xf32> to vector<512x1xf32>
    %slice3A_1786 = vector.extract_strided_slice %dot_general3A_1625 {offsets = [3, 0], sizes = [1, 512], strides = [1, 1]} : vector<5x512xf32> to vector<1x512xf32>
    %convert_element_type3A_1787 = arith.truncf %slice3A_1785 : vector<512x1xf32> to vector<512x1xbf16>
    %convert_element_type3A_1788 = arith.truncf %slice3A_1786 : vector<1x512xf32> to vector<1x512xbf16>
    %add3A_1789 = vector.broadcast %convert_element_type3A_1787 : vector<512x1xbf16> to vector<512x512xbf16>
    %add3A_1790 = vector.broadcast %convert_element_type3A_1788 : vector<1x512xbf16> to vector<512x512xbf16>
    %add3A_1791 = arith.addf %add3A_1789, %add3A_1790 : vector<512x512xbf16>
    %mul3A_1792 = arith.constant 1.000980e-01 : bf16
    %mul3A_1793 = vector.broadcast %mul3A_1792 : bf16 to vector<512x1xbf16>
    %mul3A_1794 = arith.mulf %mul3A_1793, %convert_element_type3A_1787 : vector<512x1xbf16>
    %mul3A_1795 = arith.constant 1.000980e-01 : bf16
    %mul3A_1796 = vector.broadcast %mul3A_1795 : bf16 to vector<1x512xbf16>
    %mul3A_1797 = arith.mulf %mul3A_1796, %convert_element_type3A_1788 : vector<1x512xbf16>
    %add3A_1798 = vector.broadcast %mul3A_1794 : vector<512x1xbf16> to vector<512x512xbf16>
    %add3A_1799 = vector.broadcast %mul3A_1797 : vector<1x512xbf16> to vector<512x512xbf16>
    %add3A_1800 = arith.addf %add3A_1798, %add3A_1799 : vector<512x512xbf16>
    %max3A_1801 = arith.maximumf %add3A_1791, %add3A_1800 : vector<512x512xbf16>
    %exp3A_1802 = math.exp %max3A_1801 : vector<512x512xbf16>
    %mul3A_1803 = arith.mulf %exp3A_1802, %convert_element_type3A_1597 : vector<512x512xbf16>
    %broadcast_in_dim3A_1804 = arith.constant 1.000000e+00 : f32
    %broadcast_in_dim3A_1805 = vector.broadcast %broadcast_in_dim3A_1804 : f32 to vector<512x1xf32>
    %concatenate3A_1806 = tpu.concatenate %dot_general3A_1784, %broadcast_in_dim3A_1805 in 1 : vector<512x30xf32>, vector<512x1xf32> -> vector<512x31xf32>
    %convert_element_type3A_1807 = arith.truncf %concatenate3A_1806 : vector<512x31xf32> to vector<512x31xbf16>
    %dot_general3A_1808 = arith.constant dense<0.000000e+00> : vector<512x31xf32>
    %dot_general3A_1809 = tpu.matmul %mul3A_1803, %convert_element_type3A_1807, %dot_general3A_1808 {dimension_numbers = #tpu.dot_dimension_numbers<[1], [0], [0], [1], [0, 0, 1, 1], [], []>, transpose_lhs_hint = false} : vector<512x512xbf16>, vector<512x31xbf16>, vector<512x31xf32> -> vector<512x31xf32>
    %slice3A_1810 = vector.extract_strided_slice %dot_general3A_1809 {offsets = [0, 30], sizes = [512, 1], strides = [1, 1]} : vector<512x31xf32> to vector<512x1xf32>
    %max3A_1811 = arith.constant 1.000000e-30 : f32
    %max3A_1812 = vector.broadcast %max3A_1811 : f32 to vector<512x1xf32>
    %max3A_1813 = arith.maximumf %slice3A_1810, %max3A_1812 : vector<512x1xf32>
    %integer_pow3A_1814 = arith.constant 1.000000e+00 : f32
    %integer_pow3A_1815 = vector.broadcast %integer_pow3A_1814 : f32 to vector<512x1xf32>
    %integer_pow3A_1816 = arith.divf %integer_pow3A_1815, %max3A_1813 : vector<512x1xf32>
    %slice3A_1817 = vector.extract_strided_slice %dot_general3A_1809 {offsets = [0, 0], sizes = [512, 30], strides = [1, 1]} : vector<512x31xf32> to vector<512x30xf32>
    %mul3A_1818 = vector.broadcast %integer_pow3A_1816 : vector<512x1xf32> to vector<512x30xf32>
    %mul3A_1819 = arith.mulf %slice3A_1817, %mul3A_1818 : vector<512x30xf32>
    %gt3A_1820 = arith.constant 0.000000e+00 : f32
    %gt3A_1821 = vector.broadcast %gt3A_1820 : f32 to vector<512x30xf32>
    %gt3A_1822 = arith.cmpf ogt, %mul3A_1819, %gt3A_1821 : vector<512x30xf32>
    %exp3A_1823 = math.exp %mul3A_1819 : vector<512x30xf32>
    %sub3A_1824 = arith.constant 1.000000e+00 : f32
    %sub3A_1825 = vector.broadcast %sub3A_1824 : f32 to vector<512x30xf32>
    %sub3A_1826 = arith.subf %exp3A_1823, %sub3A_1825 : vector<512x30xf32>
    %select_n3A_1827 = arith.select %gt3A_1822, %mul3A_1819, %sub3A_1826 : vector<512x30xi1>, vector<512x30xf32>
    %slice3A_1828 = vector.extract_strided_slice %get3A_1621 {offsets = [3, 0, 0], sizes = [1, 30, 32], strides = [1, 1, 1]} : vector<5x30x32xf32> to vector<1x30x32xf32>
    %squeeze3A_1829 = vector.shape_cast %slice3A_1828 : vector<1x30x32xf32> to vector<30x32xf32>
    %dot_general3A_1830 = arith.constant dense<0.000000e+00> : vector<512x32xf32>
    %dot_general3A_1831 = tpu.matmul %select_n3A_1827, %squeeze3A_1829, %dot_general3A_1830 {dimension_numbers = #tpu.dot_dimension_numbers<[1], [0], [0], [1], [0, 0, 1, 1], [], []>, transpose_lhs_hint = false} : vector<512x30xf32>, vector<30x32xf32>, vector<512x32xf32> -> vector<512x32xf32>
    %add3A_1832 = arith.addf %add3A_1780, %dot_general3A_1831 : vector<512x32xf32>
    %slice3A_1833 = vector.extract_strided_slice %get3A_1603 {offsets = [4, 0, 0], sizes = [1, 128, 30], strides = [1, 1, 1]} : vector<5x128x30xf32> to vector<1x128x30xf32>
    %squeeze3A_1834 = vector.shape_cast %slice3A_1833 : vector<1x128x30xf32> to vector<128x30xf32>
    %dot_general3A_1835 = arith.constant dense<0.000000e+00> : vector<512x30xf32>
    %dot_general3A_1836 = tpu.matmul %concatenate3A_1571, %squeeze3A_1834, %dot_general3A_1835 {dimension_numbers = #tpu.dot_dimension_numbers<[1], [0], [0], [1], [0, 0, 1, 1], [], []>, transpose_lhs_hint = false} : vector<512x128xf32>, vector<128x30xf32>, vector<512x30xf32> -> vector<512x30xf32>
    %slice3A_1837 = vector.extract_strided_slice %dot_general3A_1623 {offsets = [0, 4], sizes = [512, 1], strides = [1, 1]} : vector<512x5xf32> to vector<512x1xf32>
    %slice3A_1838 = vector.extract_strided_slice %dot_general3A_1625 {offsets = [4, 0], sizes = [1, 512], strides = [1, 1]} : vector<5x512xf32> to vector<1x512xf32>
    %convert_element_type3A_1839 = arith.truncf %slice3A_1837 : vector<512x1xf32> to vector<512x1xbf16>
    %convert_element_type3A_1840 = arith.truncf %slice3A_1838 : vector<1x512xf32> to vector<1x512xbf16>
    %add3A_1841 = vector.broadcast %convert_element_type3A_1839 : vector<512x1xbf16> to vector<512x512xbf16>
    %add3A_1842 = vector.broadcast %convert_element_type3A_1840 : vector<1x512xbf16> to vector<512x512xbf16>
    %add3A_1843 = arith.addf %add3A_1841, %add3A_1842 : vector<512x512xbf16>
    %mul3A_1844 = arith.constant 1.000980e-01 : bf16
    %mul3A_1845 = vector.broadcast %mul3A_1844 : bf16 to vector<512x1xbf16>
    %mul3A_1846 = arith.mulf %mul3A_1845, %convert_element_type3A_1839 : vector<512x1xbf16>
    %mul3A_1847 = arith.constant 1.000980e-01 : bf16
    %mul3A_1848 = vector.broadcast %mul3A_1847 : bf16 to vector<1x512xbf16>
    %mul3A_1849 = arith.mulf %mul3A_1848, %convert_element_type3A_1840 : vector<1x512xbf16>
    %add3A_1850 = vector.broadcast %mul3A_1846 : vector<512x1xbf16> to vector<512x512xbf16>
    %add3A_1851 = vector.broadcast %mul3A_1849 : vector<1x512xbf16> to vector<512x512xbf16>
    %add3A_1852 = arith.addf %add3A_1850, %add3A_1851 : vector<512x512xbf16>
    %max3A_1853 = arith.maximumf %add3A_1843, %add3A_1852 : vector<512x512xbf16>
    %exp3A_1854 = math.exp %max3A_1853 : vector<512x512xbf16>
    %mul3A_1855 = arith.mulf %exp3A_1854, %convert_element_type3A_1597 : vector<512x512xbf16>
    %broadcast_in_dim3A_1856 = arith.constant 1.000000e+00 : f32
    %broadcast_in_dim3A_1857 = vector.broadcast %broadcast_in_dim3A_1856 : f32 to vector<512x1xf32>
    %concatenate3A_1858 = tpu.concatenate %dot_general3A_1836, %broadcast_in_dim3A_1857 in 1 : vector<512x30xf32>, vector<512x1xf32> -> vector<512x31xf32>
    %convert_element_type3A_1859 = arith.truncf %concatenate3A_1858 : vector<512x31xf32> to vector<512x31xbf16>
    %dot_general3A_1860 = arith.constant dense<0.000000e+00> : vector<512x31xf32>
    %dot_general3A_1861 = tpu.matmul %mul3A_1855, %convert_element_type3A_1859, %dot_general3A_1860 {dimension_numbers = #tpu.dot_dimension_numbers<[1], [0], [0], [1], [0, 0, 1, 1], [], []>, transpose_lhs_hint = false} : vector<512x512xbf16>, vector<512x31xbf16>, vector<512x31xf32> -> vector<512x31xf32>
    %slice3A_1862 = vector.extract_strided_slice %dot_general3A_1861 {offsets = [0, 30], sizes = [512, 1], strides = [1, 1]} : vector<512x31xf32> to vector<512x1xf32>
    %max3A_1863 = arith.constant 1.000000e-30 : f32
    %max3A_1864 = vector.broadcast %max3A_1863 : f32 to vector<512x1xf32>
    %max3A_1865 = arith.maximumf %slice3A_1862, %max3A_1864 : vector<512x1xf32>
    %integer_pow3A_1866 = arith.constant 1.000000e+00 : f32
    %integer_pow3A_1867 = vector.broadcast %integer_pow3A_1866 : f32 to vector<512x1xf32>
    %integer_pow3A_1868 = arith.divf %integer_pow3A_1867, %max3A_1865 : vector<512x1xf32>
    %slice3A_1869 = vector.extract_strided_slice %dot_general3A_1861 {offsets = [0, 0], sizes = [512, 30], strides = [1, 1]} : vector<512x31xf32> to vector<512x30xf32>
    %mul3A_1870 = vector.broadcast %integer_pow3A_1868 : vector<512x1xf32> to vector<512x30xf32>
    %mul3A_1871 = arith.mulf %slice3A_1869, %mul3A_1870 : vector<512x30xf32>
    %gt3A_1872 = arith.constant 0.000000e+00 : f32
    %gt3A_1873 = vector.broadcast %gt3A_1872 : f32 to vector<512x30xf32>
    %gt3A_1874 = arith.cmpf ogt, %mul3A_1871, %gt3A_1873 : vector<512x30xf32>
    %exp3A_1875 = math.exp %mul3A_1871 : vector<512x30xf32>
    %sub3A_1876 = arith.constant 1.000000e+00 : f32
    %sub3A_1877 = vector.broadcast %sub3A_1876 : f32 to vector<512x30xf32>
    %sub3A_1878 = arith.subf %exp3A_1875, %sub3A_1877 : vector<512x30xf32>
    %select_n3A_1879 = arith.select %gt3A_1874, %mul3A_1871, %sub3A_1878 : vector<512x30xi1>, vector<512x30xf32>
    %slice3A_1880 = vector.extract_strided_slice %get3A_1621 {offsets = [4, 0, 0], sizes = [1, 30, 32], strides = [1, 1, 1]} : vector<5x30x32xf32> to vector<1x30x32xf32>
    %squeeze3A_1881 = vector.shape_cast %slice3A_1880 : vector<1x30x32xf32> to vector<30x32xf32>
    %dot_general3A_1882 = arith.constant dense<0.000000e+00> : vector<512x32xf32>
    %dot_general3A_1883 = tpu.matmul %select_n3A_1879, %squeeze3A_1881, %dot_general3A_1882 {dimension_numbers = #tpu.dot_dimension_numbers<[1], [0], [0], [1], [0, 0, 1, 1], [], []>, transpose_lhs_hint = false} : vector<512x30xf32>, vector<30x32xf32>, vector<512x32xf32> -> vector<512x32xf32>
    %add3A_1884 = arith.addf %add3A_1832, %dot_general3A_1883 : vector<512x32xf32>
    %get3A_1885 = arith.constant 0 : index
    %get3A_1886 = arith.constant 0 : index
    %get3A_1887 = arith.constant 0 : index
    %get3A_1888 = vector.load %arg17[%get3A_1885, %get3A_1886, %get3A_1887] : memref<3x1x32xf32, #tpu.memory_space<vmem>>, vector<1x1x32xf32>
    %get3A_1889 = vector.shape_cast %get3A_1888 : vector<1x1x32xf32> to vector<1x32xf32>
    %dot_general3A_1890 = arith.constant dense<0.000000e+00> : vector<512x1xf32>
    %dot_general3A_1891 = tpu.matmul %add3A_1884, %get3A_1889, %dot_general3A_1890 {dimension_numbers = #tpu.dot_dimension_numbers<[1], [1], [0], [0], [0, 0, 1, 0], [], []>, transpose_lhs_hint = false} : vector<512x32xf32>, vector<1x32xf32>, vector<512x1xf32> -> vector<512x1xf32>
    %get3A_1892 = arith.constant 0 : index
    %get3A_1893 = arith.constant 0 : index
    %get3A_1894 = arith.constant 0 : index
    %get3A_1895 = vector.load %arg18[%get3A_1892, %get3A_1893, %get3A_1894] : memref<3x1x32xf32, #tpu.memory_space<vmem>>, vector<1x1x32xf32>
    %get3A_1896 = vector.shape_cast %get3A_1895 : vector<1x1x32xf32> to vector<1x32xf32>
    %dot_general3A_1897 = arith.constant dense<0.000000e+00> : vector<1x512xf32>
    %dot_general3A_1898 = tpu.matmul %get3A_1896, %add3A_1884, %dot_general3A_1897 {dimension_numbers = #tpu.dot_dimension_numbers<[1], [1], [0], [0], [0, 0, 1, 0], [], []>, transpose_lhs_hint = false} : vector<1x32xf32>, vector<512x32xf32>, vector<1x512xf32> -> vector<1x512xf32>
    %convert_element_type3A_1899 = arith.truncf %dot_general3A_1891 : vector<512x1xf32> to vector<512x1xbf16>
    %convert_element_type3A_1900 = arith.truncf %dot_general3A_1898 : vector<1x512xf32> to vector<1x512xbf16>
    %add3A_1901 = vector.broadcast %convert_element_type3A_1899 : vector<512x1xbf16> to vector<512x512xbf16>
    %add3A_1902 = vector.broadcast %convert_element_type3A_1900 : vector<1x512xbf16> to vector<512x512xbf16>
    %add3A_1903 = arith.addf %add3A_1901, %add3A_1902 : vector<512x512xbf16>
    %mul3A_1904 = arith.constant 1.000980e-01 : bf16
    %mul3A_1905 = vector.broadcast %mul3A_1904 : bf16 to vector<512x1xbf16>
    %mul3A_1906 = arith.mulf %mul3A_1905, %convert_element_type3A_1899 : vector<512x1xbf16>
    %mul3A_1907 = arith.constant 1.000980e-01 : bf16
    %mul3A_1908 = vector.broadcast %mul3A_1907 : bf16 to vector<1x512xbf16>
    %mul3A_1909 = arith.mulf %mul3A_1908, %convert_element_type3A_1900 : vector<1x512xbf16>
    %add3A_1910 = vector.broadcast %mul3A_1906 : vector<512x1xbf16> to vector<512x512xbf16>
    %add3A_1911 = vector.broadcast %mul3A_1909 : vector<1x512xbf16> to vector<512x512xbf16>
    %add3A_1912 = arith.addf %add3A_1910, %add3A_1911 : vector<512x512xbf16>
    %max3A_1913 = arith.maximumf %add3A_1903, %add3A_1912 : vector<512x512xbf16>
    %exp3A_1914 = math.exp %max3A_1913 : vector<512x512xbf16>
    %mul3A_1915 = arith.mulf %exp3A_1914, %convert_element_type3A_1597 : vector<512x512xbf16>
    %broadcast_in_dim3A_1916 = arith.constant 1.000000e+00 : f32
    %broadcast_in_dim3A_1917 = vector.broadcast %broadcast_in_dim3A_1916 : f32 to vector<512x1xf32>
    %concatenate3A_1918 = tpu.concatenate %add3A_1884, %broadcast_in_dim3A_1917 in 1 : vector<512x32xf32>, vector<512x1xf32> -> vector<512x33xf32>
    %convert_element_type3A_1919 = arith.truncf %concatenate3A_1918 : vector<512x33xf32> to vector<512x33xbf16>
    %dot_general3A_1920 = arith.constant dense<0.000000e+00> : vector<512x33xf32>
    %dot_general3A_1921 = tpu.matmul %mul3A_1915, %convert_element_type3A_1919, %dot_general3A_1920 {dimension_numbers = #tpu.dot_dimension_numbers<[1], [0], [0], [1], [0, 0, 1, 1], [], []>, transpose_lhs_hint = false} : vector<512x512xbf16>, vector<512x33xbf16>, vector<512x33xf32> -> vector<512x33xf32>
    %slice3A_1922 = vector.extract_strided_slice %dot_general3A_1921 {offsets = [0, 32], sizes = [512, 1], strides = [1, 1]} : vector<512x33xf32> to vector<512x1xf32>
    %max3A_1923 = arith.constant 1.000000e-30 : f32
    %max3A_1924 = vector.broadcast %max3A_1923 : f32 to vector<512x1xf32>
    %max3A_1925 = arith.maximumf %slice3A_1922, %max3A_1924 : vector<512x1xf32>
    %integer_pow3A_1926 = arith.constant 1.000000e+00 : f32
    %integer_pow3A_1927 = vector.broadcast %integer_pow3A_1926 : f32 to vector<512x1xf32>
    %integer_pow3A_1928 = arith.divf %integer_pow3A_1927, %max3A_1925 : vector<512x1xf32>
    %slice3A_1929 = vector.extract_strided_slice %dot_general3A_1921 {offsets = [0, 0], sizes = [512, 32], strides = [1, 1]} : vector<512x33xf32> to vector<512x32xf32>
    %mul3A_1930 = vector.broadcast %integer_pow3A_1928 : vector<512x1xf32> to vector<512x32xf32>
    %mul3A_1931 = arith.mulf %slice3A_1929, %mul3A_1930 : vector<512x32xf32>
    %gt3A_1932 = arith.constant 0.000000e+00 : f32
    %gt3A_1933 = vector.broadcast %gt3A_1932 : f32 to vector<512x32xf32>
    %gt3A_1934 = arith.cmpf ogt, %mul3A_1931, %gt3A_1933 : vector<512x32xf32>
    %exp3A_1935 = math.exp %mul3A_1931 : vector<512x32xf32>
    %sub3A_1936 = arith.constant 1.000000e+00 : f32
    %sub3A_1937 = vector.broadcast %sub3A_1936 : f32 to vector<512x32xf32>
    %sub3A_1938 = arith.subf %exp3A_1935, %sub3A_1937 : vector<512x32xf32>
    %select_n3A_1939 = arith.select %gt3A_1934, %mul3A_1931, %sub3A_1938 : vector<512x32xi1>, vector<512x32xf32>
    %get3A_1940 = arith.constant 0 : index
    %get3A_1941 = arith.constant 1 : index
    %get3A_1942 = vector.load %arg19[%get3A_1940, %get3A_1941] : memref<1x4xf32, #tpu.memory_space<vmem>>, vector<1x1xf32>
    %slice3A_1943 = vector.extract_strided_slice %select_n3A_1939 {offsets = [0, 0], sizes = [400, 32], strides = [1, 1]} : vector<512x32xf32> to vector<400x32xf32>
    %mul3A_1944 = vector.broadcast %get3A_1942 : vector<1x1xf32> to vector<400x32xf32>
    %mul3A_1945 = arith.mulf %mul3A_1944, %slice3A_1943 : vector<400x32xf32>
    %add3A_1946 = arith.addf %mul3A_1586, %mul3A_1945 : vector<400x32xf32>
    %get3A_1947 = arith.constant 1 : index
    %get3A_1948 = arith.constant 0 : index
    %get3A_1949 = arith.constant 0 : index
    %get3A_1950 = vector.load %arg4[%get3A_1947, %get3A_1948, %get3A_1949] : memref<2x512x512xi32, #tpu.memory_space<vmem>>, vector<1x512x512xi32>
    %get3A_1951 = vector.shape_cast %get3A_1950 : vector<1x512x512xi32> to vector<512x512xi32>
    %gt3A_1952 = arith.constant 0 : i32
    %gt3A_1953 = vector.broadcast %gt3A_1952 : i32 to vector<512x512xi32>
    %gt3A_1954 = arith.cmpi sgt, %get3A_1951, %gt3A_1953 : vector<512x512xi32>
    %convert_element_type3A_1955 = arith.extui %gt3A_1954 : vector<512x512xi1> to vector<512x512xi32>
    %convert_element_type3A_1956 = arith.sitofp %convert_element_type3A_1955 : vector<512x512xi32> to vector<512x512xf32>
    %convert_element_type3A_1957 = arith.truncf %convert_element_type3A_1956 : vector<512x512xf32> to vector<512x512xbf16>
    %get3A_1958 = arith.constant 1 : index
    %get3A_1959 = arith.constant 0 : index
    %get3A_1960 = arith.constant 0 : index
    %get3A_1961 = arith.constant 0 : index
    %get3A_1962 = vector.load %arg14[%get3A_1958, %get3A_1959, %get3A_1960, %get3A_1961] : memref<3x5x128x30xf32, #tpu.memory_space<vmem>>, vector<1x5x128x30xf32>
    %get3A_1963 = vector.shape_cast %get3A_1962 : vector<1x5x128x30xf32> to vector<5x128x30xf32>
    %get3A_1964 = arith.constant 1 : index
    %get3A_1965 = arith.constant 0 : index
    %get3A_1966 = arith.constant 0 : index
    %get3A_1967 = arith.constant 0 : index
    %get3A_1968 = vector.load %arg15[%get3A_1964, %get3A_1965, %get3A_1966, %get3A_1967] : memref<3x2x5x128xf32, #tpu.memory_space<vmem>>, vector<1x1x5x128xf32>
    %get3A_1969 = vector.shape_cast %get3A_1968 : vector<1x1x5x128xf32> to vector<5x128xf32>
    %get3A_1970 = arith.constant 1 : index
    %get3A_1971 = arith.constant 1 : index
    %get3A_1972 = arith.constant 0 : index
    %get3A_1973 = arith.constant 0 : index
    %get3A_1974 = vector.load %arg15[%get3A_1970, %get3A_1971, %get3A_1972, %get3A_1973] : memref<3x2x5x128xf32, #tpu.memory_space<vmem>>, vector<1x1x5x128xf32>
    %get3A_1975 = vector.shape_cast %get3A_1974 : vector<1x1x5x128xf32> to vector<5x128xf32>
    %get3A_1976 = arith.constant 1 : index
    %get3A_1977 = arith.constant 0 : index
    %get3A_1978 = arith.constant 0 : index
    %get3A_1979 = arith.constant 0 : index
    %get3A_1980 = vector.load %arg16[%get3A_1976, %get3A_1977, %get3A_1978, %get3A_1979] : memref<3x5x30x32xf32, #tpu.memory_space<vmem>>, vector<1x5x30x32xf32>
    %get3A_1981 = vector.shape_cast %get3A_1980 : vector<1x5x30x32xf32> to vector<5x30x32xf32>
    %dot_general3A_1982 = arith.constant dense<0.000000e+00> : vector<512x5xf32>
    %dot_general3A_1983 = tpu.matmul %concatenate3A_1571, %get3A_1969, %dot_general3A_1982 {dimension_numbers = #tpu.dot_dimension_numbers<[1], [1], [0], [0], [0, 0, 1, 0], [], []>, transpose_lhs_hint = false} : vector<512x128xf32>, vector<5x128xf32>, vector<512x5xf32> -> vector<512x5xf32>
    %dot_general3A_1984 = arith.constant dense<0.000000e+00> : vector<5x512xf32>
    %dot_general3A_1985 = tpu.matmul %get3A_1975, %concatenate3A_1571, %dot_general3A_1984 {dimension_numbers = #tpu.dot_dimension_numbers<[1], [1], [0], [0], [0, 0, 1, 0], [], []>, transpose_lhs_hint = false} : vector<5x128xf32>, vector<512x128xf32>, vector<5x512xf32> -> vector<5x512xf32>
    %slice3A_1986 = vector.extract_strided_slice %get3A_1963 {offsets = [0, 0, 0], sizes = [1, 128, 30], strides = [1, 1, 1]} : vector<5x128x30xf32> to vector<1x128x30xf32>
    %squeeze3A_1987 = vector.shape_cast %slice3A_1986 : vector<1x128x30xf32> to vector<128x30xf32>
    %dot_general3A_1988 = arith.constant dense<0.000000e+00> : vector<512x30xf32>
    %dot_general3A_1989 = tpu.matmul %concatenate3A_1571, %squeeze3A_1987, %dot_general3A_1988 {dimension_numbers = #tpu.dot_dimension_numbers<[1], [0], [0], [1], [0, 0, 1, 1], [], []>, transpose_lhs_hint = false} : vector<512x128xf32>, vector<128x30xf32>, vector<512x30xf32> -> vector<512x30xf32>
    %slice3A_1990 = vector.extract_strided_slice %dot_general3A_1983 {offsets = [0, 0], sizes = [512, 1], strides = [1, 1]} : vector<512x5xf32> to vector<512x1xf32>
    %slice3A_1991 = vector.extract_strided_slice %dot_general3A_1985 {offsets = [0, 0], sizes = [1, 512], strides = [1, 1]} : vector<5x512xf32> to vector<1x512xf32>
    %convert_element_type3A_1992 = arith.truncf %slice3A_1990 : vector<512x1xf32> to vector<512x1xbf16>
    %convert_element_type3A_1993 = arith.truncf %slice3A_1991 : vector<1x512xf32> to vector<1x512xbf16>
    %add3A_1994 = vector.broadcast %convert_element_type3A_1992 : vector<512x1xbf16> to vector<512x512xbf16>
    %add3A_1995 = vector.broadcast %convert_element_type3A_1993 : vector<1x512xbf16> to vector<512x512xbf16>
    %add3A_1996 = arith.addf %add3A_1994, %add3A_1995 : vector<512x512xbf16>
    %mul3A_1997 = arith.constant 1.000980e-01 : bf16
    %mul3A_1998 = vector.broadcast %mul3A_1997 : bf16 to vector<512x1xbf16>
    %mul3A_1999 = arith.mulf %mul3A_1998, %convert_element_type3A_1992 : vector<512x1xbf16>
    %mul3A_2000 = arith.constant 1.000980e-01 : bf16
    %mul3A_2001 = vector.broadcast %mul3A_2000 : bf16 to vector<1x512xbf16>
    %mul3A_2002 = arith.mulf %mul3A_2001, %convert_element_type3A_1993 : vector<1x512xbf16>
    %add3A_2003 = vector.broadcast %mul3A_1999 : vector<512x1xbf16> to vector<512x512xbf16>
    %add3A_2004 = vector.broadcast %mul3A_2002 : vector<1x512xbf16> to vector<512x512xbf16>
    %add3A_2005 = arith.addf %add3A_2003, %add3A_2004 : vector<512x512xbf16>
    %max3A_2006 = arith.maximumf %add3A_1996, %add3A_2005 : vector<512x512xbf16>
    %exp3A_2007 = math.exp %max3A_2006 : vector<512x512xbf16>
    %mul3A_2008 = arith.mulf %exp3A_2007, %convert_element_type3A_1957 : vector<512x512xbf16>
    %broadcast_in_dim3A_2009 = arith.constant 1.000000e+00 : f32
    %broadcast_in_dim3A_2010 = vector.broadcast %broadcast_in_dim3A_2009 : f32 to vector<512x1xf32>
    %concatenate3A_2011 = tpu.concatenate %dot_general3A_1989, %broadcast_in_dim3A_2010 in 1 : vector<512x30xf32>, vector<512x1xf32> -> vector<512x31xf32>
    %convert_element_type3A_2012 = arith.truncf %concatenate3A_2011 : vector<512x31xf32> to vector<512x31xbf16>
    %dot_general3A_2013 = arith.constant dense<0.000000e+00> : vector<512x31xf32>
    %dot_general3A_2014 = tpu.matmul %mul3A_2008, %convert_element_type3A_2012, %dot_general3A_2013 {dimension_numbers = #tpu.dot_dimension_numbers<[1], [0], [0], [1], [0, 0, 1, 1], [], []>, transpose_lhs_hint = false} : vector<512x512xbf16>, vector<512x31xbf16>, vector<512x31xf32> -> vector<512x31xf32>
    %slice3A_2015 = vector.extract_strided_slice %dot_general3A_2014 {offsets = [0, 30], sizes = [512, 1], strides = [1, 1]} : vector<512x31xf32> to vector<512x1xf32>
    %max3A_2016 = arith.constant 1.000000e-30 : f32
    %max3A_2017 = vector.broadcast %max3A_2016 : f32 to vector<512x1xf32>
    %max3A_2018 = arith.maximumf %slice3A_2015, %max3A_2017 : vector<512x1xf32>
    %integer_pow3A_2019 = arith.constant 1.000000e+00 : f32
    %integer_pow3A_2020 = vector.broadcast %integer_pow3A_2019 : f32 to vector<512x1xf32>
    %integer_pow3A_2021 = arith.divf %integer_pow3A_2020, %max3A_2018 : vector<512x1xf32>
    %slice3A_2022 = vector.extract_strided_slice %dot_general3A_2014 {offsets = [0, 0], sizes = [512, 30], strides = [1, 1]} : vector<512x31xf32> to vector<512x30xf32>
    %mul3A_2023 = vector.broadcast %integer_pow3A_2021 : vector<512x1xf32> to vector<512x30xf32>
    %mul3A_2024 = arith.mulf %slice3A_2022, %mul3A_2023 : vector<512x30xf32>
    %gt3A_2025 = arith.constant 0.000000e+00 : f32
    %gt3A_2026 = vector.broadcast %gt3A_2025 : f32 to vector<512x30xf32>
    %gt3A_2027 = arith.cmpf ogt, %mul3A_2024, %gt3A_2026 : vector<512x30xf32>
    %exp3A_2028 = math.exp %mul3A_2024 : vector<512x30xf32>
    %sub3A_2029 = arith.constant 1.000000e+00 : f32
    %sub3A_2030 = vector.broadcast %sub3A_2029 : f32 to vector<512x30xf32>
    %sub3A_2031 = arith.subf %exp3A_2028, %sub3A_2030 : vector<512x30xf32>
    %select_n3A_2032 = arith.select %gt3A_2027, %mul3A_2024, %sub3A_2031 : vector<512x30xi1>, vector<512x30xf32>
    %slice3A_2033 = vector.extract_strided_slice %get3A_1981 {offsets = [0, 0, 0], sizes = [1, 30, 32], strides = [1, 1, 1]} : vector<5x30x32xf32> to vector<1x30x32xf32>
    %squeeze3A_2034 = vector.shape_cast %slice3A_2033 : vector<1x30x32xf32> to vector<30x32xf32>
    %dot_general3A_2035 = arith.constant dense<0.000000e+00> : vector<512x32xf32>
    %dot_general3A_2036 = tpu.matmul %select_n3A_2032, %squeeze3A_2034, %dot_general3A_2035 {dimension_numbers = #tpu.dot_dimension_numbers<[1], [0], [0], [1], [0, 0, 1, 1], [], []>, transpose_lhs_hint = false} : vector<512x30xf32>, vector<30x32xf32>, vector<512x32xf32> -> vector<512x32xf32>
    %slice3A_2037 = vector.extract_strided_slice %get3A_1963 {offsets = [1, 0, 0], sizes = [1, 128, 30], strides = [1, 1, 1]} : vector<5x128x30xf32> to vector<1x128x30xf32>
    %squeeze3A_2038 = vector.shape_cast %slice3A_2037 : vector<1x128x30xf32> to vector<128x30xf32>
    %dot_general3A_2039 = arith.constant dense<0.000000e+00> : vector<512x30xf32>
    %dot_general3A_2040 = tpu.matmul %concatenate3A_1571, %squeeze3A_2038, %dot_general3A_2039 {dimension_numbers = #tpu.dot_dimension_numbers<[1], [0], [0], [1], [0, 0, 1, 1], [], []>, transpose_lhs_hint = false} : vector<512x128xf32>, vector<128x30xf32>, vector<512x30xf32> -> vector<512x30xf32>
    %slice3A_2041 = vector.extract_strided_slice %dot_general3A_1983 {offsets = [0, 1], sizes = [512, 1], strides = [1, 1]} : vector<512x5xf32> to vector<512x1xf32>
    %slice3A_2042 = vector.extract_strided_slice %dot_general3A_1985 {offsets = [1, 0], sizes = [1, 512], strides = [1, 1]} : vector<5x512xf32> to vector<1x512xf32>
    %convert_element_type3A_2043 = arith.truncf %slice3A_2041 : vector<512x1xf32> to vector<512x1xbf16>
    %convert_element_type3A_2044 = arith.truncf %slice3A_2042 : vector<1x512xf32> to vector<1x512xbf16>
    %add3A_2045 = vector.broadcast %convert_element_type3A_2043 : vector<512x1xbf16> to vector<512x512xbf16>
    %add3A_2046 = vector.broadcast %convert_element_type3A_2044 : vector<1x512xbf16> to vector<512x512xbf16>
    %add3A_2047 = arith.addf %add3A_2045, %add3A_2046 : vector<512x512xbf16>
    %mul3A_2048 = arith.constant 1.000980e-01 : bf16
    %mul3A_2049 = vector.broadcast %mul3A_2048 : bf16 to vector<512x1xbf16>
    %mul3A_2050 = arith.mulf %mul3A_2049, %convert_element_type3A_2043 : vector<512x1xbf16>
    %mul3A_2051 = arith.constant 1.000980e-01 : bf16
    %mul3A_2052 = vector.broadcast %mul3A_2051 : bf16 to vector<1x512xbf16>
    %mul3A_2053 = arith.mulf %mul3A_2052, %convert_element_type3A_2044 : vector<1x512xbf16>
    %add3A_2054 = vector.broadcast %mul3A_2050 : vector<512x1xbf16> to vector<512x512xbf16>
    %add3A_2055 = vector.broadcast %mul3A_2053 : vector<1x512xbf16> to vector<512x512xbf16>
    %add3A_2056 = arith.addf %add3A_2054, %add3A_2055 : vector<512x512xbf16>
    %max3A_2057 = arith.maximumf %add3A_2047, %add3A_2056 : vector<512x512xbf16>
    %exp3A_2058 = math.exp %max3A_2057 : vector<512x512xbf16>
    %mul3A_2059 = arith.mulf %exp3A_2058, %convert_element_type3A_1957 : vector<512x512xbf16>
    %broadcast_in_dim3A_2060 = arith.constant 1.000000e+00 : f32
    %broadcast_in_dim3A_2061 = vector.broadcast %broadcast_in_dim3A_2060 : f32 to vector<512x1xf32>
    %concatenate3A_2062 = tpu.concatenate %dot_general3A_2040, %broadcast_in_dim3A_2061 in 1 : vector<512x30xf32>, vector<512x1xf32> -> vector<512x31xf32>
    %convert_element_type3A_2063 = arith.truncf %concatenate3A_2062 : vector<512x31xf32> to vector<512x31xbf16>
    %dot_general3A_2064 = arith.constant dense<0.000000e+00> : vector<512x31xf32>
    %dot_general3A_2065 = tpu.matmul %mul3A_2059, %convert_element_type3A_2063, %dot_general3A_2064 {dimension_numbers = #tpu.dot_dimension_numbers<[1], [0], [0], [1], [0, 0, 1, 1], [], []>, transpose_lhs_hint = false} : vector<512x512xbf16>, vector<512x31xbf16>, vector<512x31xf32> -> vector<512x31xf32>
    %slice3A_2066 = vector.extract_strided_slice %dot_general3A_2065 {offsets = [0, 30], sizes = [512, 1], strides = [1, 1]} : vector<512x31xf32> to vector<512x1xf32>
    %max3A_2067 = arith.constant 1.000000e-30 : f32
    %max3A_2068 = vector.broadcast %max3A_2067 : f32 to vector<512x1xf32>
    %max3A_2069 = arith.maximumf %slice3A_2066, %max3A_2068 : vector<512x1xf32>
    %integer_pow3A_2070 = arith.constant 1.000000e+00 : f32
    %integer_pow3A_2071 = vector.broadcast %integer_pow3A_2070 : f32 to vector<512x1xf32>
    %integer_pow3A_2072 = arith.divf %integer_pow3A_2071, %max3A_2069 : vector<512x1xf32>
    %slice3A_2073 = vector.extract_strided_slice %dot_general3A_2065 {offsets = [0, 0], sizes = [512, 30], strides = [1, 1]} : vector<512x31xf32> to vector<512x30xf32>
    %mul3A_2074 = vector.broadcast %integer_pow3A_2072 : vector<512x1xf32> to vector<512x30xf32>
    %mul3A_2075 = arith.mulf %slice3A_2073, %mul3A_2074 : vector<512x30xf32>
    %gt3A_2076 = arith.constant 0.000000e+00 : f32
    %gt3A_2077 = vector.broadcast %gt3A_2076 : f32 to vector<512x30xf32>
    %gt3A_2078 = arith.cmpf ogt, %mul3A_2075, %gt3A_2077 : vector<512x30xf32>
    %exp3A_2079 = math.exp %mul3A_2075 : vector<512x30xf32>
    %sub3A_2080 = arith.constant 1.000000e+00 : f32
    %sub3A_2081 = vector.broadcast %sub3A_2080 : f32 to vector<512x30xf32>
    %sub3A_2082 = arith.subf %exp3A_2079, %sub3A_2081 : vector<512x30xf32>
    %select_n3A_2083 = arith.select %gt3A_2078, %mul3A_2075, %sub3A_2082 : vector<512x30xi1>, vector<512x30xf32>
    %slice3A_2084 = vector.extract_strided_slice %get3A_1981 {offsets = [1, 0, 0], sizes = [1, 30, 32], strides = [1, 1, 1]} : vector<5x30x32xf32> to vector<1x30x32xf32>
    %squeeze3A_2085 = vector.shape_cast %slice3A_2084 : vector<1x30x32xf32> to vector<30x32xf32>
    %dot_general3A_2086 = arith.constant dense<0.000000e+00> : vector<512x32xf32>
    %dot_general3A_2087 = tpu.matmul %select_n3A_2083, %squeeze3A_2085, %dot_general3A_2086 {dimension_numbers = #tpu.dot_dimension_numbers<[1], [0], [0], [1], [0, 0, 1, 1], [], []>, transpose_lhs_hint = false} : vector<512x30xf32>, vector<30x32xf32>, vector<512x32xf32> -> vector<512x32xf32>
    %add3A_2088 = arith.addf %dot_general3A_2036, %dot_general3A_2087 : vector<512x32xf32>
    %slice3A_2089 = vector.extract_strided_slice %get3A_1963 {offsets = [2, 0, 0], sizes = [1, 128, 30], strides = [1, 1, 1]} : vector<5x128x30xf32> to vector<1x128x30xf32>
    %squeeze3A_2090 = vector.shape_cast %slice3A_2089 : vector<1x128x30xf32> to vector<128x30xf32>
    %dot_general3A_2091 = arith.constant dense<0.000000e+00> : vector<512x30xf32>
    %dot_general3A_2092 = tpu.matmul %concatenate3A_1571, %squeeze3A_2090, %dot_general3A_2091 {dimension_numbers = #tpu.dot_dimension_numbers<[1], [0], [0], [1], [0, 0, 1, 1], [], []>, transpose_lhs_hint = false} : vector<512x128xf32>, vector<128x30xf32>, vector<512x30xf32> -> vector<512x30xf32>
    %slice3A_2093 = vector.extract_strided_slice %dot_general3A_1983 {offsets = [0, 2], sizes = [512, 1], strides = [1, 1]} : vector<512x5xf32> to vector<512x1xf32>
    %slice3A_2094 = vector.extract_strided_slice %dot_general3A_1985 {offsets = [2, 0], sizes = [1, 512], strides = [1, 1]} : vector<5x512xf32> to vector<1x512xf32>
    %convert_element_type3A_2095 = arith.truncf %slice3A_2093 : vector<512x1xf32> to vector<512x1xbf16>
    %convert_element_type3A_2096 = arith.truncf %slice3A_2094 : vector<1x512xf32> to vector<1x512xbf16>
    %add3A_2097 = vector.broadcast %convert_element_type3A_2095 : vector<512x1xbf16> to vector<512x512xbf16>
    %add3A_2098 = vector.broadcast %convert_element_type3A_2096 : vector<1x512xbf16> to vector<512x512xbf16>
    %add3A_2099 = arith.addf %add3A_2097, %add3A_2098 : vector<512x512xbf16>
    %mul3A_2100 = arith.constant 1.000980e-01 : bf16
    %mul3A_2101 = vector.broadcast %mul3A_2100 : bf16 to vector<512x1xbf16>
    %mul3A_2102 = arith.mulf %mul3A_2101, %convert_element_type3A_2095 : vector<512x1xbf16>
    %mul3A_2103 = arith.constant 1.000980e-01 : bf16
    %mul3A_2104 = vector.broadcast %mul3A_2103 : bf16 to vector<1x512xbf16>
    %mul3A_2105 = arith.mulf %mul3A_2104, %convert_element_type3A_2096 : vector<1x512xbf16>
    %add3A_2106 = vector.broadcast %mul3A_2102 : vector<512x1xbf16> to vector<512x512xbf16>
    %add3A_2107 = vector.broadcast %mul3A_2105 : vector<1x512xbf16> to vector<512x512xbf16>
    %add3A_2108 = arith.addf %add3A_2106, %add3A_2107 : vector<512x512xbf16>
    %max3A_2109 = arith.maximumf %add3A_2099, %add3A_2108 : vector<512x512xbf16>
    %exp3A_2110 = math.exp %max3A_2109 : vector<512x512xbf16>
    %mul3A_2111 = arith.mulf %exp3A_2110, %convert_element_type3A_1957 : vector<512x512xbf16>
    %broadcast_in_dim3A_2112 = arith.constant 1.000000e+00 : f32
    %broadcast_in_dim3A_2113 = vector.broadcast %broadcast_in_dim3A_2112 : f32 to vector<512x1xf32>
    %concatenate3A_2114 = tpu.concatenate %dot_general3A_2092, %broadcast_in_dim3A_2113 in 1 : vector<512x30xf32>, vector<512x1xf32> -> vector<512x31xf32>
    %convert_element_type3A_2115 = arith.truncf %concatenate3A_2114 : vector<512x31xf32> to vector<512x31xbf16>
    %dot_general3A_2116 = arith.constant dense<0.000000e+00> : vector<512x31xf32>
    %dot_general3A_2117 = tpu.matmul %mul3A_2111, %convert_element_type3A_2115, %dot_general3A_2116 {dimension_numbers = #tpu.dot_dimension_numbers<[1], [0], [0], [1], [0, 0, 1, 1], [], []>, transpose_lhs_hint = false} : vector<512x512xbf16>, vector<512x31xbf16>, vector<512x31xf32> -> vector<512x31xf32>
    %slice3A_2118 = vector.extract_strided_slice %dot_general3A_2117 {offsets = [0, 30], sizes = [512, 1], strides = [1, 1]} : vector<512x31xf32> to vector<512x1xf32>
    %max3A_2119 = arith.constant 1.000000e-30 : f32
    %max3A_2120 = vector.broadcast %max3A_2119 : f32 to vector<512x1xf32>
    %max3A_2121 = arith.maximumf %slice3A_2118, %max3A_2120 : vector<512x1xf32>
    %integer_pow3A_2122 = arith.constant 1.000000e+00 : f32
    %integer_pow3A_2123 = vector.broadcast %integer_pow3A_2122 : f32 to vector<512x1xf32>
    %integer_pow3A_2124 = arith.divf %integer_pow3A_2123, %max3A_2121 : vector<512x1xf32>
    %slice3A_2125 = vector.extract_strided_slice %dot_general3A_2117 {offsets = [0, 0], sizes = [512, 30], strides = [1, 1]} : vector<512x31xf32> to vector<512x30xf32>
    %mul3A_2126 = vector.broadcast %integer_pow3A_2124 : vector<512x1xf32> to vector<512x30xf32>
    %mul3A_2127 = arith.mulf %slice3A_2125, %mul3A_2126 : vector<512x30xf32>
    %gt3A_2128 = arith.constant 0.000000e+00 : f32
    %gt3A_2129 = vector.broadcast %gt3A_2128 : f32 to vector<512x30xf32>
    %gt3A_2130 = arith.cmpf ogt, %mul3A_2127, %gt3A_2129 : vector<512x30xf32>
    %exp3A_2131 = math.exp %mul3A_2127 : vector<512x30xf32>
    %sub3A_2132 = arith.constant 1.000000e+00 : f32
    %sub3A_2133 = vector.broadcast %sub3A_2132 : f32 to vector<512x30xf32>
    %sub3A_2134 = arith.subf %exp3A_2131, %sub3A_2133 : vector<512x30xf32>
    %select_n3A_2135 = arith.select %gt3A_2130, %mul3A_2127, %sub3A_2134 : vector<512x30xi1>, vector<512x30xf32>
    %slice3A_2136 = vector.extract_strided_slice %get3A_1981 {offsets = [2, 0, 0], sizes = [1, 30, 32], strides = [1, 1, 1]} : vector<5x30x32xf32> to vector<1x30x32xf32>
    %squeeze3A_2137 = vector.shape_cast %slice3A_2136 : vector<1x30x32xf32> to vector<30x32xf32>
    %dot_general3A_2138 = arith.constant dense<0.000000e+00> : vector<512x32xf32>
    %dot_general3A_2139 = tpu.matmul %select_n3A_2135, %squeeze3A_2137, %dot_general3A_2138 {dimension_numbers = #tpu.dot_dimension_numbers<[1], [0], [0], [1], [0, 0, 1, 1], [], []>, transpose_lhs_hint = false} : vector<512x30xf32>, vector<30x32xf32>, vector<512x32xf32> -> vector<512x32xf32>
    %add3A_2140 = arith.addf %add3A_2088, %dot_general3A_2139 : vector<512x32xf32>
    %slice3A_2141 = vector.extract_strided_slice %get3A_1963 {offsets = [3, 0, 0], sizes = [1, 128, 30], strides = [1, 1, 1]} : vector<5x128x30xf32> to vector<1x128x30xf32>
    %squeeze3A_2142 = vector.shape_cast %slice3A_2141 : vector<1x128x30xf32> to vector<128x30xf32>
    %dot_general3A_2143 = arith.constant dense<0.000000e+00> : vector<512x30xf32>
    %dot_general3A_2144 = tpu.matmul %concatenate3A_1571, %squeeze3A_2142, %dot_general3A_2143 {dimension_numbers = #tpu.dot_dimension_numbers<[1], [0], [0], [1], [0, 0, 1, 1], [], []>, transpose_lhs_hint = false} : vector<512x128xf32>, vector<128x30xf32>, vector<512x30xf32> -> vector<512x30xf32>
    %slice3A_2145 = vector.extract_strided_slice %dot_general3A_1983 {offsets = [0, 3], sizes = [512, 1], strides = [1, 1]} : vector<512x5xf32> to vector<512x1xf32>
    %slice3A_2146 = vector.extract_strided_slice %dot_general3A_1985 {offsets = [3, 0], sizes = [1, 512], strides = [1, 1]} : vector<5x512xf32> to vector<1x512xf32>
    %convert_element_type3A_2147 = arith.truncf %slice3A_2145 : vector<512x1xf32> to vector<512x1xbf16>
    %convert_element_type3A_2148 = arith.truncf %slice3A_2146 : vector<1x512xf32> to vector<1x512xbf16>
    %add3A_2149 = vector.broadcast %convert_element_type3A_2147 : vector<512x1xbf16> to vector<512x512xbf16>
    %add3A_2150 = vector.broadcast %convert_element_type3A_2148 : vector<1x512xbf16> to vector<512x512xbf16>
    %add3A_2151 = arith.addf %add3A_2149, %add3A_2150 : vector<512x512xbf16>
    %mul3A_2152 = arith.constant 1.000980e-01 : bf16
    %mul3A_2153 = vector.broadcast %mul3A_2152 : bf16 to vector<512x1xbf16>
    %mul3A_2154 = arith.mulf %mul3A_2153, %convert_element_type3A_2147 : vector<512x1xbf16>
    %mul3A_2155 = arith.constant 1.000980e-01 : bf16
    %mul3A_2156 = vector.broadcast %mul3A_2155 : bf16 to vector<1x512xbf16>
    %mul3A_2157 = arith.mulf %mul3A_2156, %convert_element_type3A_2148 : vector<1x512xbf16>
    %add3A_2158 = vector.broadcast %mul3A_2154 : vector<512x1xbf16> to vector<512x512xbf16>
    %add3A_2159 = vector.broadcast %mul3A_2157 : vector<1x512xbf16> to vector<512x512xbf16>
    %add3A_2160 = arith.addf %add3A_2158, %add3A_2159 : vector<512x512xbf16>
    %max3A_2161 = arith.maximumf %add3A_2151, %add3A_2160 : vector<512x512xbf16>
    %exp3A_2162 = math.exp %max3A_2161 : vector<512x512xbf16>
    %mul3A_2163 = arith.mulf %exp3A_2162, %convert_element_type3A_1957 : vector<512x512xbf16>
    %broadcast_in_dim3A_2164 = arith.constant 1.000000e+00 : f32
    %broadcast_in_dim3A_2165 = vector.broadcast %broadcast_in_dim3A_2164 : f32 to vector<512x1xf32>
    %concatenate3A_2166 = tpu.concatenate %dot_general3A_2144, %broadcast_in_dim3A_2165 in 1 : vector<512x30xf32>, vector<512x1xf32> -> vector<512x31xf32>
    %convert_element_type3A_2167 = arith.truncf %concatenate3A_2166 : vector<512x31xf32> to vector<512x31xbf16>
    %dot_general3A_2168 = arith.constant dense<0.000000e+00> : vector<512x31xf32>
    %dot_general3A_2169 = tpu.matmul %mul3A_2163, %convert_element_type3A_2167, %dot_general3A_2168 {dimension_numbers = #tpu.dot_dimension_numbers<[1], [0], [0], [1], [0, 0, 1, 1], [], []>, transpose_lhs_hint = false} : vector<512x512xbf16>, vector<512x31xbf16>, vector<512x31xf32> -> vector<512x31xf32>
    %slice3A_2170 = vector.extract_strided_slice %dot_general3A_2169 {offsets = [0, 30], sizes = [512, 1], strides = [1, 1]} : vector<512x31xf32> to vector<512x1xf32>
    %max3A_2171 = arith.constant 1.000000e-30 : f32
    %max3A_2172 = vector.broadcast %max3A_2171 : f32 to vector<512x1xf32>
    %max3A_2173 = arith.maximumf %slice3A_2170, %max3A_2172 : vector<512x1xf32>
    %integer_pow3A_2174 = arith.constant 1.000000e+00 : f32
    %integer_pow3A_2175 = vector.broadcast %integer_pow3A_2174 : f32 to vector<512x1xf32>
    %integer_pow3A_2176 = arith.divf %integer_pow3A_2175, %max3A_2173 : vector<512x1xf32>
    %slice3A_2177 = vector.extract_strided_slice %dot_general3A_2169 {offsets = [0, 0], sizes = [512, 30], strides = [1, 1]} : vector<512x31xf32> to vector<512x30xf32>
    %mul3A_2178 = vector.broadcast %integer_pow3A_2176 : vector<512x1xf32> to vector<512x30xf32>
    %mul3A_2179 = arith.mulf %slice3A_2177, %mul3A_2178 : vector<512x30xf32>
    %gt3A_2180 = arith.constant 0.000000e+00 : f32
    %gt3A_2181 = vector.broadcast %gt3A_2180 : f32 to vector<512x30xf32>
    %gt3A_2182 = arith.cmpf ogt, %mul3A_2179, %gt3A_2181 : vector<512x30xf32>
    %exp3A_2183 = math.exp %mul3A_2179 : vector<512x30xf32>
    %sub3A_2184 = arith.constant 1.000000e+00 : f32
    %sub3A_2185 = vector.broadcast %sub3A_2184 : f32 to vector<512x30xf32>
    %sub3A_2186 = arith.subf %exp3A_2183, %sub3A_2185 : vector<512x30xf32>
    %select_n3A_2187 = arith.select %gt3A_2182, %mul3A_2179, %sub3A_2186 : vector<512x30xi1>, vector<512x30xf32>
    %slice3A_2188 = vector.extract_strided_slice %get3A_1981 {offsets = [3, 0, 0], sizes = [1, 30, 32], strides = [1, 1, 1]} : vector<5x30x32xf32> to vector<1x30x32xf32>
    %squeeze3A_2189 = vector.shape_cast %slice3A_2188 : vector<1x30x32xf32> to vector<30x32xf32>
    %dot_general3A_2190 = arith.constant dense<0.000000e+00> : vector<512x32xf32>
    %dot_general3A_2191 = tpu.matmul %select_n3A_2187, %squeeze3A_2189, %dot_general3A_2190 {dimension_numbers = #tpu.dot_dimension_numbers<[1], [0], [0], [1], [0, 0, 1, 1], [], []>, transpose_lhs_hint = false} : vector<512x30xf32>, vector<30x32xf32>, vector<512x32xf32> -> vector<512x32xf32>
    %add3A_2192 = arith.addf %add3A_2140, %dot_general3A_2191 : vector<512x32xf32>
    %slice3A_2193 = vector.extract_strided_slice %get3A_1963 {offsets = [4, 0, 0], sizes = [1, 128, 30], strides = [1, 1, 1]} : vector<5x128x30xf32> to vector<1x128x30xf32>
    %squeeze3A_2194 = vector.shape_cast %slice3A_2193 : vector<1x128x30xf32> to vector<128x30xf32>
    %dot_general3A_2195 = arith.constant dense<0.000000e+00> : vector<512x30xf32>
    %dot_general3A_2196 = tpu.matmul %concatenate3A_1571, %squeeze3A_2194, %dot_general3A_2195 {dimension_numbers = #tpu.dot_dimension_numbers<[1], [0], [0], [1], [0, 0, 1, 1], [], []>, transpose_lhs_hint = false} : vector<512x128xf32>, vector<128x30xf32>, vector<512x30xf32> -> vector<512x30xf32>
    %slice3A_2197 = vector.extract_strided_slice %dot_general3A_1983 {offsets = [0, 4], sizes = [512, 1], strides = [1, 1]} : vector<512x5xf32> to vector<512x1xf32>
    %slice3A_2198 = vector.extract_strided_slice %dot_general3A_1985 {offsets = [4, 0], sizes = [1, 512], strides = [1, 1]} : vector<5x512xf32> to vector<1x512xf32>
    %convert_element_type3A_2199 = arith.truncf %slice3A_2197 : vector<512x1xf32> to vector<512x1xbf16>
    %convert_element_type3A_2200 = arith.truncf %slice3A_2198 : vector<1x512xf32> to vector<1x512xbf16>
    %add3A_2201 = vector.broadcast %convert_element_type3A_2199 : vector<512x1xbf16> to vector<512x512xbf16>
    %add3A_2202 = vector.broadcast %convert_element_type3A_2200 : vector<1x512xbf16> to vector<512x512xbf16>
    %add3A_2203 = arith.addf %add3A_2201, %add3A_2202 : vector<512x512xbf16>
    %mul3A_2204 = arith.constant 1.000980e-01 : bf16
    %mul3A_2205 = vector.broadcast %mul3A_2204 : bf16 to vector<512x1xbf16>
    %mul3A_2206 = arith.mulf %mul3A_2205, %convert_element_type3A_2199 : vector<512x1xbf16>
    %mul3A_2207 = arith.constant 1.000980e-01 : bf16
    %mul3A_2208 = vector.broadcast %mul3A_2207 : bf16 to vector<1x512xbf16>
    %mul3A_2209 = arith.mulf %mul3A_2208, %convert_element_type3A_2200 : vector<1x512xbf16>
    %add3A_2210 = vector.broadcast %mul3A_2206 : vector<512x1xbf16> to vector<512x512xbf16>
    %add3A_2211 = vector.broadcast %mul3A_2209 : vector<1x512xbf16> to vector<512x512xbf16>
    %add3A_2212 = arith.addf %add3A_2210, %add3A_2211 : vector<512x512xbf16>
    %max3A_2213 = arith.maximumf %add3A_2203, %add3A_2212 : vector<512x512xbf16>
    %exp3A_2214 = math.exp %max3A_2213 : vector<512x512xbf16>
    %mul3A_2215 = arith.mulf %exp3A_2214, %convert_element_type3A_1957 : vector<512x512xbf16>
    %broadcast_in_dim3A_2216 = arith.constant 1.000000e+00 : f32
    %broadcast_in_dim3A_2217 = vector.broadcast %broadcast_in_dim3A_2216 : f32 to vector<512x1xf32>
    %concatenate3A_2218 = tpu.concatenate %dot_general3A_2196, %broadcast_in_dim3A_2217 in 1 : vector<512x30xf32>, vector<512x1xf32> -> vector<512x31xf32>
    %convert_element_type3A_2219 = arith.truncf %concatenate3A_2218 : vector<512x31xf32> to vector<512x31xbf16>
    %dot_general3A_2220 = arith.constant dense<0.000000e+00> : vector<512x31xf32>
    %dot_general3A_2221 = tpu.matmul %mul3A_2215, %convert_element_type3A_2219, %dot_general3A_2220 {dimension_numbers = #tpu.dot_dimension_numbers<[1], [0], [0], [1], [0, 0, 1, 1], [], []>, transpose_lhs_hint = false} : vector<512x512xbf16>, vector<512x31xbf16>, vector<512x31xf32> -> vector<512x31xf32>
    %slice3A_2222 = vector.extract_strided_slice %dot_general3A_2221 {offsets = [0, 30], sizes = [512, 1], strides = [1, 1]} : vector<512x31xf32> to vector<512x1xf32>
    %max3A_2223 = arith.constant 1.000000e-30 : f32
    %max3A_2224 = vector.broadcast %max3A_2223 : f32 to vector<512x1xf32>
    %max3A_2225 = arith.maximumf %slice3A_2222, %max3A_2224 : vector<512x1xf32>
    %integer_pow3A_2226 = arith.constant 1.000000e+00 : f32
    %integer_pow3A_2227 = vector.broadcast %integer_pow3A_2226 : f32 to vector<512x1xf32>
    %integer_pow3A_2228 = arith.divf %integer_pow3A_2227, %max3A_2225 : vector<512x1xf32>
    %slice3A_2229 = vector.extract_strided_slice %dot_general3A_2221 {offsets = [0, 0], sizes = [512, 30], strides = [1, 1]} : vector<512x31xf32> to vector<512x30xf32>
    %mul3A_2230 = vector.broadcast %integer_pow3A_2228 : vector<512x1xf32> to vector<512x30xf32>
    %mul3A_2231 = arith.mulf %slice3A_2229, %mul3A_2230 : vector<512x30xf32>
    %gt3A_2232 = arith.constant 0.000000e+00 : f32
    %gt3A_2233 = vector.broadcast %gt3A_2232 : f32 to vector<512x30xf32>
    %gt3A_2234 = arith.cmpf ogt, %mul3A_2231, %gt3A_2233 : vector<512x30xf32>
    %exp3A_2235 = math.exp %mul3A_2231 : vector<512x30xf32>
    %sub3A_2236 = arith.constant 1.000000e+00 : f32
    %sub3A_2237 = vector.broadcast %sub3A_2236 : f32 to vector<512x30xf32>
    %sub3A_2238 = arith.subf %exp3A_2235, %sub3A_2237 : vector<512x30xf32>
    %select_n3A_2239 = arith.select %gt3A_2234, %mul3A_2231, %sub3A_2238 : vector<512x30xi1>, vector<512x30xf32>
    %slice3A_2240 = vector.extract_strided_slice %get3A_1981 {offsets = [4, 0, 0], sizes = [1, 30, 32], strides = [1, 1, 1]} : vector<5x30x32xf32> to vector<1x30x32xf32>
    %squeeze3A_2241 = vector.shape_cast %slice3A_2240 : vector<1x30x32xf32> to vector<30x32xf32>
    %dot_general3A_2242 = arith.constant dense<0.000000e+00> : vector<512x32xf32>
    %dot_general3A_2243 = tpu.matmul %select_n3A_2239, %squeeze3A_2241, %dot_general3A_2242 {dimension_numbers = #tpu.dot_dimension_numbers<[1], [0], [0], [1], [0, 0, 1, 1], [], []>, transpose_lhs_hint = false} : vector<512x30xf32>, vector<30x32xf32>, vector<512x32xf32> -> vector<512x32xf32>
    %add3A_2244 = arith.addf %add3A_2192, %dot_general3A_2243 : vector<512x32xf32>
    %get3A_2245 = arith.constant 1 : index
    %get3A_2246 = arith.constant 0 : index
    %get3A_2247 = arith.constant 0 : index
    %get3A_2248 = vector.load %arg17[%get3A_2245, %get3A_2246, %get3A_2247] : memref<3x1x32xf32, #tpu.memory_space<vmem>>, vector<1x1x32xf32>
    %get3A_2249 = vector.shape_cast %get3A_2248 : vector<1x1x32xf32> to vector<1x32xf32>
    %dot_general3A_2250 = arith.constant dense<0.000000e+00> : vector<512x1xf32>
    %dot_general3A_2251 = tpu.matmul %add3A_2244, %get3A_2249, %dot_general3A_2250 {dimension_numbers = #tpu.dot_dimension_numbers<[1], [1], [0], [0], [0, 0, 1, 0], [], []>, transpose_lhs_hint = false} : vector<512x32xf32>, vector<1x32xf32>, vector<512x1xf32> -> vector<512x1xf32>
    %get3A_2252 = arith.constant 1 : index
    %get3A_2253 = arith.constant 0 : index
    %get3A_2254 = arith.constant 0 : index
    %get3A_2255 = vector.load %arg18[%get3A_2252, %get3A_2253, %get3A_2254] : memref<3x1x32xf32, #tpu.memory_space<vmem>>, vector<1x1x32xf32>
    %get3A_2256 = vector.shape_cast %get3A_2255 : vector<1x1x32xf32> to vector<1x32xf32>
    %dot_general3A_2257 = arith.constant dense<0.000000e+00> : vector<1x512xf32>
    %dot_general3A_2258 = tpu.matmul %get3A_2256, %add3A_2244, %dot_general3A_2257 {dimension_numbers = #tpu.dot_dimension_numbers<[1], [1], [0], [0], [0, 0, 1, 0], [], []>, transpose_lhs_hint = false} : vector<1x32xf32>, vector<512x32xf32>, vector<1x512xf32> -> vector<1x512xf32>
    %convert_element_type3A_2259 = arith.truncf %dot_general3A_2251 : vector<512x1xf32> to vector<512x1xbf16>
    %convert_element_type3A_2260 = arith.truncf %dot_general3A_2258 : vector<1x512xf32> to vector<1x512xbf16>
    %add3A_2261 = vector.broadcast %convert_element_type3A_2259 : vector<512x1xbf16> to vector<512x512xbf16>
    %add3A_2262 = vector.broadcast %convert_element_type3A_2260 : vector<1x512xbf16> to vector<512x512xbf16>
    %add3A_2263 = arith.addf %add3A_2261, %add3A_2262 : vector<512x512xbf16>
    %mul3A_2264 = arith.constant 1.000980e-01 : bf16
    %mul3A_2265 = vector.broadcast %mul3A_2264 : bf16 to vector<512x1xbf16>
    %mul3A_2266 = arith.mulf %mul3A_2265, %convert_element_type3A_2259 : vector<512x1xbf16>
    %mul3A_2267 = arith.constant 1.000980e-01 : bf16
    %mul3A_2268 = vector.broadcast %mul3A_2267 : bf16 to vector<1x512xbf16>
    %mul3A_2269 = arith.mulf %mul3A_2268, %convert_element_type3A_2260 : vector<1x512xbf16>
    %add3A_2270 = vector.broadcast %mul3A_2266 : vector<512x1xbf16> to vector<512x512xbf16>
    %add3A_2271 = vector.broadcast %mul3A_2269 : vector<1x512xbf16> to vector<512x512xbf16>
    %add3A_2272 = arith.addf %add3A_2270, %add3A_2271 : vector<512x512xbf16>
    %max3A_2273 = arith.maximumf %add3A_2263, %add3A_2272 : vector<512x512xbf16>
    %exp3A_2274 = math.exp %max3A_2273 : vector<512x512xbf16>
    %mul3A_2275 = arith.mulf %exp3A_2274, %convert_element_type3A_1957 : vector<512x512xbf16>
    %broadcast_in_dim3A_2276 = arith.constant 1.000000e+00 : f32
    %broadcast_in_dim3A_2277 = vector.broadcast %broadcast_in_dim3A_2276 : f32 to vector<512x1xf32>
    %concatenate3A_2278 = tpu.concatenate %add3A_2244, %broadcast_in_dim3A_2277 in 1 : vector<512x32xf32>, vector<512x1xf32> -> vector<512x33xf32>
    %convert_element_type3A_2279 = arith.truncf %concatenate3A_2278 : vector<512x33xf32> to vector<512x33xbf16>
    %dot_general3A_2280 = arith.constant dense<0.000000e+00> : vector<512x33xf32>
    %dot_general3A_2281 = tpu.matmul %mul3A_2275, %convert_element_type3A_2279, %dot_general3A_2280 {dimension_numbers = #tpu.dot_dimension_numbers<[1], [0], [0], [1], [0, 0, 1, 1], [], []>, transpose_lhs_hint = false} : vector<512x512xbf16>, vector<512x33xbf16>, vector<512x33xf32> -> vector<512x33xf32>
    %slice3A_2282 = vector.extract_strided_slice %dot_general3A_2281 {offsets = [0, 32], sizes = [512, 1], strides = [1, 1]} : vector<512x33xf32> to vector<512x1xf32>
    %max3A_2283 = arith.constant 1.000000e-30 : f32
    %max3A_2284 = vector.broadcast %max3A_2283 : f32 to vector<512x1xf32>
    %max3A_2285 = arith.maximumf %slice3A_2282, %max3A_2284 : vector<512x1xf32>
    %integer_pow3A_2286 = arith.constant 1.000000e+00 : f32
    %integer_pow3A_2287 = vector.broadcast %integer_pow3A_2286 : f32 to vector<512x1xf32>
    %integer_pow3A_2288 = arith.divf %integer_pow3A_2287, %max3A_2285 : vector<512x1xf32>
    %slice3A_2289 = vector.extract_strided_slice %dot_general3A_2281 {offsets = [0, 0], sizes = [512, 32], strides = [1, 1]} : vector<512x33xf32> to vector<512x32xf32>
    %mul3A_2290 = vector.broadcast %integer_pow3A_2288 : vector<512x1xf32> to vector<512x32xf32>
    %mul3A_2291 = arith.mulf %slice3A_2289, %mul3A_2290 : vector<512x32xf32>
    %gt3A_2292 = arith.constant 0.000000e+00 : f32
    %gt3A_2293 = vector.broadcast %gt3A_2292 : f32 to vector<512x32xf32>
    %gt3A_2294 = arith.cmpf ogt, %mul3A_2291, %gt3A_2293 : vector<512x32xf32>
    %exp3A_2295 = math.exp %mul3A_2291 : vector<512x32xf32>
    %sub3A_2296 = arith.constant 1.000000e+00 : f32
    %sub3A_2297 = vector.broadcast %sub3A_2296 : f32 to vector<512x32xf32>
    %sub3A_2298 = arith.subf %exp3A_2295, %sub3A_2297 : vector<512x32xf32>
    %select_n3A_2299 = arith.select %gt3A_2294, %mul3A_2291, %sub3A_2298 : vector<512x32xi1>, vector<512x32xf32>
    %get3A_2300 = arith.constant 0 : index
    %get3A_2301 = arith.constant 2 : index
    %get3A_2302 = vector.load %arg19[%get3A_2300, %get3A_2301] : memref<1x4xf32, #tpu.memory_space<vmem>>, vector<1x1xf32>
    %slice3A_2303 = vector.extract_strided_slice %select_n3A_2299 {offsets = [0, 0], sizes = [400, 32], strides = [1, 1]} : vector<512x32xf32> to vector<400x32xf32>
    %mul3A_2304 = vector.broadcast %get3A_2302 : vector<1x1xf32> to vector<400x32xf32>
    %mul3A_2305 = arith.mulf %mul3A_2304, %slice3A_2303 : vector<400x32xf32>
    %add3A_2306 = arith.addf %add3A_1946, %mul3A_2305 : vector<400x32xf32>
    %get3A_2307 = arith.constant 1 : index
    %get3A_2308 = arith.constant 0 : index
    %get3A_2309 = arith.constant 0 : index
    %get3A_2310 = vector.load %arg5[%get3A_2307, %get3A_2308, %get3A_2309] : memref<2x512x512xi32, #tpu.memory_space<vmem>>, vector<1x512x512xi32>
    %get3A_2311 = vector.shape_cast %get3A_2310 : vector<1x512x512xi32> to vector<512x512xi32>
    %gt3A_2312 = arith.constant 0 : i32
    %gt3A_2313 = vector.broadcast %gt3A_2312 : i32 to vector<512x512xi32>
    %gt3A_2314 = arith.cmpi sgt, %get3A_2311, %gt3A_2313 : vector<512x512xi32>
    %convert_element_type3A_2315 = arith.extui %gt3A_2314 : vector<512x512xi1> to vector<512x512xi32>
    %convert_element_type3A_2316 = arith.sitofp %convert_element_type3A_2315 : vector<512x512xi32> to vector<512x512xf32>
    %convert_element_type3A_2317 = arith.truncf %convert_element_type3A_2316 : vector<512x512xf32> to vector<512x512xbf16>
    %get3A_2318 = arith.constant 2 : index
    %get3A_2319 = arith.constant 0 : index
    %get3A_2320 = arith.constant 0 : index
    %get3A_2321 = arith.constant 0 : index
    %get3A_2322 = vector.load %arg14[%get3A_2318, %get3A_2319, %get3A_2320, %get3A_2321] : memref<3x5x128x30xf32, #tpu.memory_space<vmem>>, vector<1x5x128x30xf32>
    %get3A_2323 = vector.shape_cast %get3A_2322 : vector<1x5x128x30xf32> to vector<5x128x30xf32>
    %get3A_2324 = arith.constant 2 : index
    %get3A_2325 = arith.constant 0 : index
    %get3A_2326 = arith.constant 0 : index
    %get3A_2327 = arith.constant 0 : index
    %get3A_2328 = vector.load %arg15[%get3A_2324, %get3A_2325, %get3A_2326, %get3A_2327] : memref<3x2x5x128xf32, #tpu.memory_space<vmem>>, vector<1x1x5x128xf32>
    %get3A_2329 = vector.shape_cast %get3A_2328 : vector<1x1x5x128xf32> to vector<5x128xf32>
    %get3A_2330 = arith.constant 2 : index
    %get3A_2331 = arith.constant 1 : index
    %get3A_2332 = arith.constant 0 : index
    %get3A_2333 = arith.constant 0 : index
    %get3A_2334 = vector.load %arg15[%get3A_2330, %get3A_2331, %get3A_2332, %get3A_2333] : memref<3x2x5x128xf32, #tpu.memory_space<vmem>>, vector<1x1x5x128xf32>
    %get3A_2335 = vector.shape_cast %get3A_2334 : vector<1x1x5x128xf32> to vector<5x128xf32>
    %get3A_2336 = arith.constant 2 : index
    %get3A_2337 = arith.constant 0 : index
    %get3A_2338 = arith.constant 0 : index
    %get3A_2339 = arith.constant 0 : index
    %get3A_2340 = vector.load %arg16[%get3A_2336, %get3A_2337, %get3A_2338, %get3A_2339] : memref<3x5x30x32xf32, #tpu.memory_space<vmem>>, vector<1x5x30x32xf32>
    %get3A_2341 = vector.shape_cast %get3A_2340 : vector<1x5x30x32xf32> to vector<5x30x32xf32>
    %dot_general3A_2342 = arith.constant dense<0.000000e+00> : vector<512x5xf32>
    %dot_general3A_2343 = tpu.matmul %concatenate3A_1571, %get3A_2329, %dot_general3A_2342 {dimension_numbers = #tpu.dot_dimension_numbers<[1], [1], [0], [0], [0, 0, 1, 0], [], []>, transpose_lhs_hint = false} : vector<512x128xf32>, vector<5x128xf32>, vector<512x5xf32> -> vector<512x5xf32>
    %dot_general3A_2344 = arith.constant dense<0.000000e+00> : vector<5x512xf32>
    %dot_general3A_2345 = tpu.matmul %get3A_2335, %concatenate3A_1571, %dot_general3A_2344 {dimension_numbers = #tpu.dot_dimension_numbers<[1], [1], [0], [0], [0, 0, 1, 0], [], []>, transpose_lhs_hint = false} : vector<5x128xf32>, vector<512x128xf32>, vector<5x512xf32> -> vector<5x512xf32>
    %slice3A_2346 = vector.extract_strided_slice %get3A_2323 {offsets = [0, 0, 0], sizes = [1, 128, 30], strides = [1, 1, 1]} : vector<5x128x30xf32> to vector<1x128x30xf32>
    %squeeze3A_2347 = vector.shape_cast %slice3A_2346 : vector<1x128x30xf32> to vector<128x30xf32>
    %dot_general3A_2348 = arith.constant dense<0.000000e+00> : vector<512x30xf32>
    %dot_general3A_2349 = tpu.matmul %concatenate3A_1571, %squeeze3A_2347, %dot_general3A_2348 {dimension_numbers = #tpu.dot_dimension_numbers<[1], [0], [0], [1], [0, 0, 1, 1], [], []>, transpose_lhs_hint = false} : vector<512x128xf32>, vector<128x30xf32>, vector<512x30xf32> -> vector<512x30xf32>
    %slice3A_2350 = vector.extract_strided_slice %dot_general3A_2343 {offsets = [0, 0], sizes = [512, 1], strides = [1, 1]} : vector<512x5xf32> to vector<512x1xf32>
    %slice3A_2351 = vector.extract_strided_slice %dot_general3A_2345 {offsets = [0, 0], sizes = [1, 512], strides = [1, 1]} : vector<5x512xf32> to vector<1x512xf32>
    %convert_element_type3A_2352 = arith.truncf %slice3A_2350 : vector<512x1xf32> to vector<512x1xbf16>
    %convert_element_type3A_2353 = arith.truncf %slice3A_2351 : vector<1x512xf32> to vector<1x512xbf16>
    %add3A_2354 = vector.broadcast %convert_element_type3A_2352 : vector<512x1xbf16> to vector<512x512xbf16>
    %add3A_2355 = vector.broadcast %convert_element_type3A_2353 : vector<1x512xbf16> to vector<512x512xbf16>
    %add3A_2356 = arith.addf %add3A_2354, %add3A_2355 : vector<512x512xbf16>
    %mul3A_2357 = arith.constant 1.000980e-01 : bf16
    %mul3A_2358 = vector.broadcast %mul3A_2357 : bf16 to vector<512x1xbf16>
    %mul3A_2359 = arith.mulf %mul3A_2358, %convert_element_type3A_2352 : vector<512x1xbf16>
    %mul3A_2360 = arith.constant 1.000980e-01 : bf16
    %mul3A_2361 = vector.broadcast %mul3A_2360 : bf16 to vector<1x512xbf16>
    %mul3A_2362 = arith.mulf %mul3A_2361, %convert_element_type3A_2353 : vector<1x512xbf16>
    %add3A_2363 = vector.broadcast %mul3A_2359 : vector<512x1xbf16> to vector<512x512xbf16>
    %add3A_2364 = vector.broadcast %mul3A_2362 : vector<1x512xbf16> to vector<512x512xbf16>
    %add3A_2365 = arith.addf %add3A_2363, %add3A_2364 : vector<512x512xbf16>
    %max3A_2366 = arith.maximumf %add3A_2356, %add3A_2365 : vector<512x512xbf16>
    %exp3A_2367 = math.exp %max3A_2366 : vector<512x512xbf16>
    %mul3A_2368 = arith.mulf %exp3A_2367, %convert_element_type3A_2317 : vector<512x512xbf16>
    %broadcast_in_dim3A_2369 = arith.constant 1.000000e+00 : f32
    %broadcast_in_dim3A_2370 = vector.broadcast %broadcast_in_dim3A_2369 : f32 to vector<512x1xf32>
    %concatenate3A_2371 = tpu.concatenate %dot_general3A_2349, %broadcast_in_dim3A_2370 in 1 : vector<512x30xf32>, vector<512x1xf32> -> vector<512x31xf32>
    %convert_element_type3A_2372 = arith.truncf %concatenate3A_2371 : vector<512x31xf32> to vector<512x31xbf16>
    %dot_general3A_2373 = arith.constant dense<0.000000e+00> : vector<512x31xf32>
    %dot_general3A_2374 = tpu.matmul %mul3A_2368, %convert_element_type3A_2372, %dot_general3A_2373 {dimension_numbers = #tpu.dot_dimension_numbers<[1], [0], [0], [1], [0, 0, 1, 1], [], []>, transpose_lhs_hint = false} : vector<512x512xbf16>, vector<512x31xbf16>, vector<512x31xf32> -> vector<512x31xf32>
    %slice3A_2375 = vector.extract_strided_slice %dot_general3A_2374 {offsets = [0, 30], sizes = [512, 1], strides = [1, 1]} : vector<512x31xf32> to vector<512x1xf32>
    %max3A_2376 = arith.constant 1.000000e-30 : f32
    %max3A_2377 = vector.broadcast %max3A_2376 : f32 to vector<512x1xf32>
    %max3A_2378 = arith.maximumf %slice3A_2375, %max3A_2377 : vector<512x1xf32>
    %integer_pow3A_2379 = arith.constant 1.000000e+00 : f32
    %integer_pow3A_2380 = vector.broadcast %integer_pow3A_2379 : f32 to vector<512x1xf32>
    %integer_pow3A_2381 = arith.divf %integer_pow3A_2380, %max3A_2378 : vector<512x1xf32>
    %slice3A_2382 = vector.extract_strided_slice %dot_general3A_2374 {offsets = [0, 0], sizes = [512, 30], strides = [1, 1]} : vector<512x31xf32> to vector<512x30xf32>
    %mul3A_2383 = vector.broadcast %integer_pow3A_2381 : vector<512x1xf32> to vector<512x30xf32>
    %mul3A_2384 = arith.mulf %slice3A_2382, %mul3A_2383 : vector<512x30xf32>
    %gt3A_2385 = arith.constant 0.000000e+00 : f32
    %gt3A_2386 = vector.broadcast %gt3A_2385 : f32 to vector<512x30xf32>
    %gt3A_2387 = arith.cmpf ogt, %mul3A_2384, %gt3A_2386 : vector<512x30xf32>
    %exp3A_2388 = math.exp %mul3A_2384 : vector<512x30xf32>
    %sub3A_2389 = arith.constant 1.000000e+00 : f32
    %sub3A_2390 = vector.broadcast %sub3A_2389 : f32 to vector<512x30xf32>
    %sub3A_2391 = arith.subf %exp3A_2388, %sub3A_2390 : vector<512x30xf32>
    %select_n3A_2392 = arith.select %gt3A_2387, %mul3A_2384, %sub3A_2391 : vector<512x30xi1>, vector<512x30xf32>
    %slice3A_2393 = vector.extract_strided_slice %get3A_2341 {offsets = [0, 0, 0], sizes = [1, 30, 32], strides = [1, 1, 1]} : vector<5x30x32xf32> to vector<1x30x32xf32>
    %squeeze3A_2394 = vector.shape_cast %slice3A_2393 : vector<1x30x32xf32> to vector<30x32xf32>
    %dot_general3A_2395 = arith.constant dense<0.000000e+00> : vector<512x32xf32>
    %dot_general3A_2396 = tpu.matmul %select_n3A_2392, %squeeze3A_2394, %dot_general3A_2395 {dimension_numbers = #tpu.dot_dimension_numbers<[1], [0], [0], [1], [0, 0, 1, 1], [], []>, transpose_lhs_hint = false} : vector<512x30xf32>, vector<30x32xf32>, vector<512x32xf32> -> vector<512x32xf32>
    %slice3A_2397 = vector.extract_strided_slice %get3A_2323 {offsets = [1, 0, 0], sizes = [1, 128, 30], strides = [1, 1, 1]} : vector<5x128x30xf32> to vector<1x128x30xf32>
    %squeeze3A_2398 = vector.shape_cast %slice3A_2397 : vector<1x128x30xf32> to vector<128x30xf32>
    %dot_general3A_2399 = arith.constant dense<0.000000e+00> : vector<512x30xf32>
    %dot_general3A_2400 = tpu.matmul %concatenate3A_1571, %squeeze3A_2398, %dot_general3A_2399 {dimension_numbers = #tpu.dot_dimension_numbers<[1], [0], [0], [1], [0, 0, 1, 1], [], []>, transpose_lhs_hint = false} : vector<512x128xf32>, vector<128x30xf32>, vector<512x30xf32> -> vector<512x30xf32>
    %slice3A_2401 = vector.extract_strided_slice %dot_general3A_2343 {offsets = [0, 1], sizes = [512, 1], strides = [1, 1]} : vector<512x5xf32> to vector<512x1xf32>
    %slice3A_2402 = vector.extract_strided_slice %dot_general3A_2345 {offsets = [1, 0], sizes = [1, 512], strides = [1, 1]} : vector<5x512xf32> to vector<1x512xf32>
    %convert_element_type3A_2403 = arith.truncf %slice3A_2401 : vector<512x1xf32> to vector<512x1xbf16>
    %convert_element_type3A_2404 = arith.truncf %slice3A_2402 : vector<1x512xf32> to vector<1x512xbf16>
    %add3A_2405 = vector.broadcast %convert_element_type3A_2403 : vector<512x1xbf16> to vector<512x512xbf16>
    %add3A_2406 = vector.broadcast %convert_element_type3A_2404 : vector<1x512xbf16> to vector<512x512xbf16>
    %add3A_2407 = arith.addf %add3A_2405, %add3A_2406 : vector<512x512xbf16>
    %mul3A_2408 = arith.constant 1.000980e-01 : bf16
    %mul3A_2409 = vector.broadcast %mul3A_2408 : bf16 to vector<512x1xbf16>
    %mul3A_2410 = arith.mulf %mul3A_2409, %convert_element_type3A_2403 : vector<512x1xbf16>
    %mul3A_2411 = arith.constant 1.000980e-01 : bf16
    %mul3A_2412 = vector.broadcast %mul3A_2411 : bf16 to vector<1x512xbf16>
    %mul3A_2413 = arith.mulf %mul3A_2412, %convert_element_type3A_2404 : vector<1x512xbf16>
    %add3A_2414 = vector.broadcast %mul3A_2410 : vector<512x1xbf16> to vector<512x512xbf16>
    %add3A_2415 = vector.broadcast %mul3A_2413 : vector<1x512xbf16> to vector<512x512xbf16>
    %add3A_2416 = arith.addf %add3A_2414, %add3A_2415 : vector<512x512xbf16>
    %max3A_2417 = arith.maximumf %add3A_2407, %add3A_2416 : vector<512x512xbf16>
    %exp3A_2418 = math.exp %max3A_2417 : vector<512x512xbf16>
    %mul3A_2419 = arith.mulf %exp3A_2418, %convert_element_type3A_2317 : vector<512x512xbf16>
    %broadcast_in_dim3A_2420 = arith.constant 1.000000e+00 : f32
    %broadcast_in_dim3A_2421 = vector.broadcast %broadcast_in_dim3A_2420 : f32 to vector<512x1xf32>
    %concatenate3A_2422 = tpu.concatenate %dot_general3A_2400, %broadcast_in_dim3A_2421 in 1 : vector<512x30xf32>, vector<512x1xf32> -> vector<512x31xf32>
    %convert_element_type3A_2423 = arith.truncf %concatenate3A_2422 : vector<512x31xf32> to vector<512x31xbf16>
    %dot_general3A_2424 = arith.constant dense<0.000000e+00> : vector<512x31xf32>
    %dot_general3A_2425 = tpu.matmul %mul3A_2419, %convert_element_type3A_2423, %dot_general3A_2424 {dimension_numbers = #tpu.dot_dimension_numbers<[1], [0], [0], [1], [0, 0, 1, 1], [], []>, transpose_lhs_hint = false} : vector<512x512xbf16>, vector<512x31xbf16>, vector<512x31xf32> -> vector<512x31xf32>
    %slice3A_2426 = vector.extract_strided_slice %dot_general3A_2425 {offsets = [0, 30], sizes = [512, 1], strides = [1, 1]} : vector<512x31xf32> to vector<512x1xf32>
    %max3A_2427 = arith.constant 1.000000e-30 : f32
    %max3A_2428 = vector.broadcast %max3A_2427 : f32 to vector<512x1xf32>
    %max3A_2429 = arith.maximumf %slice3A_2426, %max3A_2428 : vector<512x1xf32>
    %integer_pow3A_2430 = arith.constant 1.000000e+00 : f32
    %integer_pow3A_2431 = vector.broadcast %integer_pow3A_2430 : f32 to vector<512x1xf32>
    %integer_pow3A_2432 = arith.divf %integer_pow3A_2431, %max3A_2429 : vector<512x1xf32>
    %slice3A_2433 = vector.extract_strided_slice %dot_general3A_2425 {offsets = [0, 0], sizes = [512, 30], strides = [1, 1]} : vector<512x31xf32> to vector<512x30xf32>
    %mul3A_2434 = vector.broadcast %integer_pow3A_2432 : vector<512x1xf32> to vector<512x30xf32>
    %mul3A_2435 = arith.mulf %slice3A_2433, %mul3A_2434 : vector<512x30xf32>
    %gt3A_2436 = arith.constant 0.000000e+00 : f32
    %gt3A_2437 = vector.broadcast %gt3A_2436 : f32 to vector<512x30xf32>
    %gt3A_2438 = arith.cmpf ogt, %mul3A_2435, %gt3A_2437 : vector<512x30xf32>
    %exp3A_2439 = math.exp %mul3A_2435 : vector<512x30xf32>
    %sub3A_2440 = arith.constant 1.000000e+00 : f32
    %sub3A_2441 = vector.broadcast %sub3A_2440 : f32 to vector<512x30xf32>
    %sub3A_2442 = arith.subf %exp3A_2439, %sub3A_2441 : vector<512x30xf32>
    %select_n3A_2443 = arith.select %gt3A_2438, %mul3A_2435, %sub3A_2442 : vector<512x30xi1>, vector<512x30xf32>
    %slice3A_2444 = vector.extract_strided_slice %get3A_2341 {offsets = [1, 0, 0], sizes = [1, 30, 32], strides = [1, 1, 1]} : vector<5x30x32xf32> to vector<1x30x32xf32>
    %squeeze3A_2445 = vector.shape_cast %slice3A_2444 : vector<1x30x32xf32> to vector<30x32xf32>
    %dot_general3A_2446 = arith.constant dense<0.000000e+00> : vector<512x32xf32>
    %dot_general3A_2447 = tpu.matmul %select_n3A_2443, %squeeze3A_2445, %dot_general3A_2446 {dimension_numbers = #tpu.dot_dimension_numbers<[1], [0], [0], [1], [0, 0, 1, 1], [], []>, transpose_lhs_hint = false} : vector<512x30xf32>, vector<30x32xf32>, vector<512x32xf32> -> vector<512x32xf32>
    %add3A_2448 = arith.addf %dot_general3A_2396, %dot_general3A_2447 : vector<512x32xf32>
    %slice3A_2449 = vector.extract_strided_slice %get3A_2323 {offsets = [2, 0, 0], sizes = [1, 128, 30], strides = [1, 1, 1]} : vector<5x128x30xf32> to vector<1x128x30xf32>
    %squeeze3A_2450 = vector.shape_cast %slice3A_2449 : vector<1x128x30xf32> to vector<128x30xf32>
    %dot_general3A_2451 = arith.constant dense<0.000000e+00> : vector<512x30xf32>
    %dot_general3A_2452 = tpu.matmul %concatenate3A_1571, %squeeze3A_2450, %dot_general3A_2451 {dimension_numbers = #tpu.dot_dimension_numbers<[1], [0], [0], [1], [0, 0, 1, 1], [], []>, transpose_lhs_hint = false} : vector<512x128xf32>, vector<128x30xf32>, vector<512x30xf32> -> vector<512x30xf32>
    %slice3A_2453 = vector.extract_strided_slice %dot_general3A_2343 {offsets = [0, 2], sizes = [512, 1], strides = [1, 1]} : vector<512x5xf32> to vector<512x1xf32>
    %slice3A_2454 = vector.extract_strided_slice %dot_general3A_2345 {offsets = [2, 0], sizes = [1, 512], strides = [1, 1]} : vector<5x512xf32> to vector<1x512xf32>
    %convert_element_type3A_2455 = arith.truncf %slice3A_2453 : vector<512x1xf32> to vector<512x1xbf16>
    %convert_element_type3A_2456 = arith.truncf %slice3A_2454 : vector<1x512xf32> to vector<1x512xbf16>
    %add3A_2457 = vector.broadcast %convert_element_type3A_2455 : vector<512x1xbf16> to vector<512x512xbf16>
    %add3A_2458 = vector.broadcast %convert_element_type3A_2456 : vector<1x512xbf16> to vector<512x512xbf16>
    %add3A_2459 = arith.addf %add3A_2457, %add3A_2458 : vector<512x512xbf16>
    %mul3A_2460 = arith.constant 1.000980e-01 : bf16
    %mul3A_2461 = vector.broadcast %mul3A_2460 : bf16 to vector<512x1xbf16>
    %mul3A_2462 = arith.mulf %mul3A_2461, %convert_element_type3A_2455 : vector<512x1xbf16>
    %mul3A_2463 = arith.constant 1.000980e-01 : bf16
    %mul3A_2464 = vector.broadcast %mul3A_2463 : bf16 to vector<1x512xbf16>
    %mul3A_2465 = arith.mulf %mul3A_2464, %convert_element_type3A_2456 : vector<1x512xbf16>
    %add3A_2466 = vector.broadcast %mul3A_2462 : vector<512x1xbf16> to vector<512x512xbf16>
    %add3A_2467 = vector.broadcast %mul3A_2465 : vector<1x512xbf16> to vector<512x512xbf16>
    %add3A_2468 = arith.addf %add3A_2466, %add3A_2467 : vector<512x512xbf16>
    %max3A_2469 = arith.maximumf %add3A_2459, %add3A_2468 : vector<512x512xbf16>
    %exp3A_2470 = math.exp %max3A_2469 : vector<512x512xbf16>
    %mul3A_2471 = arith.mulf %exp3A_2470, %convert_element_type3A_2317 : vector<512x512xbf16>
    %broadcast_in_dim3A_2472 = arith.constant 1.000000e+00 : f32
    %broadcast_in_dim3A_2473 = vector.broadcast %broadcast_in_dim3A_2472 : f32 to vector<512x1xf32>
    %concatenate3A_2474 = tpu.concatenate %dot_general3A_2452, %broadcast_in_dim3A_2473 in 1 : vector<512x30xf32>, vector<512x1xf32> -> vector<512x31xf32>
    %convert_element_type3A_2475 = arith.truncf %concatenate3A_2474 : vector<512x31xf32> to vector<512x31xbf16>
    %dot_general3A_2476 = arith.constant dense<0.000000e+00> : vector<512x31xf32>
    %dot_general3A_2477 = tpu.matmul %mul3A_2471, %convert_element_type3A_2475, %dot_general3A_2476 {dimension_numbers = #tpu.dot_dimension_numbers<[1], [0], [0], [1], [0, 0, 1, 1], [], []>, transpose_lhs_hint = false} : vector<512x512xbf16>, vector<512x31xbf16>, vector<512x31xf32> -> vector<512x31xf32>
    %slice3A_2478 = vector.extract_strided_slice %dot_general3A_2477 {offsets = [0, 30], sizes = [512, 1], strides = [1, 1]} : vector<512x31xf32> to vector<512x1xf32>
    %max3A_2479 = arith.constant 1.000000e-30 : f32
    %max3A_2480 = vector.broadcast %max3A_2479 : f32 to vector<512x1xf32>
    %max3A_2481 = arith.maximumf %slice3A_2478, %max3A_2480 : vector<512x1xf32>
    %integer_pow3A_2482 = arith.constant 1.000000e+00 : f32
    %integer_pow3A_2483 = vector.broadcast %integer_pow3A_2482 : f32 to vector<512x1xf32>
    %integer_pow3A_2484 = arith.divf %integer_pow3A_2483, %max3A_2481 : vector<512x1xf32>
    %slice3A_2485 = vector.extract_strided_slice %dot_general3A_2477 {offsets = [0, 0], sizes = [512, 30], strides = [1, 1]} : vector<512x31xf32> to vector<512x30xf32>
    %mul3A_2486 = vector.broadcast %integer_pow3A_2484 : vector<512x1xf32> to vector<512x30xf32>
    %mul3A_2487 = arith.mulf %slice3A_2485, %mul3A_2486 : vector<512x30xf32>
    %gt3A_2488 = arith.constant 0.000000e+00 : f32
    %gt3A_2489 = vector.broadcast %gt3A_2488 : f32 to vector<512x30xf32>
    %gt3A_2490 = arith.cmpf ogt, %mul3A_2487, %gt3A_2489 : vector<512x30xf32>
    %exp3A_2491 = math.exp %mul3A_2487 : vector<512x30xf32>
    %sub3A_2492 = arith.constant 1.000000e+00 : f32
    %sub3A_2493 = vector.broadcast %sub3A_2492 : f32 to vector<512x30xf32>
    %sub3A_2494 = arith.subf %exp3A_2491, %sub3A_2493 : vector<512x30xf32>
    %select_n3A_2495 = arith.select %gt3A_2490, %mul3A_2487, %sub3A_2494 : vector<512x30xi1>, vector<512x30xf32>
    %slice3A_2496 = vector.extract_strided_slice %get3A_2341 {offsets = [2, 0, 0], sizes = [1, 30, 32], strides = [1, 1, 1]} : vector<5x30x32xf32> to vector<1x30x32xf32>
    %squeeze3A_2497 = vector.shape_cast %slice3A_2496 : vector<1x30x32xf32> to vector<30x32xf32>
    %dot_general3A_2498 = arith.constant dense<0.000000e+00> : vector<512x32xf32>
    %dot_general3A_2499 = tpu.matmul %select_n3A_2495, %squeeze3A_2497, %dot_general3A_2498 {dimension_numbers = #tpu.dot_dimension_numbers<[1], [0], [0], [1], [0, 0, 1, 1], [], []>, transpose_lhs_hint = false} : vector<512x30xf32>, vector<30x32xf32>, vector<512x32xf32> -> vector<512x32xf32>
    %add3A_2500 = arith.addf %add3A_2448, %dot_general3A_2499 : vector<512x32xf32>
    %slice3A_2501 = vector.extract_strided_slice %get3A_2323 {offsets = [3, 0, 0], sizes = [1, 128, 30], strides = [1, 1, 1]} : vector<5x128x30xf32> to vector<1x128x30xf32>
    %squeeze3A_2502 = vector.shape_cast %slice3A_2501 : vector<1x128x30xf32> to vector<128x30xf32>
    %dot_general3A_2503 = arith.constant dense<0.000000e+00> : vector<512x30xf32>
    %dot_general3A_2504 = tpu.matmul %concatenate3A_1571, %squeeze3A_2502, %dot_general3A_2503 {dimension_numbers = #tpu.dot_dimension_numbers<[1], [0], [0], [1], [0, 0, 1, 1], [], []>, transpose_lhs_hint = false} : vector<512x128xf32>, vector<128x30xf32>, vector<512x30xf32> -> vector<512x30xf32>
    %slice3A_2505 = vector.extract_strided_slice %dot_general3A_2343 {offsets = [0, 3], sizes = [512, 1], strides = [1, 1]} : vector<512x5xf32> to vector<512x1xf32>
    %slice3A_2506 = vector.extract_strided_slice %dot_general3A_2345 {offsets = [3, 0], sizes = [1, 512], strides = [1, 1]} : vector<5x512xf32> to vector<1x512xf32>
    %convert_element_type3A_2507 = arith.truncf %slice3A_2505 : vector<512x1xf32> to vector<512x1xbf16>
    %convert_element_type3A_2508 = arith.truncf %slice3A_2506 : vector<1x512xf32> to vector<1x512xbf16>
    %add3A_2509 = vector.broadcast %convert_element_type3A_2507 : vector<512x1xbf16> to vector<512x512xbf16>
    %add3A_2510 = vector.broadcast %convert_element_type3A_2508 : vector<1x512xbf16> to vector<512x512xbf16>
    %add3A_2511 = arith.addf %add3A_2509, %add3A_2510 : vector<512x512xbf16>
    %mul3A_2512 = arith.constant 1.000980e-01 : bf16
    %mul3A_2513 = vector.broadcast %mul3A_2512 : bf16 to vector<512x1xbf16>
    %mul3A_2514 = arith.mulf %mul3A_2513, %convert_element_type3A_2507 : vector<512x1xbf16>
    %mul3A_2515 = arith.constant 1.000980e-01 : bf16
    %mul3A_2516 = vector.broadcast %mul3A_2515 : bf16 to vector<1x512xbf16>
    %mul3A_2517 = arith.mulf %mul3A_2516, %convert_element_type3A_2508 : vector<1x512xbf16>
    %add3A_2518 = vector.broadcast %mul3A_2514 : vector<512x1xbf16> to vector<512x512xbf16>
    %add3A_2519 = vector.broadcast %mul3A_2517 : vector<1x512xbf16> to vector<512x512xbf16>
    %add3A_2520 = arith.addf %add3A_2518, %add3A_2519 : vector<512x512xbf16>
    %max3A_2521 = arith.maximumf %add3A_2511, %add3A_2520 : vector<512x512xbf16>
    %exp3A_2522 = math.exp %max3A_2521 : vector<512x512xbf16>
    %mul3A_2523 = arith.mulf %exp3A_2522, %convert_element_type3A_2317 : vector<512x512xbf16>
    %broadcast_in_dim3A_2524 = arith.constant 1.000000e+00 : f32
    %broadcast_in_dim3A_2525 = vector.broadcast %broadcast_in_dim3A_2524 : f32 to vector<512x1xf32>
    %concatenate3A_2526 = tpu.concatenate %dot_general3A_2504, %broadcast_in_dim3A_2525 in 1 : vector<512x30xf32>, vector<512x1xf32> -> vector<512x31xf32>
    %convert_element_type3A_2527 = arith.truncf %concatenate3A_2526 : vector<512x31xf32> to vector<512x31xbf16>
    %dot_general3A_2528 = arith.constant dense<0.000000e+00> : vector<512x31xf32>
    %dot_general3A_2529 = tpu.matmul %mul3A_2523, %convert_element_type3A_2527, %dot_general3A_2528 {dimension_numbers = #tpu.dot_dimension_numbers<[1], [0], [0], [1], [0, 0, 1, 1], [], []>, transpose_lhs_hint = false} : vector<512x512xbf16>, vector<512x31xbf16>, vector<512x31xf32> -> vector<512x31xf32>
    %slice3A_2530 = vector.extract_strided_slice %dot_general3A_2529 {offsets = [0, 30], sizes = [512, 1], strides = [1, 1]} : vector<512x31xf32> to vector<512x1xf32>
    %max3A_2531 = arith.constant 1.000000e-30 : f32
    %max3A_2532 = vector.broadcast %max3A_2531 : f32 to vector<512x1xf32>
    %max3A_2533 = arith.maximumf %slice3A_2530, %max3A_2532 : vector<512x1xf32>
    %integer_pow3A_2534 = arith.constant 1.000000e+00 : f32
    %integer_pow3A_2535 = vector.broadcast %integer_pow3A_2534 : f32 to vector<512x1xf32>
    %integer_pow3A_2536 = arith.divf %integer_pow3A_2535, %max3A_2533 : vector<512x1xf32>
    %slice3A_2537 = vector.extract_strided_slice %dot_general3A_2529 {offsets = [0, 0], sizes = [512, 30], strides = [1, 1]} : vector<512x31xf32> to vector<512x30xf32>
    %mul3A_2538 = vector.broadcast %integer_pow3A_2536 : vector<512x1xf32> to vector<512x30xf32>
    %mul3A_2539 = arith.mulf %slice3A_2537, %mul3A_2538 : vector<512x30xf32>
    %gt3A_2540 = arith.constant 0.000000e+00 : f32
    %gt3A_2541 = vector.broadcast %gt3A_2540 : f32 to vector<512x30xf32>
    %gt3A_2542 = arith.cmpf ogt, %mul3A_2539, %gt3A_2541 : vector<512x30xf32>
    %exp3A_2543 = math.exp %mul3A_2539 : vector<512x30xf32>
    %sub3A_2544 = arith.constant 1.000000e+00 : f32
    %sub3A_2545 = vector.broadcast %sub3A_2544 : f32 to vector<512x30xf32>
    %sub3A_2546 = arith.subf %exp3A_2543, %sub3A_2545 : vector<512x30xf32>
    %select_n3A_2547 = arith.select %gt3A_2542, %mul3A_2539, %sub3A_2546 : vector<512x30xi1>, vector<512x30xf32>
    %slice3A_2548 = vector.extract_strided_slice %get3A_2341 {offsets = [3, 0, 0], sizes = [1, 30, 32], strides = [1, 1, 1]} : vector<5x30x32xf32> to vector<1x30x32xf32>
    %squeeze3A_2549 = vector.shape_cast %slice3A_2548 : vector<1x30x32xf32> to vector<30x32xf32>
    %dot_general3A_2550 = arith.constant dense<0.000000e+00> : vector<512x32xf32>
    %dot_general3A_2551 = tpu.matmul %select_n3A_2547, %squeeze3A_2549, %dot_general3A_2550 {dimension_numbers = #tpu.dot_dimension_numbers<[1], [0], [0], [1], [0, 0, 1, 1], [], []>, transpose_lhs_hint = false} : vector<512x30xf32>, vector<30x32xf32>, vector<512x32xf32> -> vector<512x32xf32>
    %add3A_2552 = arith.addf %add3A_2500, %dot_general3A_2551 : vector<512x32xf32>
    %slice3A_2553 = vector.extract_strided_slice %get3A_2323 {offsets = [4, 0, 0], sizes = [1, 128, 30], strides = [1, 1, 1]} : vector<5x128x30xf32> to vector<1x128x30xf32>
    %squeeze3A_2554 = vector.shape_cast %slice3A_2553 : vector<1x128x30xf32> to vector<128x30xf32>
    %dot_general3A_2555 = arith.constant dense<0.000000e+00> : vector<512x30xf32>
    %dot_general3A_2556 = tpu.matmul %concatenate3A_1571, %squeeze3A_2554, %dot_general3A_2555 {dimension_numbers = #tpu.dot_dimension_numbers<[1], [0], [0], [1], [0, 0, 1, 1], [], []>, transpose_lhs_hint = false} : vector<512x128xf32>, vector<128x30xf32>, vector<512x30xf32> -> vector<512x30xf32>
    %slice3A_2557 = vector.extract_strided_slice %dot_general3A_2343 {offsets = [0, 4], sizes = [512, 1], strides = [1, 1]} : vector<512x5xf32> to vector<512x1xf32>
    %slice3A_2558 = vector.extract_strided_slice %dot_general3A_2345 {offsets = [4, 0], sizes = [1, 512], strides = [1, 1]} : vector<5x512xf32> to vector<1x512xf32>
    %convert_element_type3A_2559 = arith.truncf %slice3A_2557 : vector<512x1xf32> to vector<512x1xbf16>
    %convert_element_type3A_2560 = arith.truncf %slice3A_2558 : vector<1x512xf32> to vector<1x512xbf16>
    %add3A_2561 = vector.broadcast %convert_element_type3A_2559 : vector<512x1xbf16> to vector<512x512xbf16>
    %add3A_2562 = vector.broadcast %convert_element_type3A_2560 : vector<1x512xbf16> to vector<512x512xbf16>
    %add3A_2563 = arith.addf %add3A_2561, %add3A_2562 : vector<512x512xbf16>
    %mul3A_2564 = arith.constant 1.000980e-01 : bf16
    %mul3A_2565 = vector.broadcast %mul3A_2564 : bf16 to vector<512x1xbf16>
    %mul3A_2566 = arith.mulf %mul3A_2565, %convert_element_type3A_2559 : vector<512x1xbf16>
    %mul3A_2567 = arith.constant 1.000980e-01 : bf16
    %mul3A_2568 = vector.broadcast %mul3A_2567 : bf16 to vector<1x512xbf16>
    %mul3A_2569 = arith.mulf %mul3A_2568, %convert_element_type3A_2560 : vector<1x512xbf16>
    %add3A_2570 = vector.broadcast %mul3A_2566 : vector<512x1xbf16> to vector<512x512xbf16>
    %add3A_2571 = vector.broadcast %mul3A_2569 : vector<1x512xbf16> to vector<512x512xbf16>
    %add3A_2572 = arith.addf %add3A_2570, %add3A_2571 : vector<512x512xbf16>
    %max3A_2573 = arith.maximumf %add3A_2563, %add3A_2572 : vector<512x512xbf16>
    %exp3A_2574 = math.exp %max3A_2573 : vector<512x512xbf16>
    %mul3A_2575 = arith.mulf %exp3A_2574, %convert_element_type3A_2317 : vector<512x512xbf16>
    %broadcast_in_dim3A_2576 = arith.constant 1.000000e+00 : f32
    %broadcast_in_dim3A_2577 = vector.broadcast %broadcast_in_dim3A_2576 : f32 to vector<512x1xf32>
    %concatenate3A_2578 = tpu.concatenate %dot_general3A_2556, %broadcast_in_dim3A_2577 in 1 : vector<512x30xf32>, vector<512x1xf32> -> vector<512x31xf32>
    %convert_element_type3A_2579 = arith.truncf %concatenate3A_2578 : vector<512x31xf32> to vector<512x31xbf16>
    %dot_general3A_2580 = arith.constant dense<0.000000e+00> : vector<512x31xf32>
    %dot_general3A_2581 = tpu.matmul %mul3A_2575, %convert_element_type3A_2579, %dot_general3A_2580 {dimension_numbers = #tpu.dot_dimension_numbers<[1], [0], [0], [1], [0, 0, 1, 1], [], []>, transpose_lhs_hint = false} : vector<512x512xbf16>, vector<512x31xbf16>, vector<512x31xf32> -> vector<512x31xf32>
    %slice3A_2582 = vector.extract_strided_slice %dot_general3A_2581 {offsets = [0, 30], sizes = [512, 1], strides = [1, 1]} : vector<512x31xf32> to vector<512x1xf32>
    %max3A_2583 = arith.constant 1.000000e-30 : f32
    %max3A_2584 = vector.broadcast %max3A_2583 : f32 to vector<512x1xf32>
    %max3A_2585 = arith.maximumf %slice3A_2582, %max3A_2584 : vector<512x1xf32>
    %integer_pow3A_2586 = arith.constant 1.000000e+00 : f32
    %integer_pow3A_2587 = vector.broadcast %integer_pow3A_2586 : f32 to vector<512x1xf32>
    %integer_pow3A_2588 = arith.divf %integer_pow3A_2587, %max3A_2585 : vector<512x1xf32>
    %slice3A_2589 = vector.extract_strided_slice %dot_general3A_2581 {offsets = [0, 0], sizes = [512, 30], strides = [1, 1]} : vector<512x31xf32> to vector<512x30xf32>
    %mul3A_2590 = vector.broadcast %integer_pow3A_2588 : vector<512x1xf32> to vector<512x30xf32>
    %mul3A_2591 = arith.mulf %slice3A_2589, %mul3A_2590 : vector<512x30xf32>
    %gt3A_2592 = arith.constant 0.000000e+00 : f32
    %gt3A_2593 = vector.broadcast %gt3A_2592 : f32 to vector<512x30xf32>
    %gt3A_2594 = arith.cmpf ogt, %mul3A_2591, %gt3A_2593 : vector<512x30xf32>
    %exp3A_2595 = math.exp %mul3A_2591 : vector<512x30xf32>
    %sub3A_2596 = arith.constant 1.000000e+00 : f32
    %sub3A_2597 = vector.broadcast %sub3A_2596 : f32 to vector<512x30xf32>
    %sub3A_2598 = arith.subf %exp3A_2595, %sub3A_2597 : vector<512x30xf32>
    %select_n3A_2599 = arith.select %gt3A_2594, %mul3A_2591, %sub3A_2598 : vector<512x30xi1>, vector<512x30xf32>
    %slice3A_2600 = vector.extract_strided_slice %get3A_2341 {offsets = [4, 0, 0], sizes = [1, 30, 32], strides = [1, 1, 1]} : vector<5x30x32xf32> to vector<1x30x32xf32>
    %squeeze3A_2601 = vector.shape_cast %slice3A_2600 : vector<1x30x32xf32> to vector<30x32xf32>
    %dot_general3A_2602 = arith.constant dense<0.000000e+00> : vector<512x32xf32>
    %dot_general3A_2603 = tpu.matmul %select_n3A_2599, %squeeze3A_2601, %dot_general3A_2602 {dimension_numbers = #tpu.dot_dimension_numbers<[1], [0], [0], [1], [0, 0, 1, 1], [], []>, transpose_lhs_hint = false} : vector<512x30xf32>, vector<30x32xf32>, vector<512x32xf32> -> vector<512x32xf32>
    %add3A_2604 = arith.addf %add3A_2552, %dot_general3A_2603 : vector<512x32xf32>
    %get3A_2605 = arith.constant 2 : index
    %get3A_2606 = arith.constant 0 : index
    %get3A_2607 = arith.constant 0 : index
    %get3A_2608 = vector.load %arg17[%get3A_2605, %get3A_2606, %get3A_2607] : memref<3x1x32xf32, #tpu.memory_space<vmem>>, vector<1x1x32xf32>
    %get3A_2609 = vector.shape_cast %get3A_2608 : vector<1x1x32xf32> to vector<1x32xf32>
    %dot_general3A_2610 = arith.constant dense<0.000000e+00> : vector<512x1xf32>
    %dot_general3A_2611 = tpu.matmul %add3A_2604, %get3A_2609, %dot_general3A_2610 {dimension_numbers = #tpu.dot_dimension_numbers<[1], [1], [0], [0], [0, 0, 1, 0], [], []>, transpose_lhs_hint = false} : vector<512x32xf32>, vector<1x32xf32>, vector<512x1xf32> -> vector<512x1xf32>
    %get3A_2612 = arith.constant 2 : index
    %get3A_2613 = arith.constant 0 : index
    %get3A_2614 = arith.constant 0 : index
    %get3A_2615 = vector.load %arg18[%get3A_2612, %get3A_2613, %get3A_2614] : memref<3x1x32xf32, #tpu.memory_space<vmem>>, vector<1x1x32xf32>
    %get3A_2616 = vector.shape_cast %get3A_2615 : vector<1x1x32xf32> to vector<1x32xf32>
    %dot_general3A_2617 = arith.constant dense<0.000000e+00> : vector<1x512xf32>
    %dot_general3A_2618 = tpu.matmul %get3A_2616, %add3A_2604, %dot_general3A_2617 {dimension_numbers = #tpu.dot_dimension_numbers<[1], [1], [0], [0], [0, 0, 1, 0], [], []>, transpose_lhs_hint = false} : vector<1x32xf32>, vector<512x32xf32>, vector<1x512xf32> -> vector<1x512xf32>
    %convert_element_type3A_2619 = arith.truncf %dot_general3A_2611 : vector<512x1xf32> to vector<512x1xbf16>
    %convert_element_type3A_2620 = arith.truncf %dot_general3A_2618 : vector<1x512xf32> to vector<1x512xbf16>
    %add3A_2621 = vector.broadcast %convert_element_type3A_2619 : vector<512x1xbf16> to vector<512x512xbf16>
    %add3A_2622 = vector.broadcast %convert_element_type3A_2620 : vector<1x512xbf16> to vector<512x512xbf16>
    %add3A_2623 = arith.addf %add3A_2621, %add3A_2622 : vector<512x512xbf16>
    %mul3A_2624 = arith.constant 1.000980e-01 : bf16
    %mul3A_2625 = vector.broadcast %mul3A_2624 : bf16 to vector<512x1xbf16>
    %mul3A_2626 = arith.mulf %mul3A_2625, %convert_element_type3A_2619 : vector<512x1xbf16>
    %mul3A_2627 = arith.constant 1.000980e-01 : bf16
    %mul3A_2628 = vector.broadcast %mul3A_2627 : bf16 to vector<1x512xbf16>
    %mul3A_2629 = arith.mulf %mul3A_2628, %convert_element_type3A_2620 : vector<1x512xbf16>
    %add3A_2630 = vector.broadcast %mul3A_2626 : vector<512x1xbf16> to vector<512x512xbf16>
    %add3A_2631 = vector.broadcast %mul3A_2629 : vector<1x512xbf16> to vector<512x512xbf16>
    %add3A_2632 = arith.addf %add3A_2630, %add3A_2631 : vector<512x512xbf16>
    %max3A_2633 = arith.maximumf %add3A_2623, %add3A_2632 : vector<512x512xbf16>
    %exp3A_2634 = math.exp %max3A_2633 : vector<512x512xbf16>
    %mul3A_2635 = arith.mulf %exp3A_2634, %convert_element_type3A_2317 : vector<512x512xbf16>
    %broadcast_in_dim3A_2636 = arith.constant 1.000000e+00 : f32
    %broadcast_in_dim3A_2637 = vector.broadcast %broadcast_in_dim3A_2636 : f32 to vector<512x1xf32>
    %concatenate3A_2638 = tpu.concatenate %add3A_2604, %broadcast_in_dim3A_2637 in 1 : vector<512x32xf32>, vector<512x1xf32> -> vector<512x33xf32>
    %convert_element_type3A_2639 = arith.truncf %concatenate3A_2638 : vector<512x33xf32> to vector<512x33xbf16>
    %dot_general3A_2640 = arith.constant dense<0.000000e+00> : vector<512x33xf32>
    %dot_general3A_2641 = tpu.matmul %mul3A_2635, %convert_element_type3A_2639, %dot_general3A_2640 {dimension_numbers = #tpu.dot_dimension_numbers<[1], [0], [0], [1], [0, 0, 1, 1], [], []>, transpose_lhs_hint = false} : vector<512x512xbf16>, vector<512x33xbf16>, vector<512x33xf32> -> vector<512x33xf32>
    %slice3A_2642 = vector.extract_strided_slice %dot_general3A_2641 {offsets = [0, 32], sizes = [512, 1], strides = [1, 1]} : vector<512x33xf32> to vector<512x1xf32>
    %max3A_2643 = arith.constant 1.000000e-30 : f32
    %max3A_2644 = vector.broadcast %max3A_2643 : f32 to vector<512x1xf32>
    %max3A_2645 = arith.maximumf %slice3A_2642, %max3A_2644 : vector<512x1xf32>
    %integer_pow3A_2646 = arith.constant 1.000000e+00 : f32
    %integer_pow3A_2647 = vector.broadcast %integer_pow3A_2646 : f32 to vector<512x1xf32>
    %integer_pow3A_2648 = arith.divf %integer_pow3A_2647, %max3A_2645 : vector<512x1xf32>
    %slice3A_2649 = vector.extract_strided_slice %dot_general3A_2641 {offsets = [0, 0], sizes = [512, 32], strides = [1, 1]} : vector<512x33xf32> to vector<512x32xf32>
    %mul3A_2650 = vector.broadcast %integer_pow3A_2648 : vector<512x1xf32> to vector<512x32xf32>
    %mul3A_2651 = arith.mulf %slice3A_2649, %mul3A_2650 : vector<512x32xf32>
    %gt3A_2652 = arith.constant 0.000000e+00 : f32
    %gt3A_2653 = vector.broadcast %gt3A_2652 : f32 to vector<512x32xf32>
    %gt3A_2654 = arith.cmpf ogt, %mul3A_2651, %gt3A_2653 : vector<512x32xf32>
    %exp3A_2655 = math.exp %mul3A_2651 : vector<512x32xf32>
    %sub3A_2656 = arith.constant 1.000000e+00 : f32
    %sub3A_2657 = vector.broadcast %sub3A_2656 : f32 to vector<512x32xf32>
    %sub3A_2658 = arith.subf %exp3A_2655, %sub3A_2657 : vector<512x32xf32>
    %select_n3A_2659 = arith.select %gt3A_2654, %mul3A_2651, %sub3A_2658 : vector<512x32xi1>, vector<512x32xf32>
    %get3A_2660 = arith.constant 0 : index
    %get3A_2661 = arith.constant 3 : index
    %get3A_2662 = vector.load %arg19[%get3A_2660, %get3A_2661] : memref<1x4xf32, #tpu.memory_space<vmem>>, vector<1x1xf32>
    %slice3A_2663 = vector.extract_strided_slice %select_n3A_2659 {offsets = [0, 0], sizes = [400, 32], strides = [1, 1]} : vector<512x32xf32> to vector<400x32xf32>
    %mul3A_2664 = vector.broadcast %get3A_2662 : vector<1x1xf32> to vector<400x32xf32>
    %mul3A_2665 = arith.mulf %mul3A_2664, %slice3A_2663 : vector<400x32xf32>
    %add3A_2666 = arith.addf %add3A_2306, %mul3A_2665 : vector<400x32xf32>
    %swap3A_2667 = arith.constant 1 : index
    %swap3A_2668 = arith.constant 0 : index
    %swap3A_2669 = arith.constant 0 : index
    %swap3A_2670 = vector.load %arg20[%swap3A_2667, %swap3A_2668, %swap3A_2669] : memref<2x400x32xf32, #tpu.memory_space<vmem>>, vector<1x400x32xf32>
    %swap3A_2671 = vector.shape_cast %swap3A_2670 : vector<1x400x32xf32> to vector<400x32xf32>
    %swap3A_2672 = vector.shape_cast %add3A_2666 : vector<400x32xf32> to vector<1x400x32xf32>
    tpu.vector_store %arg20[%swap3A_2667, %swap3A_2668, %swap3A_2669], %swap3A_2672 {strides = array<i32>} : memref<2x400x32xf32, #tpu.memory_space<vmem>>, vector<1x400x32xf32>,
    return
  }
  func.func @transform_0(%arg0: i32) -> (i32, i32) {
    %c0_i32 = arith.constant 0 : i32
    %c0_i32_0 = arith.constant 0 : i32
    return %arg0, %c0_i32 : i32, i32
  }
  func.func @transform_1(%arg0: i32) -> (i32, i32) {
    %c0_i32 = arith.constant 0 : i32
    %c0_i32_0 = arith.constant 0 : i32
    return %arg0, %c0_i32 : i32, i32
  }
  func.func @transform_2(%arg0: i32) -> (i32, i32, i32) {
    %c0_i32 = arith.constant 0 : i32
    %c0_i32_0 = arith.constant 0 : i32
    %c0_i32_1 = arith.constant 0 : i32
    return %arg0, %c0_i32, %c0_i32_0 : i32, i32, i32
  }
  func.func @transform_3(%arg0: i32) -> (i32, i32, i32) {
    %c0_i32 = arith.constant 0 : i32
    %c0_i32_0 = arith.constant 0 : i32
    %c0_i32_1 = arith.constant 0 : i32
    return %arg0, %c0_i32, %c0_i32_0 : i32, i32, i32
  }
  func.func @transform_4(%arg0: i32) -> (i32, i32, i32) {
    %c0_i32 = arith.constant 0 : i32
    %c0_i32_0 = arith.constant 0 : i32
    %c0_i32_1 = arith.constant 0 : i32
    return %arg0, %c0_i32, %c0_i32_0 : i32, i32, i32
  }
  func.func @transform_5(%arg0: i32) -> (i32, i32) {
    %c0_i32 = arith.constant 0 : i32
    %c0_i32_0 = arith.constant 0 : i32
    %c0_i32_1 = arith.constant 0 : i32
    return %c0_i32, %c0_i32_0 : i32, i32
  }
  func.func @transform_6(%arg0: i32) -> (i32, i32) {
    %c0_i32 = arith.constant 0 : i32
    %c0_i32_0 = arith.constant 0 : i32
    %c0_i32_1 = arith.constant 0 : i32
    return %c0_i32, %c0_i32_0 : i32, i32
  }
  func.func @transform_7(%arg0: i32) -> (i32, i32, i32, i32) {
    %c0_i32 = arith.constant 0 : i32
    %c0_i32_0 = arith.constant 0 : i32
    %c0_i32_1 = arith.constant 0 : i32
    %c0_i32_2 = arith.constant 0 : i32
    %c0_i32_3 = arith.constant 0 : i32
    return %c0_i32, %c0_i32_0, %c0_i32_1, %c0_i32_2 : i32, i32, i32, i32
  }
  func.func @transform_8(%arg0: i32) -> (i32, i32, i32) {
    %c0_i32 = arith.constant 0 : i32
    %c0_i32_0 = arith.constant 0 : i32
    %c0_i32_1 = arith.constant 0 : i32
    %c0_i32_2 = arith.constant 0 : i32
    return %c0_i32, %c0_i32_0, %c0_i32_1 : i32, i32, i32
  }
  func.func @transform_9(%arg0: i32) -> (i32, i32, i32) {
    %c0_i32 = arith.constant 0 : i32
    %c0_i32_0 = arith.constant 0 : i32
    %c0_i32_1 = arith.constant 0 : i32
    %c0_i32_2 = arith.constant 0 : i32
    return %c0_i32, %c0_i32_0, %c0_i32_1 : i32, i32, i32
  }
  func.func @transform_10(%arg0: i32) -> (i32, i32, i32) {
    %c0_i32 = arith.constant 0 : i32
    %c0_i32_0 = arith.constant 0 : i32
    %c0_i32_1 = arith.constant 0 : i32
    %c0_i32_2 = arith.constant 0 : i32
    return %c0_i32, %c0_i32_0, %c0_i32_1 : i32, i32, i32
  }
  func.func @transform_11(%arg0: i32) -> (i32, i32) {
    %c0_i32 = arith.constant 0 : i32
    %c0_i32_0 = arith.constant 0 : i32
    %c0_i32_1 = arith.constant 0 : i32
    return %c0_i32, %c0_i32_0 : i32, i32
  }
  func.func @transform_12(%arg0: i32) -> (i32, i32) {
    %c0_i32 = arith.constant 0 : i32
    %c0_i32_0 = arith.constant 0 : i32
    %c0_i32_1 = arith.constant 0 : i32
    return %c0_i32, %c0_i32_0 : i32, i32
  }
  func.func @transform_13(%arg0: i32) -> (i32, i32, i32, i32) {
    %c0_i32 = arith.constant 0 : i32
    %c0_i32_0 = arith.constant 0 : i32
    %c0_i32_1 = arith.constant 0 : i32
    %c0_i32_2 = arith.constant 0 : i32
    %c0_i32_3 = arith.constant 0 : i32
    return %c0_i32, %c0_i32_0, %c0_i32_1, %c0_i32_2 : i32, i32, i32, i32
  }
  func.func @transform_14(%arg0: i32) -> (i32, i32, i32, i32) {
    %c0_i32 = arith.constant 0 : i32
    %c0_i32_0 = arith.constant 0 : i32
    %c0_i32_1 = arith.constant 0 : i32
    %c0_i32_2 = arith.constant 0 : i32
    %c0_i32_3 = arith.constant 0 : i32
    return %c0_i32, %c0_i32_0, %c0_i32_1, %c0_i32_2 : i32, i32, i32, i32
  }
  func.func @transform_15(%arg0: i32) -> (i32, i32, i32, i32) {
    %c0_i32 = arith.constant 0 : i32
    %c0_i32_0 = arith.constant 0 : i32
    %c0_i32_1 = arith.constant 0 : i32
    %c0_i32_2 = arith.constant 0 : i32
    %c0_i32_3 = arith.constant 0 : i32
    return %c0_i32, %c0_i32_0, %c0_i32_1, %c0_i32_2 : i32, i32, i32, i32
  }
  func.func @transform_16(%arg0: i32) -> (i32, i32, i32) {
    %c0_i32 = arith.constant 0 : i32
    %c0_i32_0 = arith.constant 0 : i32
    %c0_i32_1 = arith.constant 0 : i32
    %c0_i32_2 = arith.constant 0 : i32
    return %c0_i32, %c0_i32_0, %c0_i32_1 : i32, i32, i32
  }
  func.func @transform_17(%arg0: i32) -> (i32, i32, i32) {
    %c0_i32 = arith.constant 0 : i32
    %c0_i32_0 = arith.constant 0 : i32
    %c0_i32_1 = arith.constant 0 : i32
    %c0_i32_2 = arith.constant 0 : i32
    return %c0_i32, %c0_i32_0, %c0_i32_1 : i32, i32, i32
  }
  func.func @transform_18(%arg0: i32) -> (i32, i32) {
    %c0_i32 = arith.constant 0 : i32
    %c0_i32_0 = arith.constant 0 : i32
    %c0_i32_1 = arith.constant 0 : i32
    return %c0_i32, %c0_i32_0 : i32, i32
  }
  func.func @transform_19(%arg0: i32) -> (i32, i32, i32) {
    %c0_i32 = arith.constant 0 : i32
    %c0_i32_0 = arith.constant 0 : i32
    %c0_i32_1 = arith.constant 0 : i32
    return %arg0, %c0_i32, %c0_i32_0 : i32, i32, i32
  }
}

</mosaic_0001>

<sc_bundles>
// kernel: kernel.4.cloned.1.call-start
scs
__scs_entry_jumppad:
0x0: {  	(pc) =	sbr.rel $0x88, $3  }
0x1: {  	(tag) =	ssettag $0x0;
	lr =	simm.s32 $0x1  }
0x2: {  	[smem:$0x3F8D] =	sst lr;
	_ =	strace $0xD0000000  }
0x3: {  	_ = 	snop  }
0x4: {  	_ = 	snop  }
0x5: {  	_ = 	snop  }
0x6: {  	_ = 	snop  }
0x7: {  	_ = 	snop  }
__scs_overlays_trampoline_lowered:
0x8: {  	[smem:$0x3F9C] =	sst s0  }
0x9: {  	[smem:$0x3F9D] =	sst s1  }
0xa: {  	[smem:$0x3F9E] =	sst s2  }
0xb: {  	[smem:$0x3F9F] =	sst s3  }
0xc: {  	[smem:$0x3FA0] =	sst s4  }
0xd: {  	[smem:$0x3FA1] =	sst s5  }
0xe: {  	[smem:$0x3FA2] =	sst s6  }
0xf: {  	[smem:$0x3FA3] =	sst s7  }
0x10: {  	[smem:$0x3FA4] =	sst s8  }
0x11: {  	[smem:$0x3FA5] =	sst s9;
	s0 =	simm.s32 @!p0 $0x0  }
0x12: {  	s1 =	sld [smem:$0x3F8B];
	s0 =	simm.s32 @p0 $0x1  }
0x13: {  	[smem:$0x3FA6] =	sst s0;
	s0 =	simm.s32 @!p1 $0x0  }
0x14: {  	s2 =	sld [smem:$0x3F8A];
	s0 =	simm.s32 @p1 $0x1  }
0x15: {  	[smem:$0x3FA7] =	sst s0;
	s0 =	simm.s32 @!p2 $0x0  }
0x16: {  	s3 =	sld [smem:$0x3FDB];
	s0 =	simm.s32 @p2 $0x1  }
0x17: {  	s4 =	simm.s32 $0x1BF5;
	[smem:$0x3FA9] =	sst s0  }
0x18: {  	s0 =	sld [smem:$0x3F8C];
	_ =	swait.ge [sflag:s4], $0x0  }
0x19: {  	s7 =	sld [smem:$0x3F8D]  }
0x1a: {  	s8 =	sadd.s32 $0xFFFFE003, lr  }
0x1b: {  	s9 =	sadd.s32 $0xFFFFFEF7, lr;
	s5 =	simm.s32 $0xFFFFFFFF;
	p2 =	slt.u32 s8, $0xFFFFF086  }
0x1c: {  	p1 =	slt.u32 s9, $0xF7A;
	s5 =	simm.s32 @!p2 $0x0  }
0x1d: {  	s5 =	simm.s32 @p1 $0x1;
	p0 =	seq.s32 s7, s2  }
0x1e: {  	s7 =	smul.u32 @!p0 $0xF7A, s2;
	p2 =	seq.s32 @!p0 s5, $0x0  }
0x1f: {  	s9 =	smul.u32 $0xF7A, s1;
	s8 =	simm.s32 @!p0 $0x1BF5;
	p2 =	por !p2, p0  }
0x20: {  	[sflag:s8] =	ssyncset.s32 @!p0 $0xFFFFF086;
	s6 =	sadd.s32 @!p0 s3, s7;
	s7 =	simm.s32 @!p0 $0x108  }
0x21: {  	s3 =	sadd.s32 s3, s9;
	s6 =	sadd.s32 @!p0 $0x88, s6;
	s7 =	simm.s32 @p2 $0x1082  }
0x22: {  	[simem:s7], [sflag:s8] =	dma.local @!p0 [hbm:s6], $0xF7A  }
0x23: {  	s9 =	sor.u32 $0xD0000000, s2;
	s6 =	simm.s32 $0x108;
	_ =	swait.ge @!p0 [sflag:s8], $0x0  }
0x24: {  	s3 =	sadd.s32 $0x88, s3;
	s6 =	simm.s32 @!p1 $0x1082;
	[sflag:s4] =	ssyncset.s32 $0xFFFFF086  }
0x25: {  	[simem:s6], [sflag:s4] =	dma.local [hbm:s3], $0xF7A  }
0x26: {  	[smem:$0x3F8D] =	sst s1;
	(tag) =	ssettag s2;
	_ =	strace s9  }
0x27: {  	s1 =	sld [smem:$0x3F9D]  }
0x28: {  	s2 =	sld [smem:$0x3F9E]  }
0x29: {  	s4 =	sld [smem:$0x3FA0]  }
0x2a: {  	p0 =	seq.s32 s5, $0x0;
	s5 =	sld [smem:$0x3FA1]  }
0x2b: {  	s6 =	sld [smem:$0x3FA2]  }
0x2c: {  	s7 =	sld [smem:$0x3FA3]  }
0x2d: {  	s3 =	simm.s32 $0x108;
	s8 =	sld [smem:$0x3FA4]  }
0x2e: {  	s3 =	simm.s32 @!p0 $0x1082;
	s9 =	sld [smem:$0x3FA5]  }
0x2f: {  	lr =	sadd.s32 s0, s3;
	s0 =	sld [smem:$0x3F9C]  }
0x30: {  	s3 =	sld [smem:$0x3F9F]  }
0x31: {  	[smem:$0x3FA8] =	sst s10  }
0x32: {  	s10 =	sld [smem:$0x3FA6];
	_ =	sdelay $0x3  }
0x33: {  	p0 =	seq.s32 s10, $0x1;
	s10 =	sld [smem:$0x3FA8];
	_ =	sdelay $0x3  }
0x34: {  	[smem:$0x3FA8] =	sst s10  }
0x35: {  	s10 =	sld [smem:$0x3FA7];
	_ =	sdelay $0x3  }
0x36: {  	p1 =	seq.s32 s10, $0x1;
	s10 =	sld [smem:$0x3FA8];
	_ =	sdelay $0x3  }
0x37: {  	[smem:$0x3FA8] =	sst s10  }
0x38: {  	s10 =	sld [smem:$0x3FA9]  }
0x39: {  	_ = 	snop;
	(pc) =	sbr.ind lr, $3  }
0x3a: {  	_ = 	snop  }
0x3b: {  	_ = 	snop  }
0x3c: {  	p2 =	seq.s32 s10, $0x1;
	s10 =	sld [smem:$0x3FA8]  }
0x3d: {  	_ =	shalt  }
0x3e: {  	_ =	shalt  }
0x3f: {  	_ =	shalt  }
0x40: {  	_ =	shalt  }
0x41: {  	_ =	shalt  }
0x42: {  	_ =	shalt  }
0x43: {  	_ =	shalt  }
0x44: {  	_ =	shalt  }
0x45: {  	_ =	shalt  }
0x46: {  	_ =	shalt  }
0x47: {  	_ =	shalt  }
0x48: {  	_ =	shalt  }
0x49: {  	_ =	shalt  }
0x4a: {  	_ =	shalt  }
0x4b: {  	_ =	shalt  }
0x4c: {  	_ =	shalt  }
0x4d: {  	_ =	shalt  }
0x4e: {  	_ =	shalt  }
0x4f: {  	_ =	shalt  }
0x50: {  	_ =	shalt  }
0x51: {  	_ =	shalt  }
0x52: {  	_ =	shalt  }
0x53: {  	_ =	shalt  }
0x54: {  	_ =	shalt  }
0x55: {  	_ =	shalt  }
0x56: {  	_ =	shalt  }
0x57: {  	_ =	shalt  }
0x58: {  	_ =	shalt  }
0x59: {  	_ =	shalt  }
0x5a: {  	_ =	shalt  }
0x5b: {  	_ =	shalt  }
0x5c: {  	_ =	shalt  }
0x5d: {  	_ =	shalt  }
0x5e: {  	_ =	shalt  }
0x5f: {  	_ =	shalt  }
0x60: {  	_ =	shalt  }
0x61: {  	_ =	shalt  }
0x62: {  	_ =	shalt  }
0x63: {  	_ =	shalt  }
0x64: {  	_ =	shalt  }
0x65: {  	_ =	shalt  }
0x66: {  	_ =	shalt  }
0x67: {  	_ =	shalt  }
0x68: {  	_ =	shalt  }
0x69: {  	_ =	shalt  }
0x6a: {  	_ =	shalt  }
0x6b: {  	_ =	shalt  }
0x6c: {  	_ =	shalt  }
0x6d: {  	_ =	shalt  }
0x6e: {  	_ =	shalt  }
0x6f: {  	_ =	shalt  }
0x70: {  	_ =	shalt  }
0x71: {  	_ =	shalt  }
0x72: {  	_ =	shalt  }
0x73: {  	_ =	shalt  }
0x74: {  	_ =	shalt  }
0x75: {  	_ =	shalt  }
0x76: {  	_ =	shalt  }
0x77: {  	_ =	shalt  }
0x78: {  	_ =	shalt  }
0x79: {  	_ =	shalt  }
0x7a: {  	_ =	shalt  }
0x7b: {  	_ =	shalt  }
0x7c: {  	_ =	shalt  }
0x7d: {  	_ =	shalt  }
0x7e: {  	_ =	shalt  }
0x7f: {  	_ =	shalt  }
0x80: {  	_ =	shalt  }
0x81: {  	_ =	shalt  }
0x82: {  	_ =	shalt  }
0x83: {  	_ =	shalt  }
0x84: {  	_ =	shalt  }
0x85: {  	_ =	shalt  }
0x86: {  	_ =	shalt  }
0x87: {  	_ =	shalt  }
.Lfunc_end0:
.L_simem_size_0:
called_computation_lowered:
.L_overlay_start_0:
0x88: {  	s2 =	sld [smem:$0x3FD9]  }
0x89: {  	s3 =	sld [smem:$0x3FFE];
	_ =	sdelay $0x1  }
0x8a: {  	s1 =	srdreg.scid  }
0x8b: {  	s0 =	sand.u32 $0x1, s1  }
0x8c: {  	s17 =	sshll.u32 s0, $0xA;
	s2 =	sadd.s32 s3, s2  }
0x8d: {  	s2 =	sadd.s32 s2, s17  }
0x8e: {  	[smem:$0x3FB4] =	sst s2  }
0x8f: {  	_ = 	snop  }
0x90: {  	s2 =	sld [smem:$0x3FC4]  }
0x91: {  	s18 =	sld [smem:$0x3FC3]  }
0x92: {  	s4 =	sld [smem:$0x3FD0];
	(tm) =	ssettm $0x1  }
0x93: {  	s5 =	sld [smem:$0x3FFB];
	_ =	sdelay $0x3  }
0x94: {  	_ =	strace s5  }
0x95: {  	s5 =	sld [smem:$0x3FFC];
	_ =	sdelay $0x3  }
0x96: {  	_ =	strace s5  }
0x97: {  	s5 =	sld [smem:$0x3FFD];
	_ =	sdelay $0x3  }
0x98: {  	_ =	strace s5  }
0x99: {  	_ =	strace $0x8FFFFFFF  }
0x9a: {  	s19 =	sld [smem:$0x3FDB];
	_ =	sdelay $0x1  }
0x9b: {  	s6 =	simm.s32 $_scs_section_size  }
0x9c: {  	s7 =	simm.s32 $_size__tile_overlayer_lowered;
	s8 =	simm.s32 $_tile_overlayer_lowered  }
0x9d: {  	s22 =	simm.s32 $0x1BFF;
	s21 =	sshll.u32 s8, $0x1;
	s5 =	sadd.s32 s6, s19  }
0x9e: {  	s9 =	simm.s32 $0x0;
	s20 =	sshll.u32 s7, $0x1;
	s7 =	sadd.s32 s21, s5  }
0x9f: {  	[timem:s9], [sflag:s22] =	dma.local [hbm:s7], s20  }
0xa0: {  	_ =	swait.ge [sflag:s22], s20  }
0xa1: {  	s6 =	ssub.s32 $0x0, s20;
	[sflag:s22] =	ssyncset.done $0x0  }
0xa2: {  	[sflag:s22] =	ssyncadd.s32 s6;
	_ =	sdelay $0x1  }
0xa3: {  	s23 =	simm.s32 $0x1B8B  }
0xa4: {  	_ =	swait.ge [sflag:s23], $0x1  }
0xa5: {  	[sflag:s23] =	ssyncset.done $0x0  }
0xa6: {  	s25 =	simm.s32 $0x1B8E;
	s24 =	sld [smem:$0x3FFE];
	[sflag:s23] =	ssyncadd.s32 $0xFFFFFFFF  }
0xa7: {  	s26 =	simm.s32 $execute0_lowered;
	[smem:$0x3FD2] =	sst s25  }
0xa8: {  	s7 =	sshll.u32 s26, $0x1;
	_ =	strace $0x80000046;
	[dreg:$0x1] =	wrdreg $0xFFFFFFFF  }
0xa9: {  	s28 =	simm.s32 $_size_execute0_lowered;
	s5 =	sadd.s32 s5, s7;
	[dreg:$0x0] =	wrdreg $0x0  }
0xaa: {  	s7 =	sshll.u32 s28, $0x1;
	[dreg:$0x2] =	wrdreg s5  }
0xab: {  	[dreg:$0x3] =	wrdreg s7  }
0xac: {  	[dreg:$0x4] =	wrdreg $0xC0  }
0xad: {  	_ =	task [dreg:s9], $0x5FFFF  }
0xae: {  	[dreg:$0x1] =	wrdreg $0xFFFFFFFF  }
0xaf: {  	[dreg:$0x0] =	wrdreg $0x60  }
0xb0: {  	[dreg:$0x2] =	wrdreg s2  }
0xb1: {  	[dreg:$0x3] =	wrdreg s18  }
0xb2: {  	[dreg:$0x4] =	wrdreg s24  }
0xb3: {  	[dreg:$0x5] =	wrdreg s4  }
0xb4: {  	[dreg:$0x6] =	wrdreg $0x9  }
0xb5: {  	_ =	task.clear_ibuf [dreg:s9], $0x7FFFF;
	_ =	strace $0x90000046  }
0xb6: {  	s29 =	simm.s32 $0x9;
	_ =	strace $0x80000048  }
0xb7: {  	_ =	swait.ge [sflag:s29], $0x1  }
0xb8: {  	[sflag:s29] =	ssyncadd.s32 $0xFFFFFFFF  }
0xb9: {  	_ =	strace $0x90000048  }
0xba: {  	_ =	sfence  }
0xbb: {  	s30 =	sld [smem:$0x0];
	_ =	sdelay $0x2  }
0xbc: {  	s31 =	sshll.u32 s1, $0xD;
	s1 =	sshrl.u32 s1, $0x2  }
0xbd: {  	s3 =	sand.u32 $0x4000, s31;
	s1 =	sadd.s32 s1, s30  }
0xbe: {  	s0 =	sor.u32 s3, s0;
	s1 =	sshll.u32 s1, $0x11  }
0xbf: {  	s0 =	sor.u32 s1, s0  }
0xc0: {  	s0 =	sadd.s32 $0x8F2B, s0  }
0xc1: {  	[sflag:s0] =	ssyncadd.remote.s32 $0x1  }
0xc2: {  	_ =	sfence.sel $0xFFFF  }
0xc3: {  	[dreg:$0x0] =	wrdreg $0xFFFFFFFF;
	(pc) =	sbr.abs _section_cstart, $3  }
0xc4: {  	[dreg:$0x1] =	wrdreg $0xFFFFFFFF  }
0xc5: {  	_ =	task.clear_ibuf [dreg:s9], $0x2FFFF;
	_ =	strace $0x9FFFFFFF  }
0xc6: {  	(tm) =	ssettm $0x7FFFFFFF  }
0xc7: {  	_ =	shalt  }
tec
execute0_lowered:
.L_overlay_start_1:
0x0: {  	(tag) =	ssettag $0x1  }
0x1: {  	s1 =	rddreg [dreg:$0x0]  }
0x2: {  	s3 =	rddreg [dreg:$0x1]  }
0x3: {  	s21 =	rddreg [dreg:$0x2]  }
0x4: {  	s23 =	rddreg [dreg:$0x3]  }
0x5: {  	s4 =	srdreg.scid;
	s2 =	stileid.u32  }
0x6: {  	s7 =	simm.s32 $0x60;
	s5 =	sshrl.u32 s2, $0x1;
	s22 =	sand.u32 $0x1, s4  }
0x7: {  	s6 =	sand.u32 $0x1, s2;
	p0 =	seq.s32 s22, $0x1;
	s5 =	smul.u32 $0x190, s5  }
0x8: {  	s0 =	rddreg [dreg:$0x4];
	s6 =	ssub.s32 $0x0, s6;
	s7 =	simm.s32 @!p0 $0x0  }
0x9: {  	s4 =	simm.s32 $0x0;
	s6 =	sand.u32 $0xC8, s6;
	s5 =	sadd.s32 s7, s5  }
0xa: {  	s26 =	smul.u32 $0x70, s2;
	[smem:$0x7FF] =	sst s4;
	s20 =	sadd.s32 s6, s5  }
0xb: {  	_ =	strace $0x80000047;
	s5 =	simm.s32 $0x38;
	s28 =	sshrl.u32 s20, $0x3  }
0xc: {  	s5 =	simm.s32 @!p0 $0x0;
	p0 =	sgt.u32 s2, $0x7;
	s7 =	sadd.s32 s28, s21  }
0xd: {  	s24 =	sadd.s32 s5, s26;
	s6 =	simm.s32 @p0 $0x1;
	s5 =	sadd.s32 $0x2E00, s7  }
0xe: {  	[tilespmem:s4], [sflag:$0x1] =	stream.linear.gather [hbm4b:s5+s4], $0x68, $0x38;
	[tilespmem:$0x5100] =	vst v63  }
0xf: {  	s9 =	simm.s32 @p0 $0x68;
	s10 =	simm.s32 @p0 $0x0;
	_ =	swait.ge @p0 [sflag:s6], $0x68  }
0x10: {  	s11 =	simm.s32 @!p0 $0x0;
	s8 =	sshrl.u32 s24, $0x3;
	[sflag:s6] =	ssyncset.done @p0 $0x0  }
0x11: {  	s29 =	sadd.s32 s8, s21;
	s8 =	simm.s32 @p0 $0x80;
	[sflag:s6] =	ssyncadd.s32 @p0 $0xFFFFFF98  }
0x12: {  	[tilespmem:s8], [sflag:$0x3] =	stream.indirect.gather @p0 [hbm4b:s1+s9], $0x80, s10, s9, $0xb8;
	[tilespmem:$0x5100] =	vst v63  }
0x13: {  	s12 =	simm.s32 @!p0 $0x3480;
	s13 =	simm.s32 @!p0 $0x2;
	s7 =	sadd.s32 $0x2C00, s29  }
0x14: {  	[tilespmem:s12], [sflag:$0x2] =	stream.linear.gather @!p0 [hbm4b:s7+s11], $0x38, $0x38;
	[tilespmem:$0x5100] =	vst v63  }
0x15: {  	_ =	swait.ge @!p0 [sflag:s13], $0x38  }
0x16: {  	[sflag:s13] =	ssyncset.done @!p0 $0x0  }
0x17: {  	s14 =	simm.s32 @!p0 $0x1;
	[sflag:s13] =	ssyncadd.s32 @!p0 $0xFFFFFFC8  }
0x18: {  	_ =	swait.ge @!p0 [sflag:s14], $0x68  }
0x19: {  	[sflag:s14] =	ssyncset.done @!p0 $0x0  }
0x1a: {  	s15 =	simm.s32 @!p0 $0x68;
	s16 =	simm.s32 @!p0 $0x80;
	[sflag:s14] =	ssyncadd.s32 @!p0 $0xFFFFFF98  }
0x1b: {  	[tilespmem:s16], [sflag:$0x3] =	stream.indirect.gather @!p0 [hbm4b:s1+s15], $0x80, s11, s15, $0xb8;
	[tilespmem:$0x5100] =	vst v63  }
0x1c: {  	s17 =	simm.s32 @!p0 $0x38;
	s18 =	simm.s32 @!p0 $0x3500;
	s19 =	simm.s32 @!p0 $0x4  }
0x1d: {  	[tilespmem:s18], [sflag:$0x4] =	stream.indirect.gather @!p0 [hbm4b:s3+s17], $0x80, s12, s17, $0xb8;
	[tilespmem:$0x5100] =	vst v63  }
0x1e: {  	s30 =	ssub.s32 $0x2, s22;
	s22 =	simm.s32 $0x80;
	_ =	swait.ge @!p0 [sflag:s19], $0x1C00  }
0x1f: {  	s31 =	sshrl.u32 s30, $0x1;
	s25 =	sshll.u32 s20, $0x4;
	[sflag:s19] =	ssyncset.done @!p0 $0x0  }
0x20: {  	s20 =	simm.s32 $0x3;
	s24 =	sshll.u32 s24, $0x4;
	[sflag:s19] =	ssyncadd.s32 @!p0 $0xFFFFE400  }
0x21: {  	s23 =	sadd.s32 s23, s24;
	s24 =	ssub.s32 s30, s31;
	_ =	swait.ge [sflag:s20], $0x3400  }
0x22: {  	s21 =	sadd.s32 s25, s21;
	s25 =	smax.u32 s24, $0x1;
	[sflag:s20] =	ssyncset.done $0x0  }
0x23: {  	s21 =	sadd.s32 $0x3000, s21;
	s25 =	sadd.s32 $0xFFFFFFFF, s25;
	[sflag:s20] =	ssyncadd.s32 $0xFFFFCC00  }
0x24: {  	[hbm4b:s21+s4] =	stream.linear.scatter [tilespmem:s22], [sflag:$0x1], $0x3400, $0x38;
	[tilespmem:$0x5100] =	vst v63  }
0x25: {  	p1 =	sne.s32 s25, $0x0  }
0x26: {  	[hbm4b:s23+s11] =	stream.linear.scatter @!p0 [tilespmem:s18], [sflag:$0x2], $0x1C00, $0x38;
	[tilespmem:$0x5100] =	vst v63  }
.Ltmp0:
0x27: {  	_ =	swait.ge @!p0 [sflag:s13], $0x1C00;
	(pc) =	sbr.rel @!p1 .LBB2_2-.Ltmp0, $4  }
0x28: {  	[sflag:s13] =	ssyncset.done @!p0 $0x0  }
0x29: {  	s24 =	simm.s32 $0x1;
	[sflag:s13] =	ssyncadd.s32 @!p0 $0xFFFFE400  }
0x2a: {  	_ =	swait.ge [sflag:s24], $0x3400  }
0x2b: {  	[sflag:s24] =	ssyncset.done $0x0  }
.LBB2_1:
0x2c: {  	s25 =	sadd.s32 $0xFFFFFFFF, s25;
	[sflag:s24] =	ssyncadd.s32 $0xFFFFCC00  }
0x2d: {  	[tilespmem:s4], [sflag:$0x1] =	stream.linear.gather [hbm4b:s5+s4], $0x68, $0x38;
	[tilespmem:$0x5100] =	vst v63  }
0x2e: {  	p1 =	sne.s32 s25, $0x0;
	_ =	swait.ge @p0 [sflag:s6], $0x68  }
0x2f: {  	[sflag:s6] =	ssyncset.done @p0 $0x0  }
0x30: {  	[sflag:s6] =	ssyncadd.s32 @p0 $0xFFFFFF98  }
0x31: {  	[tilespmem:s8], [sflag:$0x3] =	stream.indirect.gather @p0 [hbm4b:s1+s9], $0x80, s10, s9, $0xb8;
	[tilespmem:$0x5100] =	vst v63  }
0x32: {  	_ = 	snop  }
0x33: {  	[tilespmem:s12], [sflag:$0x2] =	stream.linear.gather @!p0 [hbm4b:s7+s11], $0x38, $0x38;
	[tilespmem:$0x5100] =	vst v63  }
0x34: {  	_ =	swait.ge @!p0 [sflag:s13], $0x38  }
0x35: {  	[sflag:s13] =	ssyncset.done @!p0 $0x0  }
0x36: {  	[sflag:s13] =	ssyncadd.s32 @!p0 $0xFFFFFFC8  }
0x37: {  	_ =	swait.ge @!p0 [sflag:s14], $0x68  }
0x38: {  	[sflag:s14] =	ssyncset.done @!p0 $0x0  }
0x39: {  	[sflag:s14] =	ssyncadd.s32 @!p0 $0xFFFFFF98  }
0x3a: {  	[tilespmem:s16], [sflag:$0x3] =	stream.indirect.gather @!p0 [hbm4b:s1+s15], $0x80, s11, s15, $0xb8;
	[tilespmem:$0x5100] =	vst v63  }
0x3b: {  	_ = 	snop  }
0x3c: {  	[tilespmem:s18], [sflag:$0x4] =	stream.indirect.gather @!p0 [hbm4b:s3+s17], $0x80, s12, s17, $0xb8;
	[tilespmem:$0x5100] =	vst v63  }
0x3d: {  	_ =	swait.ge @!p0 [sflag:s19], $0x1C00  }
0x3e: {  	[sflag:s19] =	ssyncset.done @!p0 $0x0  }
0x3f: {  	[sflag:s19] =	ssyncadd.s32 @!p0 $0xFFFFE400  }
0x40: {  	_ =	swait.ge [sflag:s20], $0x3400  }
0x41: {  	[sflag:s20] =	ssyncset.done $0x0  }
0x42: {  	[sflag:s20] =	ssyncadd.s32 $0xFFFFCC00  }
0x43: {  	[hbm4b:s21+s4] =	stream.linear.scatter [tilespmem:s22], [sflag:$0x1], $0x3400, $0x38;
	[tilespmem:$0x5100] =	vst v63  }
0x44: {  	_ = 	snop  }
0x45: {  	[hbm4b:s23+s11] =	stream.linear.scatter @!p0 [tilespmem:s18], [sflag:$0x2], $0x1C00, $0x38;
	[tilespmem:$0x5100] =	vst v63  }
.Ltmp1:
0x46: {  	_ =	swait.ge @!p0 [sflag:s13], $0x1C00;
	(pc) =	sbr.rel @p1 .LBB2_1-.Ltmp1, $4  }
0x47: {  	[sflag:s13] =	ssyncset.done @!p0 $0x0  }
0x48: {  	[sflag:s13] =	ssyncadd.s32 @!p0 $0xFFFFE400  }
0x49: {  	_ =	swait.ge [sflag:s24], $0x3400  }
0x4a: {  	[sflag:s24] =	ssyncset.done $0x0  }
.LBB2_2:
0x4b: {  	[sflag:s24] =	ssyncadd.s32 $0xFFFFCC00  }
0x4c: {  	_ =	sfence.sel $0x180000  }
0x4d: {  	[bflag:$0x0] =	sbarrier.arrive $0xFFFF  }
0x4e: {  	p0 =	sne.s32 s2, $0x0;
	_ =	strace $0x90000047  }
0x4f: {  	s0 =	sadd.s32 @!p0 $0x100000, s0;
	[bflag:$0x2] =	sbarrier.arrive $0xFFFF  }
0x50: {  	[sflag:s0] =	ssyncadd.tile.s32 @!p0 $0x1;
	_ =	shalt  }
.Lfunc_end2:
_tile_overlayer_lowered:
.L_overlay_start_2:
0x51: {  	(tag) =	ssettag $0x2  }
0x52: {  	s0 =	rddreg [dreg:$0x0];
	s2 =	stileid.u32  }
0x53: {  	s1 =	rddreg [dreg:$0x1];
	p0 =	sne.s32 s2, $0x0  }
0x54: {  	s3 =	rddreg [dreg:$0x2];
	[bflag:$0x3] =	sbarrier.arrive $0xFFFF;
	s2 =	simm.s32 @!p0 $0x1C05  }
0x55: {  	[timem:s3], [sflag:s2] =	dma.local @!p0 [hbm:s0], s1  }
0x56: {  	s0 =	simm.s32 @!p0 $0x5  }
0x57: {  	_ =	swait.ge @!p0 [sflag:s0], s1  }
0x58: {  	s1 =	ssub.s32 @!p0 $0x0, s1;
	[sflag:s0] =	ssyncset.done @!p0 $0x0  }
0x59: {  	[sflag:s0] =	ssyncadd.s32 @!p0 s1  }
0x5a: {  	[bflag:$0x3] =	sbarrier.arrive $0xFFFF  }
0x5b: {  	_ =	shalt  }

</sc_bundles>
